<compile_context>
chip_gen: v7x
topology: tpu7x:2x2x1
jax: 0.10.2.dev20260603
libtpu: 0.0.44.dev20260713+nightly
codegen_flags: <defaults>
</compile_context>

<pallas_src>
import functools

import jax
import jax.numpy as jnp
from jax import lax
from jax.experimental import pallas as pl
from jax.experimental.pallas import tpu as pltpu
from jax.experimental.pallas import tpu_sc as plsc

_NC = 2
_NS = 16
_NW = _NC * _NS
_CHUNK = 128
_NBUF = 5
_LOOKAHEAD = 3


@functools.lru_cache(maxsize=None)
def _make_xt(batch, t_steps):

    rows = (t_steps + 7) // 8 * 8

    def tr_kernel(x_ref, o_ref):
        o_ref[0:t_steps, :] = x_ref[...].T

    return pl.pallas_call(
        tr_kernel,
        in_specs=[pl.BlockSpec((batch, t_steps), lambda: (0, 0))],
        out_specs=pl.BlockSpec((rows, batch), lambda: (0, 0)),
        out_shape=jax.ShapeDtypeStruct((rows, batch), jnp.int32),
    )


@functools.lru_cache(maxsize=None)
def _make_sc_gather(vocab, emb, t0, t_chunk, t_steps, batch):
    assert batch == _NW * _CHUNK
    assert t_chunk % _NBUF == 0 and t_chunk % 2 == 0
    n_groups = t_chunk // _NBUF
    mesh = plsc.VectorSubcoreMesh(core_axis_name="c", subcore_axis_name="s")

    @functools.partial(
        pl.kernel,
        mesh=mesh,
        out_type=jax.ShapeDtypeStruct((t_chunk // 2, batch, 2 * emb), jnp.float32),
        scratch_types=[
            pltpu.VMEM((t_chunk, _CHUNK), jnp.int32),
            pltpu.VMEM((_NBUF, _CHUNK, emb), jnp.float32),
        ]
        + [pltpu.SemaphoreType.DMA] * (2 * _NBUF),
        compiler_params=pltpu.CompilerParams(
            use_tc_tiling_on_sc=False, needs_layout_passes=False
        ),
    )
    def gather_kernel(table_hbm, xt_hbm, out_hbm, idx_v, bufs, *sems):
        sem_g = sems[:_NBUF]
        sem_c = sems[_NBUF:]
        wid = lax.axis_index("s") * _NC + lax.axis_index("c")
        b0 = wid * _CHUNK

        pltpu.sync_copy(
            xt_hbm.at[pl.ds(t0, t_chunk), pl.ds(b0, _CHUNK)], idx_v
        )

        def out_slice(t):
            return out_hbm.at[t // 2, pl.ds(b0, _CHUNK), pl.ds((t % 2) * emb, emb)]

        def gather_issue(t, b):
            pltpu.async_copy(table_hbm.at[idx_v.at[t]], bufs.at[b], sem_g[b])

        def gather_wait(t, b):
            pltpu.make_async_copy(
                table_hbm.at[idx_v.at[t]], bufs.at[b], sem_g[b]
            ).wait()

        def copyout_issue(t, b):
            pltpu.async_copy(bufs.at[b], out_slice(t), sem_c[b])

        def copyout_wait(t, b):
            pltpu.make_async_copy(bufs.at[b], out_slice(t), sem_c[b]).wait()

        for b in range(_LOOKAHEAD):
            gather_issue(b, b)

        def group(g, carry):
            for b in range(_NBUF):
                t = g * _NBUF + b
                gather_wait(t, b)
                copyout_issue(t, b)
                k = t + _LOOKAHEAD
                nb = (b + _LOOKAHEAD) % _NBUF

                @pl.when(k < t_chunk)
                def _():
                    @pl.when(k >= _NBUF)
                    def _():
                        copyout_wait(k - _NBUF, nb)

                    gather_issue(k, nb)

            return carry

        lax.fori_loop(0, n_groups, group, 0)

        for b in range(_NBUF):
            copyout_wait(t_chunk - _NBUF + b, b)

    return gather_kernel


def _rnn_steps(emb_ref, wih_ref, whh_ref, b_ref, h, emb):
    x2 = emb_ref[0].astype(jnp.bfloat16)
    z_e = jax.lax.dot_general(
        x2[:, 0:emb], wih_ref[...], (((1,), (0,)), ((), ())),
        preferred_element_type=jnp.float32,
    )
    z_o = jax.lax.dot_general(
        x2[:, emb : 2 * emb], wih_ref[...], (((1,), (0,)), ((), ())),
        preferred_element_type=jnp.float32,
    )
    h = jnp.tanh(
        z_e
        + jnp.dot(h, whh_ref[...], preferred_element_type=jnp.float32)
        + b_ref[...]
    )
    h = jnp.tanh(
        z_o
        + jnp.dot(h, whh_ref[...], preferred_element_type=jnp.float32)
        + b_ref[...]
    )
    return h


def _rnn_in_specs(batch, emb, hid, with_h):
    specs = [pl.BlockSpec((1, batch, 2 * emb), lambda u: (u, 0, 0))]
    if with_h:
        specs.append(pl.BlockSpec((batch, hid), lambda u: (0, 0)))
    return specs + [
        pl.BlockSpec((emb, hid), lambda u: (0, 0)),
        pl.BlockSpec((hid, hid), lambda u: (0, 0)),
        pl.BlockSpec((1, hid), lambda u: (0, 0)),
    ]


@functools.lru_cache(maxsize=None)
def _make_rnn_chunk(t_chunk, batch, emb, hid, first):

    def body(emb_ref, hin_ref, wih_ref, whh_ref, b_ref, hout_ref):
        u = pl.program_id(0)

        @pl.when(u == 0)
        def _():
            hout_ref[...] = (
                jnp.zeros_like(hout_ref) if hin_ref is None else hin_ref[...]
            )

        hout_ref[...] = _rnn_steps(
            emb_ref, wih_ref, whh_ref, b_ref, hout_ref[...], emb
        )

    if first:
        def rnn_kernel(emb_ref, wih_ref, whh_ref, b_ref, hout_ref):
            body(emb_ref, None, wih_ref, whh_ref, b_ref, hout_ref)
    else:
        rnn_kernel = body

    return pl.pallas_call(
        rnn_kernel,
        grid=(t_chunk // 2,),
        in_specs=_rnn_in_specs(batch, emb, hid, with_h=not first),
        out_specs=pl.BlockSpec((batch, hid), lambda u: (0, 0)),
        out_shape=jax.ShapeDtypeStruct((batch, hid), jnp.float32),
        compiler_params=pltpu.CompilerParams(
            dimension_semantics=("arbitrary",),
        ),
    )


@functools.lru_cache(maxsize=None)
def _make_rnn_final(t_chunk, batch, emb, hid, out_dim):
    n_pairs = t_chunk // 2

    def rnn_kernel(emb_ref, hin_ref, wih_ref, whh_ref, b_ref,
                   wfc_ref, bfc_ref, out_ref, h_ref):
        u = pl.program_id(0)

        @pl.when(u == 0)
        def _():
            h_ref[...] = hin_ref[...]

        h = _rnn_steps(emb_ref, wih_ref, whh_ref, b_ref, h_ref[...], emb)
        h_ref[...] = h

        @pl.when(u == n_pairs - 1)
        def _():
            out_ref[...] = (
                jnp.dot(h, wfc_ref[...], preferred_element_type=jnp.float32)
                + bfc_ref[...]
            )

    return pl.pallas_call(
        rnn_kernel,
        grid=(n_pairs,),
        in_specs=_rnn_in_specs(batch, emb, hid, with_h=True)
        + [
            pl.BlockSpec((hid, out_dim), lambda u: (0, 0)),
            pl.BlockSpec((1, out_dim), lambda u: (0, 0)),
        ],
        out_specs=pl.BlockSpec((batch, out_dim), lambda u: (0, 0)),
        out_shape=jax.ShapeDtypeStruct((batch, out_dim), jnp.float32),
        scratch_shapes=[pltpu.VMEM((batch, hid), jnp.float32)],
        compiler_params=pltpu.CompilerParams(
            dimension_semantics=("arbitrary",),
        ),
    )


def kernel(x, embeddings, W_ih, W_hh, b_ih, b_hh, W_fc, b_fc):
    batch, t_steps = x.shape
    vocab, emb = embeddings.shape
    hid = W_ih.shape[0]
    out_dim = W_fc.shape[0]
    first = (2 * t_steps // 5) // (2 * _NBUF) * (2 * _NBUF)
    if 0 < first < t_steps and (t_steps - first) % (2 * _NBUF) == 0:
        lens = [first, t_steps - first]
    else:
        lens = [t_steps]
    starts = [sum(lens[:i]) for i in range(len(lens))]

    xt = _make_xt(batch, t_steps)(x)

    embs = [
        _make_sc_gather(vocab, emb, t0, tc, t_steps, batch)(embeddings, xt)
        for t0, tc in zip(starts, lens)
    ]

    b2 = (b_ih + b_hh).reshape(1, hid)
    wih_bf = W_ih.T.astype(jnp.bfloat16)

    h = None
    for c in range(len(lens) - 1):
        args = (embs[c],) if h is None else (embs[c], h)
        h = _make_rnn_chunk(lens[c], batch, emb, hid, first=(h is None))(
            *args, wih_bf, W_hh.T, b2
        )
    if h is None:
        h = jnp.zeros((batch, hid), jnp.float32)
    logits = _make_rnn_final(lens[-1], batch, emb, hid, out_dim)(
        embs[-1], h, wih_bf, W_hh.T, b2, W_fc.T, b_fc.reshape(1, out_dim)
    )
    return logits

# --- scband reference (transcript-rebuilt; emitter-appended) ---
"""Pipeline reference for scband-rnn-4415226380598 (READ-ONLY COPY).

The authoritative reference and input builder live on the scoring server;
editing this copy changes nothing except your own understanding.
"""

import jax, jax.numpy as jnp
import numpy as np

VOCAB = 100000
EMB = 64
HID = 128
OUT = 32
B = 4096
T = 50


def setup_inputs(seed: int = 0) -> dict:
    key = jax.random.key(seed)
    ks = jax.random.split(key, 8)
    x = jax.random.randint(ks[0], (B, T), 0, VOCAB, dtype=jnp.int32)
    embeddings = jax.random.normal(ks[1], (VOCAB, EMB), dtype=jnp.float32) * 0.02
    k_ih = 1.0 / np.sqrt(HID)
    W_ih = jax.random.uniform(ks[2], (HID, EMB), minval=-k_ih, maxval=k_ih, dtype=jnp.float32)
    W_hh = jax.random.uniform(ks[3], (HID, HID), minval=-k_ih, maxval=k_ih, dtype=jnp.float32)
    b_ih = jax.random.uniform(ks[4], (HID,), minval=-k_ih, maxval=k_ih, dtype=jnp.float32)
    b_hh = jax.random.uniform(ks[5], (HID,), minval=-k_ih, maxval=k_ih, dtype=jnp.float32)
    k_fc = 1.0 / np.sqrt(HID)
    W_fc = jax.random.uniform(ks[6], (OUT, HID), minval=-k_fc, maxval=k_fc, dtype=jnp.float32)
    b_fc = jax.random.uniform(ks[7], (OUT,), minval=-k_fc, maxval=k_fc, dtype=jnp.float32)
    return {"x": x, "embeddings": embeddings, "W_ih": W_ih, "W_hh": W_hh,
            "b_ih": b_ih, "b_hh": b_hh, "W_fc": W_fc, "b_fc": b_fc}


def reference(x, embeddings, W_ih, W_hh, b_ih, b_hh, W_fc, b_fc):
    # emb = self.emb(x)  -- embedding gather
    emb = jnp.take(embeddings, x, axis=0)  # (B, T, EMB)
    # hidden = zeros(1, B, HID); out, hidden = self.rnn(emb, hidden)
    h0 = jnp.zeros((emb.shape[0], HID), dtype=jnp.float32)

    def step(h, x_t):
        h_new = jnp.tanh(x_t @ W_ih.T + b_ih + h @ W_hh.T + b_hh)
        return h_new, h_new

    xs = jnp.swapaxes(emb, 0, 1)  # (T, B, EMB)
    h_last, outs = jax.lax.scan(step, h0, xs)
    # out = self.fc(out[:, -1, :])
    last = outs[-1]  # (B, HID), equals h_last
    logits = last @ W_fc.T + b_fc
    return logits

if __name__ == "__main__":
    import jax
    _d = setup_inputs()
    print(jax.jit(kernel)(*tuple(_d.values())))

</pallas_src>

<mosaic_0001>
#map = affine_map<(d0, d1) -> (0, 0)>
#map1 = affine_map<(d0, d1) -> (0, 0, 0)>
module attributes {stable_mosaic.version = 14 : i64} {
  func.func @gather_kernel(%arg0: i32, %arg1: i32, %arg2: memref<100000x64xf32, #tpu.memory_space<hbm>>, %arg3: memref<56x4096xi32, #tpu.memory_space<hbm>>, %arg4: memref<15x4096x128xf32, #tpu.memory_space<hbm>>, %arg5: memref<30x128xi32, #tpu.memory_space<vmem>>, %arg6: memref<5x128x64xf32, #tpu.memory_space<vmem>>, %arg7: memref<!tpu.dma_semaphore, #tpu.memory_space<semaphore_mem>>, %arg8: memref<!tpu.dma_semaphore, #tpu.memory_space<semaphore_mem>>, %arg9: memref<!tpu.dma_semaphore, #tpu.memory_space<semaphore_mem>>, %arg10: memref<!tpu.dma_semaphore, #tpu.memory_space<semaphore_mem>>, %arg11: memref<!tpu.dma_semaphore, #tpu.memory_space<semaphore_mem>>, %arg12: memref<!tpu.dma_semaphore, #tpu.memory_space<semaphore_mem>>, %arg13: memref<!tpu.dma_semaphore, #tpu.memory_space<semaphore_mem>>, %arg14: memref<!tpu.dma_semaphore, #tpu.memory_space<semaphore_mem>>, %arg15: memref<!tpu.dma_semaphore, #tpu.memory_space<semaphore_mem>>, %arg16: memref<!tpu.dma_semaphore, #tpu.memory_space<semaphore_mem>>) attributes {dimension_semantics = [#tpu.dimension_semantics<core_parallel>, #tpu.dimension_semantics<subcore_parallel>], iteration_bounds = array<i64: 2, 16>, scalar_prefetch = 0 : i64, scratch_operands = 12 : i64, tpu.core_type = #tpu.core_type<sc_vector_subcore>, window_params = [{transform_indices = #map}, {transform_indices = #map}, {transform_indices = #map1}]} {
    %mul3A = arith.constant 2 : i32
    %mul3A_0 = arith.muli %arg1, %mul3A : i32
    %add3A = arith.addi %mul3A_0, %arg0 : i32
    %mul3A_1 = arith.constant 128 : i32
    %mul3A_2 = arith.muli %add3A, %mul3A_1 : i32
    "tpu.region"() ({
      %run_scoped3A = tpu.sem_alloc : memref<!tpu.dma_semaphore, #tpu.memory_space<semaphore_mem>>
      %dma_start3A_122 = arith.constant 20 : i32
      %dma_start3A_123 = tpu.memref_slice %arg3[%dma_start3A_122, %mul3A_2] : memref<56x4096xi32, #tpu.memory_space<hbm>> -> memref<30x128xi32, #tpu.memory_space<hbm>>
      %dma_start3A_124 = arith.constant 20 : i32
      %dma_start3A_125 = tpu.memref_slice %arg3[%dma_start3A_124, %mul3A_2] : memref<56x4096xi32, #tpu.memory_space<hbm>> -> memref<30x128xi32, #tpu.memory_space<hbm>>
      tpu.enqueue_dma source(%dma_start3A_125 : memref<30x128xi32, #tpu.memory_space<hbm>>) target(%arg5 : memref<30x128xi32, #tpu.memory_space<vmem>>) target_semaphore(%run_scoped3A : memref<!tpu.dma_semaphore, #tpu.memory_space<semaphore_mem>>)
      %dma_wait3A_126 = arith.constant 20 : i32
      %dma_wait3A_127 = tpu.memref_slice %arg3[%dma_wait3A_126, %mul3A_2] : memref<56x4096xi32, #tpu.memory_space<hbm>> -> memref<30x128xi32, #tpu.memory_space<hbm>>
      %dma_wait3A_128 = arith.constant 20 : i32
      %dma_wait3A_129 = tpu.memref_slice %arg3[%dma_wait3A_128, %mul3A_2] : memref<56x4096xi32, #tpu.memory_space<hbm>> -> memref<30x128xi32, #tpu.memory_space<hbm>>
      tpu.wait_dma2 semaphore(%run_scoped3A : memref<!tpu.dma_semaphore, #tpu.memory_space<semaphore_mem>>) src(%dma_wait3A_129 : memref<30x128xi32, #tpu.memory_space<hbm>>) dst(%arg5 : memref<30x128xi32, #tpu.memory_space<vmem>>)
      tpu.yield
    }) : () -> ()
    %dma_start3A = arith.constant 0 : i32
    %dma_start3A_3 = arith.constant 0 : i32
    %dma_start3A_4 = arith.constant 0 : i32
    %dma_start3A_5 = arith.constant 0 : i32
    %dma_start3A_6 = tpu.memref_slice %arg6[%dma_start3A_3, %dma_start3A_4, %dma_start3A_5] : memref<5x128x64xf32, #tpu.memory_space<vmem>> -> memref<1x128x64xf32, #tpu.memory_space<vmem>>
    %dma_start3A_7 = tpu.memref_squeeze %dma_start3A_6 : memref<1x128x64xf32, #tpu.memory_space<vmem>> -> memref<128x64xf32, #tpu.memory_space<vmem>>
    %dma_start3A_8 = arith.constant 0 : i32
    %dma_start3A_9 = tpu.memref_slice %arg5[%dma_start3A, %dma_start3A_8] : memref<30x128xi32, #tpu.memory_space<vmem>> -> memref<1x128xi32, #tpu.memory_space<vmem>>
    %dma_start3A_10 = tpu.memref_squeeze %dma_start3A_9 : memref<1x128xi32, #tpu.memory_space<vmem>> -> memref<128xi32, #tpu.memory_space<vmem>>
    %dma_start3A_11 = arith.constant 0 : i32
    %dma_start3A_12 = arith.constant 0 : i32
    %dma_start3A_13 = tpu.memref_slice %arg2[%dma_start3A_11, %dma_start3A_12] : memref<100000x64xf32, #tpu.memory_space<hbm>> -> memref<100000x64xf32, #tpu.memory_space<hbm>>
    tpu.enqueue_indirect_dma source(%dma_start3A_13 : memref<100000x64xf32, #tpu.memory_space<hbm>>) target(%dma_start3A_7 : memref<128x64xf32, #tpu.memory_space<vmem>>) offsets(%dma_start3A_10 : memref<128xi32, #tpu.memory_space<vmem>>) semaphore(%arg7 : memref<!tpu.dma_semaphore, #tpu.memory_space<semaphore_mem>>)
    %dma_start3A_14 = arith.constant 1 : i32
    %dma_start3A_15 = arith.constant 1 : i32
    %dma_start3A_16 = arith.constant 0 : i32
    %dma_start3A_17 = arith.constant 0 : i32
    %dma_start3A_18 = tpu.memref_slice %arg6[%dma_start3A_15, %dma_start3A_16, %dma_start3A_17] : memref<5x128x64xf32, #tpu.memory_space<vmem>> -> memref<1x128x64xf32, #tpu.memory_space<vmem>>
    %dma_start3A_19 = tpu.memref_squeeze %dma_start3A_18 : memref<1x128x64xf32, #tpu.memory_space<vmem>> -> memref<128x64xf32, #tpu.memory_space<vmem>>
    %dma_start3A_20 = arith.constant 0 : i32
    %dma_start3A_21 = tpu.memref_slice %arg5[%dma_start3A_14, %dma_start3A_20] : memref<30x128xi32, #tpu.memory_space<vmem>> -> memref<1x128xi32, #tpu.memory_space<vmem>>
    %dma_start3A_22 = tpu.memref_squeeze %dma_start3A_21 : memref<1x128xi32, #tpu.memory_space<vmem>> -> memref<128xi32, #tpu.memory_space<vmem>>
    %dma_start3A_23 = arith.constant 0 : i32
    %dma_start3A_24 = arith.constant 0 : i32
    %dma_start3A_25 = tpu.memref_slice %arg2[%dma_start3A_23, %dma_start3A_24] : memref<100000x64xf32, #tpu.memory_space<hbm>> -> memref<100000x64xf32, #tpu.memory_space<hbm>>
    tpu.enqueue_indirect_dma source(%dma_start3A_25 : memref<100000x64xf32, #tpu.memory_space<hbm>>) target(%dma_start3A_19 : memref<128x64xf32, #tpu.memory_space<vmem>>) offsets(%dma_start3A_22 : memref<128xi32, #tpu.memory_space<vmem>>) semaphore(%arg8 : memref<!tpu.dma_semaphore, #tpu.memory_space<semaphore_mem>>)
    %dma_start3A_26 = arith.constant 2 : i32
    %dma_start3A_27 = arith.constant 2 : i32
    %dma_start3A_28 = arith.constant 0 : i32
    %dma_start3A_29 = arith.constant 0 : i32
    %dma_start3A_30 = tpu.memref_slice %arg6[%dma_start3A_27, %dma_start3A_28, %dma_start3A_29] : memref<5x128x64xf32, #tpu.memory_space<vmem>> -> memref<1x128x64xf32, #tpu.memory_space<vmem>>
    %dma_start3A_31 = tpu.memref_squeeze %dma_start3A_30 : memref<1x128x64xf32, #tpu.memory_space<vmem>> -> memref<128x64xf32, #tpu.memory_space<vmem>>
    %dma_start3A_32 = arith.constant 0 : i32
    %dma_start3A_33 = tpu.memref_slice %arg5[%dma_start3A_26, %dma_start3A_32] : memref<30x128xi32, #tpu.memory_space<vmem>> -> memref<1x128xi32, #tpu.memory_space<vmem>>
    %dma_start3A_34 = tpu.memref_squeeze %dma_start3A_33 : memref<1x128xi32, #tpu.memory_space<vmem>> -> memref<128xi32, #tpu.memory_space<vmem>>
    %dma_start3A_35 = arith.constant 0 : i32
    %dma_start3A_36 = arith.constant 0 : i32
    %dma_start3A_37 = tpu.memref_slice %arg2[%dma_start3A_35, %dma_start3A_36] : memref<100000x64xf32, #tpu.memory_space<hbm>> -> memref<100000x64xf32, #tpu.memory_space<hbm>>
    tpu.enqueue_indirect_dma source(%dma_start3A_37 : memref<100000x64xf32, #tpu.memory_space<hbm>>) target(%dma_start3A_31 : memref<128x64xf32, #tpu.memory_space<vmem>>) offsets(%dma_start3A_34 : memref<128xi32, #tpu.memory_space<vmem>>) semaphore(%arg9 : memref<!tpu.dma_semaphore, #tpu.memory_space<semaphore_mem>>)
    %scan3A = arith.constant 0 : i32
    %scan3A_38 = arith.constant 0 : i32
    %scan3A_39 = arith.constant 6 : i32
    %scan3A_40 = arith.addi %scan3A_38, %scan3A_39 : i32
    %scan3A_41 = arith.constant 1 : i32
    scf.for %scan3A_122 = %scan3A_38 to %scan3A_40 step %scan3A_41  : i32 {
      %mul3A_123 = arith.constant 5 : i32
      %mul3A_124 = arith.muli %scan3A_122, %mul3A_123 : i32
      %add3A_125 = arith.constant 0 : i32
      %add3A_126 = arith.addi %mul3A_124, %add3A_125 : i32
      %dma_wait3A_127 = arith.constant 0 : i32
      %dma_wait3A_128 = arith.constant 0 : i32
      %dma_wait3A_129 = arith.constant 0 : i32
      %dma_wait3A_130 = tpu.memref_slice %arg6[%dma_wait3A_127, %dma_wait3A_128, %dma_wait3A_129] : memref<5x128x64xf32, #tpu.memory_space<vmem>> -> memref<1x128x64xf32, #tpu.memory_space<vmem>>
      %dma_wait3A_131 = tpu.memref_squeeze %dma_wait3A_130 : memref<1x128x64xf32, #tpu.memory_space<vmem>> -> memref<128x64xf32, #tpu.memory_space<vmem>>
      %dma_wait3A_132 = arith.constant 0 : i32
      %dma_wait3A_133 = tpu.memref_slice %arg5[%add3A_126, %dma_wait3A_132] : memref<30x128xi32, #tpu.memory_space<vmem>> -> memref<1x128xi32, #tpu.memory_space<vmem>>
      %dma_wait3A_134 = tpu.memref_squeeze %dma_wait3A_133 : memref<1x128xi32, #tpu.memory_space<vmem>> -> memref<128xi32, #tpu.memory_space<vmem>>
      %dma_wait3A_135 = arith.constant 0 : i32
      %dma_wait3A_136 = arith.constant 0 : i32
      %dma_wait3A_137 = tpu.memref_slice %arg2[%dma_wait3A_135, %dma_wait3A_136] : memref<100000x64xf32, #tpu.memory_space<hbm>> -> memref<100000x64xf32, #tpu.memory_space<hbm>>
      tpu.wait_indirect_dma semaphore(%arg7 : memref<!tpu.dma_semaphore, #tpu.memory_space<semaphore_mem>>) src(%dma_wait3A_137 : memref<100000x64xf32, #tpu.memory_space<hbm>>) dst(%dma_wait3A_131 : memref<128x64xf32, #tpu.memory_space<vmem>>)
      %jit3A = arith.constant 2 : i32
      %div3A = arith.divsi %add3A_126, %jit3A : i32
      %sign3A = arith.constant 0 : i32
      %sign3A_138 = arith.cmpi sgt, %add3A_126, %sign3A : i32
      %sign3A_139 = arith.extui %sign3A_138 : i1 to i32
      %sign3A_140 = arith.constant 0 : i32
      %sign3A_141 = arith.cmpi slt, %add3A_126, %sign3A_140 : i32
      %sign3A_142 = arith.extui %sign3A_141 : i1 to i32
      %sign3A_143 = arith.subi %sign3A_139, %sign3A_142 : i32
      %sign3A_144 = arith.constant 0 : i32
      %sign3A_145 = arith.cmpi sgt, %jit3A, %sign3A_144 : i32
      %sign3A_146 = arith.extui %sign3A_145 : i1 to i32
      %sign3A_147 = arith.constant 0 : i32
      %sign3A_148 = arith.cmpi slt, %jit3A, %sign3A_147 : i32
      %sign3A_149 = arith.extui %sign3A_148 : i1 to i32
      %sign3A_150 = arith.subi %sign3A_146, %sign3A_149 : i32
      %ne3A = arith.cmpi ne, %sign3A_143, %sign3A_150 : i32
      %rem3A = arith.remsi %add3A_126, %jit3A : i32
      %ne3A_151 = arith.constant 0 : i32
      %ne3A_152 = arith.cmpi ne, %rem3A, %ne3A_151 : i32
      %and3A = arith.andi %ne3A, %ne3A_152 : i1
      %sub3A = arith.constant 1 : i32
      %sub3A_153 = arith.subi %div3A, %sub3A : i32
      %select_n3A = arith.select %and3A, %sub3A_153, %div3A : i32
      %jit3A_154 = arith.constant 2 : i32
      %eq3A = arith.constant 0 : i32
      %eq3A_155 = arith.cmpi eq, %jit3A_154, %eq3A : i32
      %jit3A_156 = arith.constant 1 : i32
      %select_n3A_157 = arith.select %eq3A_155, %jit3A_156, %jit3A_154 : i32
      %rem3A_158 = arith.remsi %add3A_126, %select_n3A_157 : i32
      %ne3A_159 = arith.constant 0 : i32
      %ne3A_160 = arith.cmpi ne, %rem3A_158, %ne3A_159 : i32
      %lt3A = arith.constant 0 : i32
      %lt3A_161 = arith.cmpi slt, %rem3A_158, %lt3A : i32
      %lt3A_162 = arith.constant 0 : i32
      %lt3A_163 = arith.cmpi slt, %select_n3A_157, %lt3A_162 : i32
      %ne3A_164 = arith.xori %lt3A_161, %lt3A_163 : i1
      %and3A_165 = arith.andi %ne3A_164, %ne3A_160 : i1
      %add3A_166 = arith.addi %rem3A_158, %select_n3A_157 : i32
      %select_n3A_167 = arith.select %and3A_165, %add3A_166, %rem3A_158 : i32
      %mul3A_168 = arith.constant 64 : i32
      %mul3A_169 = arith.muli %select_n3A_167, %mul3A_168 : i32
      %dma_start3A_170 = arith.constant 0 : i32
      %dma_start3A_171 = arith.constant 0 : i32
      %dma_start3A_172 = arith.constant 0 : i32
      %dma_start3A_173 = tpu.memref_slice %arg6[%dma_start3A_170, %dma_start3A_171, %dma_start3A_172] : memref<5x128x64xf32, #tpu.memory_space<vmem>> -> memref<1x128x64xf32, #tpu.memory_space<vmem>>
      %dma_start3A_174 = tpu.memref_squeeze %dma_start3A_173 : memref<1x128x64xf32, #tpu.memory_space<vmem>> -> memref<128x64xf32, #tpu.memory_space<vmem>>
      %dma_start3A_175 = tpu.memref_slice %arg4[%select_n3A, %mul3A_2, %mul3A_169] : memref<15x4096x128xf32, #tpu.memory_space<hbm>> -> memref<1x128x64xf32, #tpu.memory_space<hbm>>
      %dma_start3A_176 = tpu.memref_squeeze %dma_start3A_175 : memref<1x128x64xf32, #tpu.memory_space<hbm>> -> memref<128x64xf32, #tpu.memory_space<hbm>>
      %dma_start3A_177 = tpu.memref_slice %arg4[%select_n3A, %mul3A_2, %mul3A_169] : memref<15x4096x128xf32, #tpu.memory_space<hbm>> -> memref<1x128x64xf32, #tpu.memory_space<hbm>>
      %dma_start3A_178 = tpu.memref_squeeze %dma_start3A_177 : memref<1x128x64xf32, #tpu.memory_space<hbm>> -> memref<128x64xf32, #tpu.memory_space<hbm>>
      %dma_start3A_179 = arith.constant 0 : i32
      %dma_start3A_180 = arith.constant 0 : i32
      %dma_start3A_181 = tpu.memref_slice %arg6[%dma_start3A_170, %dma_start3A_179, %dma_start3A_180] : memref<5x128x64xf32, #tpu.memory_space<vmem>> -> memref<1x128x64xf32, #tpu.memory_space<vmem>>
      %dma_start3A_182 = tpu.memref_squeeze %dma_start3A_181 : memref<1x128x64xf32, #tpu.memory_space<vmem>> -> memref<128x64xf32, #tpu.memory_space<vmem>>
      tpu.enqueue_dma source(%dma_start3A_182 : memref<128x64xf32, #tpu.memory_space<vmem>>) target(%dma_start3A_178 : memref<128x64xf32, #tpu.memory_space<hbm>>) target_semaphore(%arg12 : memref<!tpu.dma_semaphore, #tpu.memory_space<semaphore_mem>>)
      %add3A_183 = arith.constant 3 : i32
      %add3A_184 = arith.addi %add3A_126, %add3A_183 : i32
      %lt3A_185 = arith.constant 30 : i32
      %lt3A_186 = arith.cmpi slt, %add3A_184, %lt3A_185 : i32
      %convert_element_type3A = arith.extui %lt3A_186 : i1 to i32
      %cond3A = arith.constant 0 : i32
      %cond3A_187 = arith.cmpi ne, %convert_element_type3A, %cond3A : i32
      scf.if %cond3A_187 {
        %ge3A = arith.constant 5 : i32
        %ge3A_496 = arith.cmpi sge, %add3A_184, %ge3A : i32
        %convert_element_type3A_497 = arith.extui %ge3A_496 : i1 to i32
        %cond3A_498 = arith.constant 0 : i32
        %cond3A_499 = arith.cmpi ne, %convert_element_type3A_497, %cond3A_498 : i32
        scf.if %cond3A_499 {
          %sub3A_511 = arith.constant 5 : i32
          %sub3A_512 = arith.subi %add3A_184, %sub3A_511 : i32
          %jit3A_513 = arith.constant 2 : i32
          %div3A_514 = arith.divsi %sub3A_512, %jit3A_513 : i32
          %sign3A_515 = arith.constant 0 : i32
          %sign3A_516 = arith.cmpi sgt, %sub3A_512, %sign3A_515 : i32
          %sign3A_517 = arith.extui %sign3A_516 : i1 to i32
          %sign3A_518 = arith.constant 0 : i32
          %sign3A_519 = arith.cmpi slt, %sub3A_512, %sign3A_518 : i32
          %sign3A_520 = arith.extui %sign3A_519 : i1 to i32
          %sign3A_521 = arith.subi %sign3A_517, %sign3A_520 : i32
          %sign3A_522 = arith.constant 0 : i32
          %sign3A_523 = arith.cmpi sgt, %jit3A_513, %sign3A_522 : i32
          %sign3A_524 = arith.extui %sign3A_523 : i1 to i32
          %sign3A_525 = arith.constant 0 : i32
          %sign3A_526 = arith.cmpi slt, %jit3A_513, %sign3A_525 : i32
          %sign3A_527 = arith.extui %sign3A_526 : i1 to i32
          %sign3A_528 = arith.subi %sign3A_524, %sign3A_527 : i32
          %ne3A_529 = arith.cmpi ne, %sign3A_521, %sign3A_528 : i32
          %rem3A_530 = arith.remsi %sub3A_512, %jit3A_513 : i32
          %ne3A_531 = arith.constant 0 : i32
          %ne3A_532 = arith.cmpi ne, %rem3A_530, %ne3A_531 : i32
          %and3A_533 = arith.andi %ne3A_529, %ne3A_532 : i1
          %sub3A_534 = arith.constant 1 : i32
          %sub3A_535 = arith.subi %div3A_514, %sub3A_534 : i32
          %select_n3A_536 = arith.select %and3A_533, %sub3A_535, %div3A_514 : i32
          %jit3A_537 = arith.constant 2 : i32
          %eq3A_538 = arith.constant 0 : i32
          %eq3A_539 = arith.cmpi eq, %jit3A_537, %eq3A_538 : i32
          %jit3A_540 = arith.constant 1 : i32
          %select_n3A_541 = arith.select %eq3A_539, %jit3A_540, %jit3A_537 : i32
          %rem3A_542 = arith.remsi %sub3A_512, %select_n3A_541 : i32
          %ne3A_543 = arith.constant 0 : i32
          %ne3A_544 = arith.cmpi ne, %rem3A_542, %ne3A_543 : i32
          %lt3A_545 = arith.constant 0 : i32
          %lt3A_546 = arith.cmpi slt, %rem3A_542, %lt3A_545 : i32
          %lt3A_547 = arith.constant 0 : i32
          %lt3A_548 = arith.cmpi slt, %select_n3A_541, %lt3A_547 : i32
          %ne3A_549 = arith.xori %lt3A_546, %lt3A_548 : i1
          %and3A_550 = arith.andi %ne3A_549, %ne3A_544 : i1
          %add3A_551 = arith.addi %rem3A_542, %select_n3A_541 : i32
          %select_n3A_552 = arith.select %and3A_550, %add3A_551, %rem3A_542 : i32
          %mul3A_553 = arith.constant 64 : i32
          %mul3A_554 = arith.muli %select_n3A_552, %mul3A_553 : i32
          %dma_wait3A_555 = arith.constant 3 : i32
          %dma_wait3A_556 = arith.constant 0 : i32
          %dma_wait3A_557 = arith.constant 0 : i32
          %dma_wait3A_558 = tpu.memref_slice %arg6[%dma_wait3A_555, %dma_wait3A_556, %dma_wait3A_557] : memref<5x128x64xf32, #tpu.memory_space<vmem>> -> memref<1x128x64xf32, #tpu.memory_space<vmem>>
          %dma_wait3A_559 = tpu.memref_squeeze %dma_wait3A_558 : memref<1x128x64xf32, #tpu.memory_space<vmem>> -> memref<128x64xf32, #tpu.memory_space<vmem>>
          %dma_wait3A_560 = tpu.memref_slice %arg4[%select_n3A_536, %mul3A_2, %mul3A_554] : memref<15x4096x128xf32, #tpu.memory_space<hbm>> -> memref<1x128x64xf32, #tpu.memory_space<hbm>>
          %dma_wait3A_561 = tpu.memref_squeeze %dma_wait3A_560 : memref<1x128x64xf32, #tpu.memory_space<hbm>> -> memref<128x64xf32, #tpu.memory_space<hbm>>
          %dma_wait3A_562 = tpu.memref_slice %arg4[%select_n3A_536, %mul3A_2, %mul3A_554] : memref<15x4096x128xf32, #tpu.memory_space<hbm>> -> memref<1x128x64xf32, #tpu.memory_space<hbm>>
          %dma_wait3A_563 = tpu.memref_squeeze %dma_wait3A_562 : memref<1x128x64xf32, #tpu.memory_space<hbm>> -> memref<128x64xf32, #tpu.memory_space<hbm>>
          %dma_wait3A_564 = arith.constant 0 : i32
          %dma_wait3A_565 = arith.constant 0 : i32
          %dma_wait3A_566 = tpu.memref_slice %arg6[%dma_wait3A_555, %dma_wait3A_564, %dma_wait3A_565] : memref<5x128x64xf32, #tpu.memory_space<vmem>> -> memref<1x128x64xf32, #tpu.memory_space<vmem>>
          %dma_wait3A_567 = tpu.memref_squeeze %dma_wait3A_566 : memref<1x128x64xf32, #tpu.memory_space<vmem>> -> memref<128x64xf32, #tpu.memory_space<vmem>>
          tpu.wait_dma2 semaphore(%arg15 : memref<!tpu.dma_semaphore, #tpu.memory_space<semaphore_mem>>) src(%dma_wait3A_567 : memref<128x64xf32, #tpu.memory_space<vmem>>) dst(%dma_wait3A_563 : memref<128x64xf32, #tpu.memory_space<hbm>>)
        } else {
        }
        %dma_start3A_500 = arith.constant 3 : i32
        %dma_start3A_501 = arith.constant 0 : i32
        %dma_start3A_502 = arith.constant 0 : i32
        %dma_start3A_503 = tpu.memref_slice %arg6[%dma_start3A_500, %dma_start3A_501, %dma_start3A_502] : memref<5x128x64xf32, #tpu.memory_space<vmem>> -> memref<1x128x64xf32, #tpu.memory_space<vmem>>
        %dma_start3A_504 = tpu.memref_squeeze %dma_start3A_503 : memref<1x128x64xf32, #tpu.memory_space<vmem>> -> memref<128x64xf32, #tpu.memory_space<vmem>>
        %dma_start3A_505 = arith.constant 0 : i32
        %dma_start3A_506 = tpu.memref_slice %arg5[%add3A_184, %dma_start3A_505] : memref<30x128xi32, #tpu.memory_space<vmem>> -> memref<1x128xi32, #tpu.memory_space<vmem>>
        %dma_start3A_507 = tpu.memref_squeeze %dma_start3A_506 : memref<1x128xi32, #tpu.memory_space<vmem>> -> memref<128xi32, #tpu.memory_space<vmem>>
        %dma_start3A_508 = arith.constant 0 : i32
        %dma_start3A_509 = arith.constant 0 : i32
        %dma_start3A_510 = tpu.memref_slice %arg2[%dma_start3A_508, %dma_start3A_509] : memref<100000x64xf32, #tpu.memory_space<hbm>> -> memref<100000x64xf32, #tpu.memory_space<hbm>>
        tpu.enqueue_indirect_dma source(%dma_start3A_510 : memref<100000x64xf32, #tpu.memory_space<hbm>>) target(%dma_start3A_504 : memref<128x64xf32, #tpu.memory_space<vmem>>) offsets(%dma_start3A_507 : memref<128xi32, #tpu.memory_space<vmem>>) semaphore(%arg10 : memref<!tpu.dma_semaphore, #tpu.memory_space<semaphore_mem>>)
      } else {
      }
      %mul3A_188 = arith.constant 5 : i32
      %mul3A_189 = arith.muli %scan3A_122, %mul3A_188 : i32
      %add3A_190 = arith.constant 1 : i32
      %add3A_191 = arith.addi %mul3A_189, %add3A_190 : i32
      %dma_wait3A_192 = arith.constant 1 : i32
      %dma_wait3A_193 = arith.constant 0 : i32
      %dma_wait3A_194 = arith.constant 0 : i32
      %dma_wait3A_195 = tpu.memref_slice %arg6[%dma_wait3A_192, %dma_wait3A_193, %dma_wait3A_194] : memref<5x128x64xf32, #tpu.memory_space<vmem>> -> memref<1x128x64xf32, #tpu.memory_space<vmem>>
      %dma_wait3A_196 = tpu.memref_squeeze %dma_wait3A_195 : memref<1x128x64xf32, #tpu.memory_space<vmem>> -> memref<128x64xf32, #tpu.memory_space<vmem>>
      %dma_wait3A_197 = arith.constant 0 : i32
      %dma_wait3A_198 = tpu.memref_slice %arg5[%add3A_191, %dma_wait3A_197] : memref<30x128xi32, #tpu.memory_space<vmem>> -> memref<1x128xi32, #tpu.memory_space<vmem>>
      %dma_wait3A_199 = tpu.memref_squeeze %dma_wait3A_198 : memref<1x128xi32, #tpu.memory_space<vmem>> -> memref<128xi32, #tpu.memory_space<vmem>>
      %dma_wait3A_200 = arith.constant 0 : i32
      %dma_wait3A_201 = arith.constant 0 : i32
      %dma_wait3A_202 = tpu.memref_slice %arg2[%dma_wait3A_200, %dma_wait3A_201] : memref<100000x64xf32, #tpu.memory_space<hbm>> -> memref<100000x64xf32, #tpu.memory_space<hbm>>
      tpu.wait_indirect_dma semaphore(%arg8 : memref<!tpu.dma_semaphore, #tpu.memory_space<semaphore_mem>>) src(%dma_wait3A_202 : memref<100000x64xf32, #tpu.memory_space<hbm>>) dst(%dma_wait3A_196 : memref<128x64xf32, #tpu.memory_space<vmem>>)
      %jit3A_203 = arith.constant 2 : i32
      %div3A_204 = arith.divsi %add3A_191, %jit3A_203 : i32
      %sign3A_205 = arith.constant 0 : i32
      %sign3A_206 = arith.cmpi sgt, %add3A_191, %sign3A_205 : i32
      %sign3A_207 = arith.extui %sign3A_206 : i1 to i32
      %sign3A_208 = arith.constant 0 : i32
      %sign3A_209 = arith.cmpi slt, %add3A_191, %sign3A_208 : i32
      %sign3A_210 = arith.extui %sign3A_209 : i1 to i32
      %sign3A_211 = arith.subi %sign3A_207, %sign3A_210 : i32
      %sign3A_212 = arith.constant 0 : i32
      %sign3A_213 = arith.cmpi sgt, %jit3A_203, %sign3A_212 : i32
      %sign3A_214 = arith.extui %sign3A_213 : i1 to i32
      %sign3A_215 = arith.constant 0 : i32
      %sign3A_216 = arith.cmpi slt, %jit3A_203, %sign3A_215 : i32
      %sign3A_217 = arith.extui %sign3A_216 : i1 to i32
      %sign3A_218 = arith.subi %sign3A_214, %sign3A_217 : i32
      %ne3A_219 = arith.cmpi ne, %sign3A_211, %sign3A_218 : i32
      %rem3A_220 = arith.remsi %add3A_191, %jit3A_203 : i32
      %ne3A_221 = arith.constant 0 : i32
      %ne3A_222 = arith.cmpi ne, %rem3A_220, %ne3A_221 : i32
      %and3A_223 = arith.andi %ne3A_219, %ne3A_222 : i1
      %sub3A_224 = arith.constant 1 : i32
      %sub3A_225 = arith.subi %div3A_204, %sub3A_224 : i32
      %select_n3A_226 = arith.select %and3A_223, %sub3A_225, %div3A_204 : i32
      %jit3A_227 = arith.constant 2 : i32
      %eq3A_228 = arith.constant 0 : i32
      %eq3A_229 = arith.cmpi eq, %jit3A_227, %eq3A_228 : i32
      %jit3A_230 = arith.constant 1 : i32
      %select_n3A_231 = arith.select %eq3A_229, %jit3A_230, %jit3A_227 : i32
      %rem3A_232 = arith.remsi %add3A_191, %select_n3A_231 : i32
      %ne3A_233 = arith.constant 0 : i32
      %ne3A_234 = arith.cmpi ne, %rem3A_232, %ne3A_233 : i32
      %lt3A_235 = arith.constant 0 : i32
      %lt3A_236 = arith.cmpi slt, %rem3A_232, %lt3A_235 : i32
      %lt3A_237 = arith.constant 0 : i32
      %lt3A_238 = arith.cmpi slt, %select_n3A_231, %lt3A_237 : i32
      %ne3A_239 = arith.xori %lt3A_236, %lt3A_238 : i1
      %and3A_240 = arith.andi %ne3A_239, %ne3A_234 : i1
      %add3A_241 = arith.addi %rem3A_232, %select_n3A_231 : i32
      %select_n3A_242 = arith.select %and3A_240, %add3A_241, %rem3A_232 : i32
      %mul3A_243 = arith.constant 64 : i32
      %mul3A_244 = arith.muli %select_n3A_242, %mul3A_243 : i32
      %dma_start3A_245 = arith.constant 1 : i32
      %dma_start3A_246 = arith.constant 0 : i32
      %dma_start3A_247 = arith.constant 0 : i32
      %dma_start3A_248 = tpu.memref_slice %arg6[%dma_start3A_245, %dma_start3A_246, %dma_start3A_247] : memref<5x128x64xf32, #tpu.memory_space<vmem>> -> memref<1x128x64xf32, #tpu.memory_space<vmem>>
      %dma_start3A_249 = tpu.memref_squeeze %dma_start3A_248 : memref<1x128x64xf32, #tpu.memory_space<vmem>> -> memref<128x64xf32, #tpu.memory_space<vmem>>
      %dma_start3A_250 = tpu.memref_slice %arg4[%select_n3A_226, %mul3A_2, %mul3A_244] : memref<15x4096x128xf32, #tpu.memory_space<hbm>> -> memref<1x128x64xf32, #tpu.memory_space<hbm>>
      %dma_start3A_251 = tpu.memref_squeeze %dma_start3A_250 : memref<1x128x64xf32, #tpu.memory_space<hbm>> -> memref<128x64xf32, #tpu.memory_space<hbm>>
      %dma_start3A_252 = tpu.memref_slice %arg4[%select_n3A_226, %mul3A_2, %mul3A_244] : memref<15x4096x128xf32, #tpu.memory_space<hbm>> -> memref<1x128x64xf32, #tpu.memory_space<hbm>>
      %dma_start3A_253 = tpu.memref_squeeze %dma_start3A_252 : memref<1x128x64xf32, #tpu.memory_space<hbm>> -> memref<128x64xf32, #tpu.memory_space<hbm>>
      %dma_start3A_254 = arith.constant 0 : i32
      %dma_start3A_255 = arith.constant 0 : i32
      %dma_start3A_256 = tpu.memref_slice %arg6[%dma_start3A_245, %dma_start3A_254, %dma_start3A_255] : memref<5x128x64xf32, #tpu.memory_space<vmem>> -> memref<1x128x64xf32, #tpu.memory_space<vmem>>
      %dma_start3A_257 = tpu.memref_squeeze %dma_start3A_256 : memref<1x128x64xf32, #tpu.memory_space<vmem>> -> memref<128x64xf32, #tpu.memory_space<vmem>>
      tpu.enqueue_dma source(%dma_start3A_257 : memref<128x64xf32, #tpu.memory_space<vmem>>) target(%dma_start3A_253 : memref<128x64xf32, #tpu.memory_space<hbm>>) target_semaphore(%arg13 : memref<!tpu.dma_semaphore, #tpu.memory_space<semaphore_mem>>)
      %add3A_258 = arith.constant 3 : i32
      %add3A_259 = arith.addi %add3A_191, %add3A_258 : i32
      %lt3A_260 = arith.constant 30 : i32
      %lt3A_261 = arith.cmpi slt, %add3A_259, %lt3A_260 : i32
      %convert_element_type3A_262 = arith.extui %lt3A_261 : i1 to i32
      %cond3A_263 = arith.constant 0 : i32
      %cond3A_264 = arith.cmpi ne, %convert_element_type3A_262, %cond3A_263 : i32
      scf.if %cond3A_264 {
        %ge3A = arith.constant 5 : i32
        %ge3A_496 = arith.cmpi sge, %add3A_259, %ge3A : i32
        %convert_element_type3A_497 = arith.extui %ge3A_496 : i1 to i32
        %cond3A_498 = arith.constant 0 : i32
        %cond3A_499 = arith.cmpi ne, %convert_element_type3A_497, %cond3A_498 : i32
        scf.if %cond3A_499 {
          %sub3A_511 = arith.constant 5 : i32
          %sub3A_512 = arith.subi %add3A_259, %sub3A_511 : i32
          %jit3A_513 = arith.constant 2 : i32
          %div3A_514 = arith.divsi %sub3A_512, %jit3A_513 : i32
          %sign3A_515 = arith.constant 0 : i32
          %sign3A_516 = arith.cmpi sgt, %sub3A_512, %sign3A_515 : i32
          %sign3A_517 = arith.extui %sign3A_516 : i1 to i32
          %sign3A_518 = arith.constant 0 : i32
          %sign3A_519 = arith.cmpi slt, %sub3A_512, %sign3A_518 : i32
          %sign3A_520 = arith.extui %sign3A_519 : i1 to i32
          %sign3A_521 = arith.subi %sign3A_517, %sign3A_520 : i32
          %sign3A_522 = arith.constant 0 : i32
          %sign3A_523 = arith.cmpi sgt, %jit3A_513, %sign3A_522 : i32
          %sign3A_524 = arith.extui %sign3A_523 : i1 to i32
          %sign3A_525 = arith.constant 0 : i32
          %sign3A_526 = arith.cmpi slt, %jit3A_513, %sign3A_525 : i32
          %sign3A_527 = arith.extui %sign3A_526 : i1 to i32
          %sign3A_528 = arith.subi %sign3A_524, %sign3A_527 : i32
          %ne3A_529 = arith.cmpi ne, %sign3A_521, %sign3A_528 : i32
          %rem3A_530 = arith.remsi %sub3A_512, %jit3A_513 : i32
          %ne3A_531 = arith.constant 0 : i32
          %ne3A_532 = arith.cmpi ne, %rem3A_530, %ne3A_531 : i32
          %and3A_533 = arith.andi %ne3A_529, %ne3A_532 : i1
          %sub3A_534 = arith.constant 1 : i32
          %sub3A_535 = arith.subi %div3A_514, %sub3A_534 : i32
          %select_n3A_536 = arith.select %and3A_533, %sub3A_535, %div3A_514 : i32
          %jit3A_537 = arith.constant 2 : i32
          %eq3A_538 = arith.constant 0 : i32
          %eq3A_539 = arith.cmpi eq, %jit3A_537, %eq3A_538 : i32
          %jit3A_540 = arith.constant 1 : i32
          %select_n3A_541 = arith.select %eq3A_539, %jit3A_540, %jit3A_537 : i32
          %rem3A_542 = arith.remsi %sub3A_512, %select_n3A_541 : i32
          %ne3A_543 = arith.constant 0 : i32
          %ne3A_544 = arith.cmpi ne, %rem3A_542, %ne3A_543 : i32
          %lt3A_545 = arith.constant 0 : i32
          %lt3A_546 = arith.cmpi slt, %rem3A_542, %lt3A_545 : i32
          %lt3A_547 = arith.constant 0 : i32
          %lt3A_548 = arith.cmpi slt, %select_n3A_541, %lt3A_547 : i32
          %ne3A_549 = arith.xori %lt3A_546, %lt3A_548 : i1
          %and3A_550 = arith.andi %ne3A_549, %ne3A_544 : i1
          %add3A_551 = arith.addi %rem3A_542, %select_n3A_541 : i32
          %select_n3A_552 = arith.select %and3A_550, %add3A_551, %rem3A_542 : i32
          %mul3A_553 = arith.constant 64 : i32
          %mul3A_554 = arith.muli %select_n3A_552, %mul3A_553 : i32
          %dma_wait3A_555 = arith.constant 4 : i32
          %dma_wait3A_556 = arith.constant 0 : i32
          %dma_wait3A_557 = arith.constant 0 : i32
          %dma_wait3A_558 = tpu.memref_slice %arg6[%dma_wait3A_555, %dma_wait3A_556, %dma_wait3A_557] : memref<5x128x64xf32, #tpu.memory_space<vmem>> -> memref<1x128x64xf32, #tpu.memory_space<vmem>>
          %dma_wait3A_559 = tpu.memref_squeeze %dma_wait3A_558 : memref<1x128x64xf32, #tpu.memory_space<vmem>> -> memref<128x64xf32, #tpu.memory_space<vmem>>
          %dma_wait3A_560 = tpu.memref_slice %arg4[%select_n3A_536, %mul3A_2, %mul3A_554] : memref<15x4096x128xf32, #tpu.memory_space<hbm>> -> memref<1x128x64xf32, #tpu.memory_space<hbm>>
          %dma_wait3A_561 = tpu.memref_squeeze %dma_wait3A_560 : memref<1x128x64xf32, #tpu.memory_space<hbm>> -> memref<128x64xf32, #tpu.memory_space<hbm>>
          %dma_wait3A_562 = tpu.memref_slice %arg4[%select_n3A_536, %mul3A_2, %mul3A_554] : memref<15x4096x128xf32, #tpu.memory_space<hbm>> -> memref<1x128x64xf32, #tpu.memory_space<hbm>>
          %dma_wait3A_563 = tpu.memref_squeeze %dma_wait3A_562 : memref<1x128x64xf32, #tpu.memory_space<hbm>> -> memref<128x64xf32, #tpu.memory_space<hbm>>
          %dma_wait3A_564 = arith.constant 0 : i32
          %dma_wait3A_565 = arith.constant 0 : i32
          %dma_wait3A_566 = tpu.memref_slice %arg6[%dma_wait3A_555, %dma_wait3A_564, %dma_wait3A_565] : memref<5x128x64xf32, #tpu.memory_space<vmem>> -> memref<1x128x64xf32, #tpu.memory_space<vmem>>
          %dma_wait3A_567 = tpu.memref_squeeze %dma_wait3A_566 : memref<1x128x64xf32, #tpu.memory_space<vmem>> -> memref<128x64xf32, #tpu.memory_space<vmem>>
          tpu.wait_dma2 semaphore(%arg16 : memref<!tpu.dma_semaphore, #tpu.memory_space<semaphore_mem>>) src(%dma_wait3A_567 : memref<128x64xf32, #tpu.memory_space<vmem>>) dst(%dma_wait3A_563 : memref<128x64xf32, #tpu.memory_space<hbm>>)
        } else {
        }
        %dma_start3A_500 = arith.constant 4 : i32
        %dma_start3A_501 = arith.constant 0 : i32
        %dma_start3A_502 = arith.constant 0 : i32
        %dma_start3A_503 = tpu.memref_slice %arg6[%dma_start3A_500, %dma_start3A_501, %dma_start3A_502] : memref<5x128x64xf32, #tpu.memory_space<vmem>> -> memref<1x128x64xf32, #tpu.memory_space<vmem>>
        %dma_start3A_504 = tpu.memref_squeeze %dma_start3A_503 : memref<1x128x64xf32, #tpu.memory_space<vmem>> -> memref<128x64xf32, #tpu.memory_space<vmem>>
        %dma_start3A_505 = arith.constant 0 : i32
        %dma_start3A_506 = tpu.memref_slice %arg5[%add3A_259, %dma_start3A_505] : memref<30x128xi32, #tpu.memory_space<vmem>> -> memref<1x128xi32, #tpu.memory_space<vmem>>
        %dma_start3A_507 = tpu.memref_squeeze %dma_start3A_506 : memref<1x128xi32, #tpu.memory_space<vmem>> -> memref<128xi32, #tpu.memory_space<vmem>>
        %dma_start3A_508 = arith.constant 0 : i32
        %dma_start3A_509 = arith.constant 0 : i32
        %dma_start3A_510 = tpu.memref_slice %arg2[%dma_start3A_508, %dma_start3A_509] : memref<100000x64xf32, #tpu.memory_space<hbm>> -> memref<100000x64xf32, #tpu.memory_space<hbm>>
        tpu.enqueue_indirect_dma source(%dma_start3A_510 : memref<100000x64xf32, #tpu.memory_space<hbm>>) target(%dma_start3A_504 : memref<128x64xf32, #tpu.memory_space<vmem>>) offsets(%dma_start3A_507 : memref<128xi32, #tpu.memory_space<vmem>>) semaphore(%arg11 : memref<!tpu.dma_semaphore, #tpu.memory_space<semaphore_mem>>)
      } else {
      }
      %mul3A_265 = arith.constant 5 : i32
      %mul3A_266 = arith.muli %scan3A_122, %mul3A_265 : i32
      %add3A_267 = arith.constant 2 : i32
      %add3A_268 = arith.addi %mul3A_266, %add3A_267 : i32
      %dma_wait3A_269 = arith.constant 2 : i32
      %dma_wait3A_270 = arith.constant 0 : i32
      %dma_wait3A_271 = arith.constant 0 : i32
      %dma_wait3A_272 = tpu.memref_slice %arg6[%dma_wait3A_269, %dma_wait3A_270, %dma_wait3A_271] : memref<5x128x64xf32, #tpu.memory_space<vmem>> -> memref<1x128x64xf32, #tpu.memory_space<vmem>>
      %dma_wait3A_273 = tpu.memref_squeeze %dma_wait3A_272 : memref<1x128x64xf32, #tpu.memory_space<vmem>> -> memref<128x64xf32, #tpu.memory_space<vmem>>
      %dma_wait3A_274 = arith.constant 0 : i32
      %dma_wait3A_275 = tpu.memref_slice %arg5[%add3A_268, %dma_wait3A_274] : memref<30x128xi32, #tpu.memory_space<vmem>> -> memref<1x128xi32, #tpu.memory_space<vmem>>
      %dma_wait3A_276 = tpu.memref_squeeze %dma_wait3A_275 : memref<1x128xi32, #tpu.memory_space<vmem>> -> memref<128xi32, #tpu.memory_space<vmem>>
      %dma_wait3A_277 = arith.constant 0 : i32
      %dma_wait3A_278 = arith.constant 0 : i32
      %dma_wait3A_279 = tpu.memref_slice %arg2[%dma_wait3A_277, %dma_wait3A_278] : memref<100000x64xf32, #tpu.memory_space<hbm>> -> memref<100000x64xf32, #tpu.memory_space<hbm>>
      tpu.wait_indirect_dma semaphore(%arg9 : memref<!tpu.dma_semaphore, #tpu.memory_space<semaphore_mem>>) src(%dma_wait3A_279 : memref<100000x64xf32, #tpu.memory_space<hbm>>) dst(%dma_wait3A_273 : memref<128x64xf32, #tpu.memory_space<vmem>>)
      %jit3A_280 = arith.constant 2 : i32
      %div3A_281 = arith.divsi %add3A_268, %jit3A_280 : i32
      %sign3A_282 = arith.constant 0 : i32
      %sign3A_283 = arith.cmpi sgt, %add3A_268, %sign3A_282 : i32
      %sign3A_284 = arith.extui %sign3A_283 : i1 to i32
      %sign3A_285 = arith.constant 0 : i32
      %sign3A_286 = arith.cmpi slt, %add3A_268, %sign3A_285 : i32
      %sign3A_287 = arith.extui %sign3A_286 : i1 to i32
      %sign3A_288 = arith.subi %sign3A_284, %sign3A_287 : i32
      %sign3A_289 = arith.constant 0 : i32
      %sign3A_290 = arith.cmpi sgt, %jit3A_280, %sign3A_289 : i32
      %sign3A_291 = arith.extui %sign3A_290 : i1 to i32
      %sign3A_292 = arith.constant 0 : i32
      %sign3A_293 = arith.cmpi slt, %jit3A_280, %sign3A_292 : i32
      %sign3A_294 = arith.extui %sign3A_293 : i1 to i32
      %sign3A_295 = arith.subi %sign3A_291, %sign3A_294 : i32
      %ne3A_296 = arith.cmpi ne, %sign3A_288, %sign3A_295 : i32
      %rem3A_297 = arith.remsi %add3A_268, %jit3A_280 : i32
      %ne3A_298 = arith.constant 0 : i32
      %ne3A_299 = arith.cmpi ne, %rem3A_297, %ne3A_298 : i32
      %and3A_300 = arith.andi %ne3A_296, %ne3A_299 : i1
      %sub3A_301 = arith.constant 1 : i32
      %sub3A_302 = arith.subi %div3A_281, %sub3A_301 : i32
      %select_n3A_303 = arith.select %and3A_300, %sub3A_302, %div3A_281 : i32
      %jit3A_304 = arith.constant 2 : i32
      %eq3A_305 = arith.constant 0 : i32
      %eq3A_306 = arith.cmpi eq, %jit3A_304, %eq3A_305 : i32
      %jit3A_307 = arith.constant 1 : i32
      %select_n3A_308 = arith.select %eq3A_306, %jit3A_307, %jit3A_304 : i32
      %rem3A_309 = arith.remsi %add3A_268, %select_n3A_308 : i32
      %ne3A_310 = arith.constant 0 : i32
      %ne3A_311 = arith.cmpi ne, %rem3A_309, %ne3A_310 : i32
      %lt3A_312 = arith.constant 0 : i32
      %lt3A_313 = arith.cmpi slt, %rem3A_309, %lt3A_312 : i32
      %lt3A_314 = arith.constant 0 : i32
      %lt3A_315 = arith.cmpi slt, %select_n3A_308, %lt3A_314 : i32
      %ne3A_316 = arith.xori %lt3A_313, %lt3A_315 : i1
      %and3A_317 = arith.andi %ne3A_316, %ne3A_311 : i1
      %add3A_318 = arith.addi %rem3A_309, %select_n3A_308 : i32
      %select_n3A_319 = arith.select %and3A_317, %add3A_318, %rem3A_309 : i32
      %mul3A_320 = arith.constant 64 : i32
      %mul3A_321 = arith.muli %select_n3A_319, %mul3A_320 : i32
      %dma_start3A_322 = arith.constant 2 : i32
      %dma_start3A_323 = arith.constant 0 : i32
      %dma_start3A_324 = arith.constant 0 : i32
      %dma_start3A_325 = tpu.memref_slice %arg6[%dma_start3A_322, %dma_start3A_323, %dma_start3A_324] : memref<5x128x64xf32, #tpu.memory_space<vmem>> -> memref<1x128x64xf32, #tpu.memory_space<vmem>>
      %dma_start3A_326 = tpu.memref_squeeze %dma_start3A_325 : memref<1x128x64xf32, #tpu.memory_space<vmem>> -> memref<128x64xf32, #tpu.memory_space<vmem>>
      %dma_start3A_327 = tpu.memref_slice %arg4[%select_n3A_303, %mul3A_2, %mul3A_321] : memref<15x4096x128xf32, #tpu.memory_space<hbm>> -> memref<1x128x64xf32, #tpu.memory_space<hbm>>
      %dma_start3A_328 = tpu.memref_squeeze %dma_start3A_327 : memref<1x128x64xf32, #tpu.memory_space<hbm>> -> memref<128x64xf32, #tpu.memory_space<hbm>>
      %dma_start3A_329 = tpu.memref_slice %arg4[%select_n3A_303, %mul3A_2, %mul3A_321] : memref<15x4096x128xf32, #tpu.memory_space<hbm>> -> memref<1x128x64xf32, #tpu.memory_space<hbm>>
      %dma_start3A_330 = tpu.memref_squeeze %dma_start3A_329 : memref<1x128x64xf32, #tpu.memory_space<hbm>> -> memref<128x64xf32, #tpu.memory_space<hbm>>
      %dma_start3A_331 = arith.constant 0 : i32
      %dma_start3A_332 = arith.constant 0 : i32
      %dma_start3A_333 = tpu.memref_slice %arg6[%dma_start3A_322, %dma_start3A_331, %dma_start3A_332] : memref<5x128x64xf32, #tpu.memory_space<vmem>> -> memref<1x128x64xf32, #tpu.memory_space<vmem>>
      %dma_start3A_334 = tpu.memref_squeeze %dma_start3A_333 : memref<1x128x64xf32, #tpu.memory_space<vmem>> -> memref<128x64xf32, #tpu.memory_space<vmem>>
      tpu.enqueue_dma source(%dma_start3A_334 : memref<128x64xf32, #tpu.memory_space<vmem>>) target(%dma_start3A_330 : memref<128x64xf32, #tpu.memory_space<hbm>>) target_semaphore(%arg14 : memref<!tpu.dma_semaphore, #tpu.memory_space<semaphore_mem>>)
      %add3A_335 = arith.constant 3 : i32
      %add3A_336 = arith.addi %add3A_268, %add3A_335 : i32
      %lt3A_337 = arith.constant 30 : i32
      %lt3A_338 = arith.cmpi slt, %add3A_336, %lt3A_337 : i32
      %convert_element_type3A_339 = arith.extui %lt3A_338 : i1 to i32
      %cond3A_340 = arith.constant 0 : i32
      %cond3A_341 = arith.cmpi ne, %convert_element_type3A_339, %cond3A_340 : i32
      scf.if %cond3A_341 {
        %ge3A = arith.constant 5 : i32
        %ge3A_496 = arith.cmpi sge, %add3A_336, %ge3A : i32
        %convert_element_type3A_497 = arith.extui %ge3A_496 : i1 to i32
        %cond3A_498 = arith.constant 0 : i32
        %cond3A_499 = arith.cmpi ne, %convert_element_type3A_497, %cond3A_498 : i32
        scf.if %cond3A_499 {
          %sub3A_511 = arith.constant 5 : i32
          %sub3A_512 = arith.subi %add3A_336, %sub3A_511 : i32
          %jit3A_513 = arith.constant 2 : i32
          %div3A_514 = arith.divsi %sub3A_512, %jit3A_513 : i32
          %sign3A_515 = arith.constant 0 : i32
          %sign3A_516 = arith.cmpi sgt, %sub3A_512, %sign3A_515 : i32
          %sign3A_517 = arith.extui %sign3A_516 : i1 to i32
          %sign3A_518 = arith.constant 0 : i32
          %sign3A_519 = arith.cmpi slt, %sub3A_512, %sign3A_518 : i32
          %sign3A_520 = arith.extui %sign3A_519 : i1 to i32
          %sign3A_521 = arith.subi %sign3A_517, %sign3A_520 : i32
          %sign3A_522 = arith.constant 0 : i32
          %sign3A_523 = arith.cmpi sgt, %jit3A_513, %sign3A_522 : i32
          %sign3A_524 = arith.extui %sign3A_523 : i1 to i32
          %sign3A_525 = arith.constant 0 : i32
          %sign3A_526 = arith.cmpi slt, %jit3A_513, %sign3A_525 : i32
          %sign3A_527 = arith.extui %sign3A_526 : i1 to i32
          %sign3A_528 = arith.subi %sign3A_524, %sign3A_527 : i32
          %ne3A_529 = arith.cmpi ne, %sign3A_521, %sign3A_528 : i32
          %rem3A_530 = arith.remsi %sub3A_512, %jit3A_513 : i32
          %ne3A_531 = arith.constant 0 : i32
          %ne3A_532 = arith.cmpi ne, %rem3A_530, %ne3A_531 : i32
          %and3A_533 = arith.andi %ne3A_529, %ne3A_532 : i1
          %sub3A_534 = arith.constant 1 : i32
          %sub3A_535 = arith.subi %div3A_514, %sub3A_534 : i32
          %select_n3A_536 = arith.select %and3A_533, %sub3A_535, %div3A_514 : i32
          %jit3A_537 = arith.constant 2 : i32
          %eq3A_538 = arith.constant 0 : i32
          %eq3A_539 = arith.cmpi eq, %jit3A_537, %eq3A_538 : i32
          %jit3A_540 = arith.constant 1 : i32
          %select_n3A_541 = arith.select %eq3A_539, %jit3A_540, %jit3A_537 : i32
          %rem3A_542 = arith.remsi %sub3A_512, %select_n3A_541 : i32
          %ne3A_543 = arith.constant 0 : i32
          %ne3A_544 = arith.cmpi ne, %rem3A_542, %ne3A_543 : i32
          %lt3A_545 = arith.constant 0 : i32
          %lt3A_546 = arith.cmpi slt, %rem3A_542, %lt3A_545 : i32
          %lt3A_547 = arith.constant 0 : i32
          %lt3A_548 = arith.cmpi slt, %select_n3A_541, %lt3A_547 : i32
          %ne3A_549 = arith.xori %lt3A_546, %lt3A_548 : i1
          %and3A_550 = arith.andi %ne3A_549, %ne3A_544 : i1
          %add3A_551 = arith.addi %rem3A_542, %select_n3A_541 : i32
          %select_n3A_552 = arith.select %and3A_550, %add3A_551, %rem3A_542 : i32
          %mul3A_553 = arith.constant 64 : i32
          %mul3A_554 = arith.muli %select_n3A_552, %mul3A_553 : i32
          %dma_wait3A_555 = arith.constant 0 : i32
          %dma_wait3A_556 = arith.constant 0 : i32
          %dma_wait3A_557 = arith.constant 0 : i32
          %dma_wait3A_558 = tpu.memref_slice %arg6[%dma_wait3A_555, %dma_wait3A_556, %dma_wait3A_557] : memref<5x128x64xf32, #tpu.memory_space<vmem>> -> memref<1x128x64xf32, #tpu.memory_space<vmem>>
          %dma_wait3A_559 = tpu.memref_squeeze %dma_wait3A_558 : memref<1x128x64xf32, #tpu.memory_space<vmem>> -> memref<128x64xf32, #tpu.memory_space<vmem>>
          %dma_wait3A_560 = tpu.memref_slice %arg4[%select_n3A_536, %mul3A_2, %mul3A_554] : memref<15x4096x128xf32, #tpu.memory_space<hbm>> -> memref<1x128x64xf32, #tpu.memory_space<hbm>>
          %dma_wait3A_561 = tpu.memref_squeeze %dma_wait3A_560 : memref<1x128x64xf32, #tpu.memory_space<hbm>> -> memref<128x64xf32, #tpu.memory_space<hbm>>
          %dma_wait3A_562 = tpu.memref_slice %arg4[%select_n3A_536, %mul3A_2, %mul3A_554] : memref<15x4096x128xf32, #tpu.memory_space<hbm>> -> memref<1x128x64xf32, #tpu.memory_space<hbm>>
          %dma_wait3A_563 = tpu.memref_squeeze %dma_wait3A_562 : memref<1x128x64xf32, #tpu.memory_space<hbm>> -> memref<128x64xf32, #tpu.memory_space<hbm>>
          %dma_wait3A_564 = arith.constant 0 : i32
          %dma_wait3A_565 = arith.constant 0 : i32
          %dma_wait3A_566 = tpu.memref_slice %arg6[%dma_wait3A_555, %dma_wait3A_564, %dma_wait3A_565] : memref<5x128x64xf32, #tpu.memory_space<vmem>> -> memref<1x128x64xf32, #tpu.memory_space<vmem>>
          %dma_wait3A_567 = tpu.memref_squeeze %dma_wait3A_566 : memref<1x128x64xf32, #tpu.memory_space<vmem>> -> memref<128x64xf32, #tpu.memory_space<vmem>>
          tpu.wait_dma2 semaphore(%arg12 : memref<!tpu.dma_semaphore, #tpu.memory_space<semaphore_mem>>) src(%dma_wait3A_567 : memref<128x64xf32, #tpu.memory_space<vmem>>) dst(%dma_wait3A_563 : memref<128x64xf32, #tpu.memory_space<hbm>>)
        } else {
        }
        %dma_start3A_500 = arith.constant 0 : i32
        %dma_start3A_501 = arith.constant 0 : i32
        %dma_start3A_502 = arith.constant 0 : i32
        %dma_start3A_503 = tpu.memref_slice %arg6[%dma_start3A_500, %dma_start3A_501, %dma_start3A_502] : memref<5x128x64xf32, #tpu.memory_space<vmem>> -> memref<1x128x64xf32, #tpu.memory_space<vmem>>
        %dma_start3A_504 = tpu.memref_squeeze %dma_start3A_503 : memref<1x128x64xf32, #tpu.memory_space<vmem>> -> memref<128x64xf32, #tpu.memory_space<vmem>>
        %dma_start3A_505 = arith.constant 0 : i32
        %dma_start3A_506 = tpu.memref_slice %arg5[%add3A_336, %dma_start3A_505] : memref<30x128xi32, #tpu.memory_space<vmem>> -> memref<1x128xi32, #tpu.memory_space<vmem>>
        %dma_start3A_507 = tpu.memref_squeeze %dma_start3A_506 : memref<1x128xi32, #tpu.memory_space<vmem>> -> memref<128xi32, #tpu.memory_space<vmem>>
        %dma_start3A_508 = arith.constant 0 : i32
        %dma_start3A_509 = arith.constant 0 : i32
        %dma_start3A_510 = tpu.memref_slice %arg2[%dma_start3A_508, %dma_start3A_509] : memref<100000x64xf32, #tpu.memory_space<hbm>> -> memref<100000x64xf32, #tpu.memory_space<hbm>>
        tpu.enqueue_indirect_dma source(%dma_start3A_510 : memref<100000x64xf32, #tpu.memory_space<hbm>>) target(%dma_start3A_504 : memref<128x64xf32, #tpu.memory_space<vmem>>) offsets(%dma_start3A_507 : memref<128xi32, #tpu.memory_space<vmem>>) semaphore(%arg7 : memref<!tpu.dma_semaphore, #tpu.memory_space<semaphore_mem>>)
      } else {
      }
      %mul3A_342 = arith.constant 5 : i32
      %mul3A_343 = arith.muli %scan3A_122, %mul3A_342 : i32
      %add3A_344 = arith.constant 3 : i32
      %add3A_345 = arith.addi %mul3A_343, %add3A_344 : i32
      %dma_wait3A_346 = arith.constant 3 : i32
      %dma_wait3A_347 = arith.constant 0 : i32
      %dma_wait3A_348 = arith.constant 0 : i32
      %dma_wait3A_349 = tpu.memref_slice %arg6[%dma_wait3A_346, %dma_wait3A_347, %dma_wait3A_348] : memref<5x128x64xf32, #tpu.memory_space<vmem>> -> memref<1x128x64xf32, #tpu.memory_space<vmem>>
      %dma_wait3A_350 = tpu.memref_squeeze %dma_wait3A_349 : memref<1x128x64xf32, #tpu.memory_space<vmem>> -> memref<128x64xf32, #tpu.memory_space<vmem>>
      %dma_wait3A_351 = arith.constant 0 : i32
      %dma_wait3A_352 = tpu.memref_slice %arg5[%add3A_345, %dma_wait3A_351] : memref<30x128xi32, #tpu.memory_space<vmem>> -> memref<1x128xi32, #tpu.memory_space<vmem>>
      %dma_wait3A_353 = tpu.memref_squeeze %dma_wait3A_352 : memref<1x128xi32, #tpu.memory_space<vmem>> -> memref<128xi32, #tpu.memory_space<vmem>>
      %dma_wait3A_354 = arith.constant 0 : i32
      %dma_wait3A_355 = arith.constant 0 : i32
      %dma_wait3A_356 = tpu.memref_slice %arg2[%dma_wait3A_354, %dma_wait3A_355] : memref<100000x64xf32, #tpu.memory_space<hbm>> -> memref<100000x64xf32, #tpu.memory_space<hbm>>
      tpu.wait_indirect_dma semaphore(%arg10 : memref<!tpu.dma_semaphore, #tpu.memory_space<semaphore_mem>>) src(%dma_wait3A_356 : memref<100000x64xf32, #tpu.memory_space<hbm>>) dst(%dma_wait3A_350 : memref<128x64xf32, #tpu.memory_space<vmem>>)
      %jit3A_357 = arith.constant 2 : i32
      %div3A_358 = arith.divsi %add3A_345, %jit3A_357 : i32
      %sign3A_359 = arith.constant 0 : i32
      %sign3A_360 = arith.cmpi sgt, %add3A_345, %sign3A_359 : i32
      %sign3A_361 = arith.extui %sign3A_360 : i1 to i32
      %sign3A_362 = arith.constant 0 : i32
      %sign3A_363 = arith.cmpi slt, %add3A_345, %sign3A_362 : i32
      %sign3A_364 = arith.extui %sign3A_363 : i1 to i32
      %sign3A_365 = arith.subi %sign3A_361, %sign3A_364 : i32
      %sign3A_366 = arith.constant 0 : i32
      %sign3A_367 = arith.cmpi sgt, %jit3A_357, %sign3A_366 : i32
      %sign3A_368 = arith.extui %sign3A_367 : i1 to i32
      %sign3A_369 = arith.constant 0 : i32
      %sign3A_370 = arith.cmpi slt, %jit3A_357, %sign3A_369 : i32
      %sign3A_371 = arith.extui %sign3A_370 : i1 to i32
      %sign3A_372 = arith.subi %sign3A_368, %sign3A_371 : i32
      %ne3A_373 = arith.cmpi ne, %sign3A_365, %sign3A_372 : i32
      %rem3A_374 = arith.remsi %add3A_345, %jit3A_357 : i32
      %ne3A_375 = arith.constant 0 : i32
      %ne3A_376 = arith.cmpi ne, %rem3A_374, %ne3A_375 : i32
      %and3A_377 = arith.andi %ne3A_373, %ne3A_376 : i1
      %sub3A_378 = arith.constant 1 : i32
      %sub3A_379 = arith.subi %div3A_358, %sub3A_378 : i32
      %select_n3A_380 = arith.select %and3A_377, %sub3A_379, %div3A_358 : i32
      %jit3A_381 = arith.constant 2 : i32
      %eq3A_382 = arith.constant 0 : i32
      %eq3A_383 = arith.cmpi eq, %jit3A_381, %eq3A_382 : i32
      %jit3A_384 = arith.constant 1 : i32
      %select_n3A_385 = arith.select %eq3A_383, %jit3A_384, %jit3A_381 : i32
      %rem3A_386 = arith.remsi %add3A_345, %select_n3A_385 : i32
      %ne3A_387 = arith.constant 0 : i32
      %ne3A_388 = arith.cmpi ne, %rem3A_386, %ne3A_387 : i32
      %lt3A_389 = arith.constant 0 : i32
      %lt3A_390 = arith.cmpi slt, %rem3A_386, %lt3A_389 : i32
      %lt3A_391 = arith.constant 0 : i32
      %lt3A_392 = arith.cmpi slt, %select_n3A_385, %lt3A_391 : i32
      %ne3A_393 = arith.xori %lt3A_390, %lt3A_392 : i1
      %and3A_394 = arith.andi %ne3A_393, %ne3A_388 : i1
      %add3A_395 = arith.addi %rem3A_386, %select_n3A_385 : i32
      %select_n3A_396 = arith.select %and3A_394, %add3A_395, %rem3A_386 : i32
      %mul3A_397 = arith.constant 64 : i32
      %mul3A_398 = arith.muli %select_n3A_396, %mul3A_397 : i32
      %dma_start3A_399 = arith.constant 3 : i32
      %dma_start3A_400 = arith.constant 0 : i32
      %dma_start3A_401 = arith.constant 0 : i32
      %dma_start3A_402 = tpu.memref_slice %arg6[%dma_start3A_399, %dma_start3A_400, %dma_start3A_401] : memref<5x128x64xf32, #tpu.memory_space<vmem>> -> memref<1x128x64xf32, #tpu.memory_space<vmem>>
      %dma_start3A_403 = tpu.memref_squeeze %dma_start3A_402 : memref<1x128x64xf32, #tpu.memory_space<vmem>> -> memref<128x64xf32, #tpu.memory_space<vmem>>
      %dma_start3A_404 = tpu.memref_slice %arg4[%select_n3A_380, %mul3A_2, %mul3A_398] : memref<15x4096x128xf32, #tpu.memory_space<hbm>> -> memref<1x128x64xf32, #tpu.memory_space<hbm>>
      %dma_start3A_405 = tpu.memref_squeeze %dma_start3A_404 : memref<1x128x64xf32, #tpu.memory_space<hbm>> -> memref<128x64xf32, #tpu.memory_space<hbm>>
      %dma_start3A_406 = tpu.memref_slice %arg4[%select_n3A_380, %mul3A_2, %mul3A_398] : memref<15x4096x128xf32, #tpu.memory_space<hbm>> -> memref<1x128x64xf32, #tpu.memory_space<hbm>>
      %dma_start3A_407 = tpu.memref_squeeze %dma_start3A_406 : memref<1x128x64xf32, #tpu.memory_space<hbm>> -> memref<128x64xf32, #tpu.memory_space<hbm>>
      %dma_start3A_408 = arith.constant 0 : i32
      %dma_start3A_409 = arith.constant 0 : i32
      %dma_start3A_410 = tpu.memref_slice %arg6[%dma_start3A_399, %dma_start3A_408, %dma_start3A_409] : memref<5x128x64xf32, #tpu.memory_space<vmem>> -> memref<1x128x64xf32, #tpu.memory_space<vmem>>
      %dma_start3A_411 = tpu.memref_squeeze %dma_start3A_410 : memref<1x128x64xf32, #tpu.memory_space<vmem>> -> memref<128x64xf32, #tpu.memory_space<vmem>>
      tpu.enqueue_dma source(%dma_start3A_411 : memref<128x64xf32, #tpu.memory_space<vmem>>) target(%dma_start3A_407 : memref<128x64xf32, #tpu.memory_space<hbm>>) target_semaphore(%arg15 : memref<!tpu.dma_semaphore, #tpu.memory_space<semaphore_mem>>)
      %add3A_412 = arith.constant 3 : i32
      %add3A_413 = arith.addi %add3A_345, %add3A_412 : i32
      %lt3A_414 = arith.constant 30 : i32
      %lt3A_415 = arith.cmpi slt, %add3A_413, %lt3A_414 : i32
      %convert_element_type3A_416 = arith.extui %lt3A_415 : i1 to i32
      %cond3A_417 = arith.constant 0 : i32
      %cond3A_418 = arith.cmpi ne, %convert_element_type3A_416, %cond3A_417 : i32
      scf.if %cond3A_418 {
        %ge3A = arith.constant 5 : i32
        %ge3A_496 = arith.cmpi sge, %add3A_413, %ge3A : i32
        %convert_element_type3A_497 = arith.extui %ge3A_496 : i1 to i32
        %cond3A_498 = arith.constant 0 : i32
        %cond3A_499 = arith.cmpi ne, %convert_element_type3A_497, %cond3A_498 : i32
        scf.if %cond3A_499 {
          %sub3A_511 = arith.constant 5 : i32
          %sub3A_512 = arith.subi %add3A_413, %sub3A_511 : i32
          %jit3A_513 = arith.constant 2 : i32
          %div3A_514 = arith.divsi %sub3A_512, %jit3A_513 : i32
          %sign3A_515 = arith.constant 0 : i32
          %sign3A_516 = arith.cmpi sgt, %sub3A_512, %sign3A_515 : i32
          %sign3A_517 = arith.extui %sign3A_516 : i1 to i32
          %sign3A_518 = arith.constant 0 : i32
          %sign3A_519 = arith.cmpi slt, %sub3A_512, %sign3A_518 : i32
          %sign3A_520 = arith.extui %sign3A_519 : i1 to i32
          %sign3A_521 = arith.subi %sign3A_517, %sign3A_520 : i32
          %sign3A_522 = arith.constant 0 : i32
          %sign3A_523 = arith.cmpi sgt, %jit3A_513, %sign3A_522 : i32
          %sign3A_524 = arith.extui %sign3A_523 : i1 to i32
          %sign3A_525 = arith.constant 0 : i32
          %sign3A_526 = arith.cmpi slt, %jit3A_513, %sign3A_525 : i32
          %sign3A_527 = arith.extui %sign3A_526 : i1 to i32
          %sign3A_528 = arith.subi %sign3A_524, %sign3A_527 : i32
          %ne3A_529 = arith.cmpi ne, %sign3A_521, %sign3A_528 : i32
          %rem3A_530 = arith.remsi %sub3A_512, %jit3A_513 : i32
          %ne3A_531 = arith.constant 0 : i32
          %ne3A_532 = arith.cmpi ne, %rem3A_530, %ne3A_531 : i32
          %and3A_533 = arith.andi %ne3A_529, %ne3A_532 : i1
          %sub3A_534 = arith.constant 1 : i32
          %sub3A_535 = arith.subi %div3A_514, %sub3A_534 : i32
          %select_n3A_536 = arith.select %and3A_533, %sub3A_535, %div3A_514 : i32
          %jit3A_537 = arith.constant 2 : i32
          %eq3A_538 = arith.constant 0 : i32
          %eq3A_539 = arith.cmpi eq, %jit3A_537, %eq3A_538 : i32
          %jit3A_540 = arith.constant 1 : i32
          %select_n3A_541 = arith.select %eq3A_539, %jit3A_540, %jit3A_537 : i32
          %rem3A_542 = arith.remsi %sub3A_512, %select_n3A_541 : i32
          %ne3A_543 = arith.constant 0 : i32
          %ne3A_544 = arith.cmpi ne, %rem3A_542, %ne3A_543 : i32
          %lt3A_545 = arith.constant 0 : i32
          %lt3A_546 = arith.cmpi slt, %rem3A_542, %lt3A_545 : i32
          %lt3A_547 = arith.constant 0 : i32
          %lt3A_548 = arith.cmpi slt, %select_n3A_541, %lt3A_547 : i32
          %ne3A_549 = arith.xori %lt3A_546, %lt3A_548 : i1
          %and3A_550 = arith.andi %ne3A_549, %ne3A_544 : i1
          %add3A_551 = arith.addi %rem3A_542, %select_n3A_541 : i32
          %select_n3A_552 = arith.select %and3A_550, %add3A_551, %rem3A_542 : i32
          %mul3A_553 = arith.constant 64 : i32
          %mul3A_554 = arith.muli %select_n3A_552, %mul3A_553 : i32
          %dma_wait3A_555 = arith.constant 1 : i32
          %dma_wait3A_556 = arith.constant 0 : i32
          %dma_wait3A_557 = arith.constant 0 : i32
          %dma_wait3A_558 = tpu.memref_slice %arg6[%dma_wait3A_555, %dma_wait3A_556, %dma_wait3A_557] : memref<5x128x64xf32, #tpu.memory_space<vmem>> -> memref<1x128x64xf32, #tpu.memory_space<vmem>>
          %dma_wait3A_559 = tpu.memref_squeeze %dma_wait3A_558 : memref<1x128x64xf32, #tpu.memory_space<vmem>> -> memref<128x64xf32, #tpu.memory_space<vmem>>
          %dma_wait3A_560 = tpu.memref_slice %arg4[%select_n3A_536, %mul3A_2, %mul3A_554] : memref<15x4096x128xf32, #tpu.memory_space<hbm>> -> memref<1x128x64xf32, #tpu.memory_space<hbm>>
          %dma_wait3A_561 = tpu.memref_squeeze %dma_wait3A_560 : memref<1x128x64xf32, #tpu.memory_space<hbm>> -> memref<128x64xf32, #tpu.memory_space<hbm>>
          %dma_wait3A_562 = tpu.memref_slice %arg4[%select_n3A_536, %mul3A_2, %mul3A_554] : memref<15x4096x128xf32, #tpu.memory_space<hbm>> -> memref<1x128x64xf32, #tpu.memory_space<hbm>>
          %dma_wait3A_563 = tpu.memref_squeeze %dma_wait3A_562 : memref<1x128x64xf32, #tpu.memory_space<hbm>> -> memref<128x64xf32, #tpu.memory_space<hbm>>
          %dma_wait3A_564 = arith.constant 0 : i32
          %dma_wait3A_565 = arith.constant 0 : i32
          %dma_wait3A_566 = tpu.memref_slice %arg6[%dma_wait3A_555, %dma_wait3A_564, %dma_wait3A_565] : memref<5x128x64xf32, #tpu.memory_space<vmem>> -> memref<1x128x64xf32, #tpu.memory_space<vmem>>
          %dma_wait3A_567 = tpu.memref_squeeze %dma_wait3A_566 : memref<1x128x64xf32, #tpu.memory_space<vmem>> -> memref<128x64xf32, #tpu.memory_space<vmem>>
          tpu.wait_dma2 semaphore(%arg13 : memref<!tpu.dma_semaphore, #tpu.memory_space<semaphore_mem>>) src(%dma_wait3A_567 : memref<128x64xf32, #tpu.memory_space<vmem>>) dst(%dma_wait3A_563 : memref<128x64xf32, #tpu.memory_space<hbm>>)
        } else {
        }
        %dma_start3A_500 = arith.constant 1 : i32
        %dma_start3A_501 = arith.constant 0 : i32
        %dma_start3A_502 = arith.constant 0 : i32
        %dma_start3A_503 = tpu.memref_slice %arg6[%dma_start3A_500, %dma_start3A_501, %dma_start3A_502] : memref<5x128x64xf32, #tpu.memory_space<vmem>> -> memref<1x128x64xf32, #tpu.memory_space<vmem>>
        %dma_start3A_504 = tpu.memref_squeeze %dma_start3A_503 : memref<1x128x64xf32, #tpu.memory_space<vmem>> -> memref<128x64xf32, #tpu.memory_space<vmem>>
        %dma_start3A_505 = arith.constant 0 : i32
        %dma_start3A_506 = tpu.memref_slice %arg5[%add3A_413, %dma_start3A_505] : memref<30x128xi32, #tpu.memory_space<vmem>> -> memref<1x128xi32, #tpu.memory_space<vmem>>
        %dma_start3A_507 = tpu.memref_squeeze %dma_start3A_506 : memref<1x128xi32, #tpu.memory_space<vmem>> -> memref<128xi32, #tpu.memory_space<vmem>>
        %dma_start3A_508 = arith.constant 0 : i32
        %dma_start3A_509 = arith.constant 0 : i32
        %dma_start3A_510 = tpu.memref_slice %arg2[%dma_start3A_508, %dma_start3A_509] : memref<100000x64xf32, #tpu.memory_space<hbm>> -> memref<100000x64xf32, #tpu.memory_space<hbm>>
        tpu.enqueue_indirect_dma source(%dma_start3A_510 : memref<100000x64xf32, #tpu.memory_space<hbm>>) target(%dma_start3A_504 : memref<128x64xf32, #tpu.memory_space<vmem>>) offsets(%dma_start3A_507 : memref<128xi32, #tpu.memory_space<vmem>>) semaphore(%arg8 : memref<!tpu.dma_semaphore, #tpu.memory_space<semaphore_mem>>)
      } else {
      }
      %mul3A_419 = arith.constant 5 : i32
      %mul3A_420 = arith.muli %scan3A_122, %mul3A_419 : i32
      %add3A_421 = arith.constant 4 : i32
      %add3A_422 = arith.addi %mul3A_420, %add3A_421 : i32
      %dma_wait3A_423 = arith.constant 4 : i32
      %dma_wait3A_424 = arith.constant 0 : i32
      %dma_wait3A_425 = arith.constant 0 : i32
      %dma_wait3A_426 = tpu.memref_slice %arg6[%dma_wait3A_423, %dma_wait3A_424, %dma_wait3A_425] : memref<5x128x64xf32, #tpu.memory_space<vmem>> -> memref<1x128x64xf32, #tpu.memory_space<vmem>>
      %dma_wait3A_427 = tpu.memref_squeeze %dma_wait3A_426 : memref<1x128x64xf32, #tpu.memory_space<vmem>> -> memref<128x64xf32, #tpu.memory_space<vmem>>
      %dma_wait3A_428 = arith.constant 0 : i32
      %dma_wait3A_429 = tpu.memref_slice %arg5[%add3A_422, %dma_wait3A_428] : memref<30x128xi32, #tpu.memory_space<vmem>> -> memref<1x128xi32, #tpu.memory_space<vmem>>
      %dma_wait3A_430 = tpu.memref_squeeze %dma_wait3A_429 : memref<1x128xi32, #tpu.memory_space<vmem>> -> memref<128xi32, #tpu.memory_space<vmem>>
      %dma_wait3A_431 = arith.constant 0 : i32
      %dma_wait3A_432 = arith.constant 0 : i32
      %dma_wait3A_433 = tpu.memref_slice %arg2[%dma_wait3A_431, %dma_wait3A_432] : memref<100000x64xf32, #tpu.memory_space<hbm>> -> memref<100000x64xf32, #tpu.memory_space<hbm>>
      tpu.wait_indirect_dma semaphore(%arg11 : memref<!tpu.dma_semaphore, #tpu.memory_space<semaphore_mem>>) src(%dma_wait3A_433 : memref<100000x64xf32, #tpu.memory_space<hbm>>) dst(%dma_wait3A_427 : memref<128x64xf32, #tpu.memory_space<vmem>>)
      %jit3A_434 = arith.constant 2 : i32
      %div3A_435 = arith.divsi %add3A_422, %jit3A_434 : i32
      %sign3A_436 = arith.constant 0 : i32
      %sign3A_437 = arith.cmpi sgt, %add3A_422, %sign3A_436 : i32
      %sign3A_438 = arith.extui %sign3A_437 : i1 to i32
      %sign3A_439 = arith.constant 0 : i32
      %sign3A_440 = arith.cmpi slt, %add3A_422, %sign3A_439 : i32
      %sign3A_441 = arith.extui %sign3A_440 : i1 to i32
      %sign3A_442 = arith.subi %sign3A_438, %sign3A_441 : i32
      %sign3A_443 = arith.constant 0 : i32
      %sign3A_444 = arith.cmpi sgt, %jit3A_434, %sign3A_443 : i32
      %sign3A_445 = arith.extui %sign3A_444 : i1 to i32
      %sign3A_446 = arith.constant 0 : i32
      %sign3A_447 = arith.cmpi slt, %jit3A_434, %sign3A_446 : i32
      %sign3A_448 = arith.extui %sign3A_447 : i1 to i32
      %sign3A_449 = arith.subi %sign3A_445, %sign3A_448 : i32
      %ne3A_450 = arith.cmpi ne, %sign3A_442, %sign3A_449 : i32
      %rem3A_451 = arith.remsi %add3A_422, %jit3A_434 : i32
      %ne3A_452 = arith.constant 0 : i32
      %ne3A_453 = arith.cmpi ne, %rem3A_451, %ne3A_452 : i32
      %and3A_454 = arith.andi %ne3A_450, %ne3A_453 : i1
      %sub3A_455 = arith.constant 1 : i32
      %sub3A_456 = arith.subi %div3A_435, %sub3A_455 : i32
      %select_n3A_457 = arith.select %and3A_454, %sub3A_456, %div3A_435 : i32
      %jit3A_458 = arith.constant 2 : i32
      %eq3A_459 = arith.constant 0 : i32
      %eq3A_460 = arith.cmpi eq, %jit3A_458, %eq3A_459 : i32
      %jit3A_461 = arith.constant 1 : i32
      %select_n3A_462 = arith.select %eq3A_460, %jit3A_461, %jit3A_458 : i32
      %rem3A_463 = arith.remsi %add3A_422, %select_n3A_462 : i32
      %ne3A_464 = arith.constant 0 : i32
      %ne3A_465 = arith.cmpi ne, %rem3A_463, %ne3A_464 : i32
      %lt3A_466 = arith.constant 0 : i32
      %lt3A_467 = arith.cmpi slt, %rem3A_463, %lt3A_466 : i32
      %lt3A_468 = arith.constant 0 : i32
      %lt3A_469 = arith.cmpi slt, %select_n3A_462, %lt3A_468 : i32
      %ne3A_470 = arith.xori %lt3A_467, %lt3A_469 : i1
      %and3A_471 = arith.andi %ne3A_470, %ne3A_465 : i1
      %add3A_472 = arith.addi %rem3A_463, %select_n3A_462 : i32
      %select_n3A_473 = arith.select %and3A_471, %add3A_472, %rem3A_463 : i32
      %mul3A_474 = arith.constant 64 : i32
      %mul3A_475 = arith.muli %select_n3A_473, %mul3A_474 : i32
      %dma_start3A_476 = arith.constant 4 : i32
      %dma_start3A_477 = arith.constant 0 : i32
      %dma_start3A_478 = arith.constant 0 : i32
      %dma_start3A_479 = tpu.memref_slice %arg6[%dma_start3A_476, %dma_start3A_477, %dma_start3A_478] : memref<5x128x64xf32, #tpu.memory_space<vmem>> -> memref<1x128x64xf32, #tpu.memory_space<vmem>>
      %dma_start3A_480 = tpu.memref_squeeze %dma_start3A_479 : memref<1x128x64xf32, #tpu.memory_space<vmem>> -> memref<128x64xf32, #tpu.memory_space<vmem>>
      %dma_start3A_481 = tpu.memref_slice %arg4[%select_n3A_457, %mul3A_2, %mul3A_475] : memref<15x4096x128xf32, #tpu.memory_space<hbm>> -> memref<1x128x64xf32, #tpu.memory_space<hbm>>
      %dma_start3A_482 = tpu.memref_squeeze %dma_start3A_481 : memref<1x128x64xf32, #tpu.memory_space<hbm>> -> memref<128x64xf32, #tpu.memory_space<hbm>>
      %dma_start3A_483 = tpu.memref_slice %arg4[%select_n3A_457, %mul3A_2, %mul3A_475] : memref<15x4096x128xf32, #tpu.memory_space<hbm>> -> memref<1x128x64xf32, #tpu.memory_space<hbm>>
      %dma_start3A_484 = tpu.memref_squeeze %dma_start3A_483 : memref<1x128x64xf32, #tpu.memory_space<hbm>> -> memref<128x64xf32, #tpu.memory_space<hbm>>
      %dma_start3A_485 = arith.constant 0 : i32
      %dma_start3A_486 = arith.constant 0 : i32
      %dma_start3A_487 = tpu.memref_slice %arg6[%dma_start3A_476, %dma_start3A_485, %dma_start3A_486] : memref<5x128x64xf32, #tpu.memory_space<vmem>> -> memref<1x128x64xf32, #tpu.memory_space<vmem>>
      %dma_start3A_488 = tpu.memref_squeeze %dma_start3A_487 : memref<1x128x64xf32, #tpu.memory_space<vmem>> -> memref<128x64xf32, #tpu.memory_space<vmem>>
      tpu.enqueue_dma source(%dma_start3A_488 : memref<128x64xf32, #tpu.memory_space<vmem>>) target(%dma_start3A_484 : memref<128x64xf32, #tpu.memory_space<hbm>>) target_semaphore(%arg16 : memref<!tpu.dma_semaphore, #tpu.memory_space<semaphore_mem>>)
      %add3A_489 = arith.constant 3 : i32
      %add3A_490 = arith.addi %add3A_422, %add3A_489 : i32
      %lt3A_491 = arith.constant 30 : i32
      %lt3A_492 = arith.cmpi slt, %add3A_490, %lt3A_491 : i32
      %convert_element_type3A_493 = arith.extui %lt3A_492 : i1 to i32
      %cond3A_494 = arith.constant 0 : i32
      %cond3A_495 = arith.cmpi ne, %convert_element_type3A_493, %cond3A_494 : i32
      scf.if %cond3A_495 {
        %ge3A = arith.constant 5 : i32
        %ge3A_496 = arith.cmpi sge, %add3A_490, %ge3A : i32
        %convert_element_type3A_497 = arith.extui %ge3A_496 : i1 to i32
        %cond3A_498 = arith.constant 0 : i32
        %cond3A_499 = arith.cmpi ne, %convert_element_type3A_497, %cond3A_498 : i32
        scf.if %cond3A_499 {
          %sub3A_511 = arith.constant 5 : i32
          %sub3A_512 = arith.subi %add3A_490, %sub3A_511 : i32
          %jit3A_513 = arith.constant 2 : i32
          %div3A_514 = arith.divsi %sub3A_512, %jit3A_513 : i32
          %sign3A_515 = arith.constant 0 : i32
          %sign3A_516 = arith.cmpi sgt, %sub3A_512, %sign3A_515 : i32
          %sign3A_517 = arith.extui %sign3A_516 : i1 to i32
          %sign3A_518 = arith.constant 0 : i32
          %sign3A_519 = arith.cmpi slt, %sub3A_512, %sign3A_518 : i32
          %sign3A_520 = arith.extui %sign3A_519 : i1 to i32
          %sign3A_521 = arith.subi %sign3A_517, %sign3A_520 : i32
          %sign3A_522 = arith.constant 0 : i32
          %sign3A_523 = arith.cmpi sgt, %jit3A_513, %sign3A_522 : i32
          %sign3A_524 = arith.extui %sign3A_523 : i1 to i32
          %sign3A_525 = arith.constant 0 : i32
          %sign3A_526 = arith.cmpi slt, %jit3A_513, %sign3A_525 : i32
          %sign3A_527 = arith.extui %sign3A_526 : i1 to i32
          %sign3A_528 = arith.subi %sign3A_524, %sign3A_527 : i32
          %ne3A_529 = arith.cmpi ne, %sign3A_521, %sign3A_528 : i32
          %rem3A_530 = arith.remsi %sub3A_512, %jit3A_513 : i32
          %ne3A_531 = arith.constant 0 : i32
          %ne3A_532 = arith.cmpi ne, %rem3A_530, %ne3A_531 : i32
          %and3A_533 = arith.andi %ne3A_529, %ne3A_532 : i1
          %sub3A_534 = arith.constant 1 : i32
          %sub3A_535 = arith.subi %div3A_514, %sub3A_534 : i32
          %select_n3A_536 = arith.select %and3A_533, %sub3A_535, %div3A_514 : i32
          %jit3A_537 = arith.constant 2 : i32
          %eq3A_538 = arith.constant 0 : i32
          %eq3A_539 = arith.cmpi eq, %jit3A_537, %eq3A_538 : i32
          %jit3A_540 = arith.constant 1 : i32
          %select_n3A_541 = arith.select %eq3A_539, %jit3A_540, %jit3A_537 : i32
          %rem3A_542 = arith.remsi %sub3A_512, %select_n3A_541 : i32
          %ne3A_543 = arith.constant 0 : i32
          %ne3A_544 = arith.cmpi ne, %rem3A_542, %ne3A_543 : i32
          %lt3A_545 = arith.constant 0 : i32
          %lt3A_546 = arith.cmpi slt, %rem3A_542, %lt3A_545 : i32
          %lt3A_547 = arith.constant 0 : i32
          %lt3A_548 = arith.cmpi slt, %select_n3A_541, %lt3A_547 : i32
          %ne3A_549 = arith.xori %lt3A_546, %lt3A_548 : i1
          %and3A_550 = arith.andi %ne3A_549, %ne3A_544 : i1
          %add3A_551 = arith.addi %rem3A_542, %select_n3A_541 : i32
          %select_n3A_552 = arith.select %and3A_550, %add3A_551, %rem3A_542 : i32
          %mul3A_553 = arith.constant 64 : i32
          %mul3A_554 = arith.muli %select_n3A_552, %mul3A_553 : i32
          %dma_wait3A_555 = arith.constant 2 : i32
          %dma_wait3A_556 = arith.constant 0 : i32
          %dma_wait3A_557 = arith.constant 0 : i32
          %dma_wait3A_558 = tpu.memref_slice %arg6[%dma_wait3A_555, %dma_wait3A_556, %dma_wait3A_557] : memref<5x128x64xf32, #tpu.memory_space<vmem>> -> memref<1x128x64xf32, #tpu.memory_space<vmem>>
          %dma_wait3A_559 = tpu.memref_squeeze %dma_wait3A_558 : memref<1x128x64xf32, #tpu.memory_space<vmem>> -> memref<128x64xf32, #tpu.memory_space<vmem>>
          %dma_wait3A_560 = tpu.memref_slice %arg4[%select_n3A_536, %mul3A_2, %mul3A_554] : memref<15x4096x128xf32, #tpu.memory_space<hbm>> -> memref<1x128x64xf32, #tpu.memory_space<hbm>>
          %dma_wait3A_561 = tpu.memref_squeeze %dma_wait3A_560 : memref<1x128x64xf32, #tpu.memory_space<hbm>> -> memref<128x64xf32, #tpu.memory_space<hbm>>
          %dma_wait3A_562 = tpu.memref_slice %arg4[%select_n3A_536, %mul3A_2, %mul3A_554] : memref<15x4096x128xf32, #tpu.memory_space<hbm>> -> memref<1x128x64xf32, #tpu.memory_space<hbm>>
          %dma_wait3A_563 = tpu.memref_squeeze %dma_wait3A_562 : memref<1x128x64xf32, #tpu.memory_space<hbm>> -> memref<128x64xf32, #tpu.memory_space<hbm>>
          %dma_wait3A_564 = arith.constant 0 : i32
          %dma_wait3A_565 = arith.constant 0 : i32
          %dma_wait3A_566 = tpu.memref_slice %arg6[%dma_wait3A_555, %dma_wait3A_564, %dma_wait3A_565] : memref<5x128x64xf32, #tpu.memory_space<vmem>> -> memref<1x128x64xf32, #tpu.memory_space<vmem>>
          %dma_wait3A_567 = tpu.memref_squeeze %dma_wait3A_566 : memref<1x128x64xf32, #tpu.memory_space<vmem>> -> memref<128x64xf32, #tpu.memory_space<vmem>>
          tpu.wait_dma2 semaphore(%arg14 : memref<!tpu.dma_semaphore, #tpu.memory_space<semaphore_mem>>) src(%dma_wait3A_567 : memref<128x64xf32, #tpu.memory_space<vmem>>) dst(%dma_wait3A_563 : memref<128x64xf32, #tpu.memory_space<hbm>>)
        } else {
        }
        %dma_start3A_500 = arith.constant 2 : i32
        %dma_start3A_501 = arith.constant 0 : i32
        %dma_start3A_502 = arith.constant 0 : i32
        %dma_start3A_503 = tpu.memref_slice %arg6[%dma_start3A_500, %dma_start3A_501, %dma_start3A_502] : memref<5x128x64xf32, #tpu.memory_space<vmem>> -> memref<1x128x64xf32, #tpu.memory_space<vmem>>
        %dma_start3A_504 = tpu.memref_squeeze %dma_start3A_503 : memref<1x128x64xf32, #tpu.memory_space<vmem>> -> memref<128x64xf32, #tpu.memory_space<vmem>>
        %dma_start3A_505 = arith.constant 0 : i32
        %dma_start3A_506 = tpu.memref_slice %arg5[%add3A_490, %dma_start3A_505] : memref<30x128xi32, #tpu.memory_space<vmem>> -> memref<1x128xi32, #tpu.memory_space<vmem>>
        %dma_start3A_507 = tpu.memref_squeeze %dma_start3A_506 : memref<1x128xi32, #tpu.memory_space<vmem>> -> memref<128xi32, #tpu.memory_space<vmem>>
        %dma_start3A_508 = arith.constant 0 : i32
        %dma_start3A_509 = arith.constant 0 : i32
        %dma_start3A_510 = tpu.memref_slice %arg2[%dma_start3A_508, %dma_start3A_509] : memref<100000x64xf32, #tpu.memory_space<hbm>> -> memref<100000x64xf32, #tpu.memory_space<hbm>>
        tpu.enqueue_indirect_dma source(%dma_start3A_510 : memref<100000x64xf32, #tpu.memory_space<hbm>>) target(%dma_start3A_504 : memref<128x64xf32, #tpu.memory_space<vmem>>) offsets(%dma_start3A_507 : memref<128xi32, #tpu.memory_space<vmem>>) semaphore(%arg9 : memref<!tpu.dma_semaphore, #tpu.memory_space<semaphore_mem>>)
      } else {
      }
    }
    %scan3A_42 = arith.constant 6 : i32
    %dma_wait3A = arith.constant 0 : i32
    %dma_wait3A_43 = arith.constant 12 : i32
    %dma_wait3A_44 = arith.constant 0 : i32
    %dma_wait3A_45 = arith.constant 0 : i32
    %dma_wait3A_46 = tpu.memref_slice %arg6[%dma_wait3A, %dma_wait3A_44, %dma_wait3A_45] : memref<5x128x64xf32, #tpu.memory_space<vmem>> -> memref<1x128x64xf32, #tpu.memory_space<vmem>>
    %dma_wait3A_47 = tpu.memref_squeeze %dma_wait3A_46 : memref<1x128x64xf32, #tpu.memory_space<vmem>> -> memref<128x64xf32, #tpu.memory_space<vmem>>
    %dma_wait3A_48 = arith.constant 64 : i32
    %dma_wait3A_49 = tpu.memref_slice %arg4[%dma_wait3A_43, %mul3A_2, %dma_wait3A_48] : memref<15x4096x128xf32, #tpu.memory_space<hbm>> -> memref<1x128x64xf32, #tpu.memory_space<hbm>>
    %dma_wait3A_50 = tpu.memref_squeeze %dma_wait3A_49 : memref<1x128x64xf32, #tpu.memory_space<hbm>> -> memref<128x64xf32, #tpu.memory_space<hbm>>
    %dma_wait3A_51 = arith.constant 64 : i32
    %dma_wait3A_52 = tpu.memref_slice %arg4[%dma_wait3A_43, %mul3A_2, %dma_wait3A_51] : memref<15x4096x128xf32, #tpu.memory_space<hbm>> -> memref<1x128x64xf32, #tpu.memory_space<hbm>>
    %dma_wait3A_53 = tpu.memref_squeeze %dma_wait3A_52 : memref<1x128x64xf32, #tpu.memory_space<hbm>> -> memref<128x64xf32, #tpu.memory_space<hbm>>
    %dma_wait3A_54 = arith.constant 0 : i32
    %dma_wait3A_55 = arith.constant 0 : i32
    %dma_wait3A_56 = tpu.memref_slice %arg6[%dma_wait3A, %dma_wait3A_54, %dma_wait3A_55] : memref<5x128x64xf32, #tpu.memory_space<vmem>> -> memref<1x128x64xf32, #tpu.memory_space<vmem>>
    %dma_wait3A_57 = tpu.memref_squeeze %dma_wait3A_56 : memref<1x128x64xf32, #tpu.memory_space<vmem>> -> memref<128x64xf32, #tpu.memory_space<vmem>>
    tpu.wait_dma2 semaphore(%arg12 : memref<!tpu.dma_semaphore, #tpu.memory_space<semaphore_mem>>) src(%dma_wait3A_57 : memref<128x64xf32, #tpu.memory_space<vmem>>) dst(%dma_wait3A_53 : memref<128x64xf32, #tpu.memory_space<hbm>>)
    %dma_wait3A_58 = arith.constant 1 : i32
    %dma_wait3A_59 = arith.constant 13 : i32
    %dma_wait3A_60 = arith.constant 0 : i32
    %dma_wait3A_61 = arith.constant 0 : i32
    %dma_wait3A_62 = tpu.memref_slice %arg6[%dma_wait3A_58, %dma_wait3A_60, %dma_wait3A_61] : memref<5x128x64xf32, #tpu.memory_space<vmem>> -> memref<1x128x64xf32, #tpu.memory_space<vmem>>
    %dma_wait3A_63 = tpu.memref_squeeze %dma_wait3A_62 : memref<1x128x64xf32, #tpu.memory_space<vmem>> -> memref<128x64xf32, #tpu.memory_space<vmem>>
    %dma_wait3A_64 = arith.constant 0 : i32
    %dma_wait3A_65 = tpu.memref_slice %arg4[%dma_wait3A_59, %mul3A_2, %dma_wait3A_64] : memref<15x4096x128xf32, #tpu.memory_space<hbm>> -> memref<1x128x64xf32, #tpu.memory_space<hbm>>
    %dma_wait3A_66 = tpu.memref_squeeze %dma_wait3A_65 : memref<1x128x64xf32, #tpu.memory_space<hbm>> -> memref<128x64xf32, #tpu.memory_space<hbm>>
    %dma_wait3A_67 = arith.constant 0 : i32
    %dma_wait3A_68 = tpu.memref_slice %arg4[%dma_wait3A_59, %mul3A_2, %dma_wait3A_67] : memref<15x4096x128xf32, #tpu.memory_space<hbm>> -> memref<1x128x64xf32, #tpu.memory_space<hbm>>
    %dma_wait3A_69 = tpu.memref_squeeze %dma_wait3A_68 : memref<1x128x64xf32, #tpu.memory_space<hbm>> -> memref<128x64xf32, #tpu.memory_space<hbm>>
    %dma_wait3A_70 = arith.constant 0 : i32
    %dma_wait3A_71 = arith.constant 0 : i32
    %dma_wait3A_72 = tpu.memref_slice %arg6[%dma_wait3A_58, %dma_wait3A_70, %dma_wait3A_71] : memref<5x128x64xf32, #tpu.memory_space<vmem>> -> memref<1x128x64xf32, #tpu.memory_space<vmem>>
    %dma_wait3A_73 = tpu.memref_squeeze %dma_wait3A_72 : memref<1x128x64xf32, #tpu.memory_space<vmem>> -> memref<128x64xf32, #tpu.memory_space<vmem>>
    tpu.wait_dma2 semaphore(%arg13 : memref<!tpu.dma_semaphore, #tpu.memory_space<semaphore_mem>>) src(%dma_wait3A_73 : memref<128x64xf32, #tpu.memory_space<vmem>>) dst(%dma_wait3A_69 : memref<128x64xf32, #tpu.memory_space<hbm>>)
    %dma_wait3A_74 = arith.constant 2 : i32
    %dma_wait3A_75 = arith.constant 13 : i32
    %dma_wait3A_76 = arith.constant 0 : i32
    %dma_wait3A_77 = arith.constant 0 : i32
    %dma_wait3A_78 = tpu.memref_slice %arg6[%dma_wait3A_74, %dma_wait3A_76, %dma_wait3A_77] : memref<5x128x64xf32, #tpu.memory_space<vmem>> -> memref<1x128x64xf32, #tpu.memory_space<vmem>>
    %dma_wait3A_79 = tpu.memref_squeeze %dma_wait3A_78 : memref<1x128x64xf32, #tpu.memory_space<vmem>> -> memref<128x64xf32, #tpu.memory_space<vmem>>
    %dma_wait3A_80 = arith.constant 64 : i32
    %dma_wait3A_81 = tpu.memref_slice %arg4[%dma_wait3A_75, %mul3A_2, %dma_wait3A_80] : memref<15x4096x128xf32, #tpu.memory_space<hbm>> -> memref<1x128x64xf32, #tpu.memory_space<hbm>>
    %dma_wait3A_82 = tpu.memref_squeeze %dma_wait3A_81 : memref<1x128x64xf32, #tpu.memory_space<hbm>> -> memref<128x64xf32, #tpu.memory_space<hbm>>
    %dma_wait3A_83 = arith.constant 64 : i32
    %dma_wait3A_84 = tpu.memref_slice %arg4[%dma_wait3A_75, %mul3A_2, %dma_wait3A_83] : memref<15x4096x128xf32, #tpu.memory_space<hbm>> -> memref<1x128x64xf32, #tpu.memory_space<hbm>>
    %dma_wait3A_85 = tpu.memref_squeeze %dma_wait3A_84 : memref<1x128x64xf32, #tpu.memory_space<hbm>> -> memref<128x64xf32, #tpu.memory_space<hbm>>
    %dma_wait3A_86 = arith.constant 0 : i32
    %dma_wait3A_87 = arith.constant 0 : i32
    %dma_wait3A_88 = tpu.memref_slice %arg6[%dma_wait3A_74, %dma_wait3A_86, %dma_wait3A_87] : memref<5x128x64xf32, #tpu.memory_space<vmem>> -> memref<1x128x64xf32, #tpu.memory_space<vmem>>
    %dma_wait3A_89 = tpu.memref_squeeze %dma_wait3A_88 : memref<1x128x64xf32, #tpu.memory_space<vmem>> -> memref<128x64xf32, #tpu.memory_space<vmem>>
    tpu.wait_dma2 semaphore(%arg14 : memref<!tpu.dma_semaphore, #tpu.memory_space<semaphore_mem>>) src(%dma_wait3A_89 : memref<128x64xf32, #tpu.memory_space<vmem>>) dst(%dma_wait3A_85 : memref<128x64xf32, #tpu.memory_space<hbm>>)
    %dma_wait3A_90 = arith.constant 3 : i32
    %dma_wait3A_91 = arith.constant 14 : i32
    %dma_wait3A_92 = arith.constant 0 : i32
    %dma_wait3A_93 = arith.constant 0 : i32
    %dma_wait3A_94 = tpu.memref_slice %arg6[%dma_wait3A_90, %dma_wait3A_92, %dma_wait3A_93] : memref<5x128x64xf32, #tpu.memory_space<vmem>> -> memref<1x128x64xf32, #tpu.memory_space<vmem>>
    %dma_wait3A_95 = tpu.memref_squeeze %dma_wait3A_94 : memref<1x128x64xf32, #tpu.memory_space<vmem>> -> memref<128x64xf32, #tpu.memory_space<vmem>>
    %dma_wait3A_96 = arith.constant 0 : i32
    %dma_wait3A_97 = tpu.memref_slice %arg4[%dma_wait3A_91, %mul3A_2, %dma_wait3A_96] : memref<15x4096x128xf32, #tpu.memory_space<hbm>> -> memref<1x128x64xf32, #tpu.memory_space<hbm>>
    %dma_wait3A_98 = tpu.memref_squeeze %dma_wait3A_97 : memref<1x128x64xf32, #tpu.memory_space<hbm>> -> memref<128x64xf32, #tpu.memory_space<hbm>>
    %dma_wait3A_99 = arith.constant 0 : i32
    %dma_wait3A_100 = tpu.memref_slice %arg4[%dma_wait3A_91, %mul3A_2, %dma_wait3A_99] : memref<15x4096x128xf32, #tpu.memory_space<hbm>> -> memref<1x128x64xf32, #tpu.memory_space<hbm>>
    %dma_wait3A_101 = tpu.memref_squeeze %dma_wait3A_100 : memref<1x128x64xf32, #tpu.memory_space<hbm>> -> memref<128x64xf32, #tpu.memory_space<hbm>>
    %dma_wait3A_102 = arith.constant 0 : i32
    %dma_wait3A_103 = arith.constant 0 : i32
    %dma_wait3A_104 = tpu.memref_slice %arg6[%dma_wait3A_90, %dma_wait3A_102, %dma_wait3A_103] : memref<5x128x64xf32, #tpu.memory_space<vmem>> -> memref<1x128x64xf32, #tpu.memory_space<vmem>>
    %dma_wait3A_105 = tpu.memref_squeeze %dma_wait3A_104 : memref<1x128x64xf32, #tpu.memory_space<vmem>> -> memref<128x64xf32, #tpu.memory_space<vmem>>
    tpu.wait_dma2 semaphore(%arg15 : memref<!tpu.dma_semaphore, #tpu.memory_space<semaphore_mem>>) src(%dma_wait3A_105 : memref<128x64xf32, #tpu.memory_space<vmem>>) dst(%dma_wait3A_101 : memref<128x64xf32, #tpu.memory_space<hbm>>)
    %dma_wait3A_106 = arith.constant 4 : i32
    %dma_wait3A_107 = arith.constant 14 : i32
    %dma_wait3A_108 = arith.constant 0 : i32
    %dma_wait3A_109 = arith.constant 0 : i32
    %dma_wait3A_110 = tpu.memref_slice %arg6[%dma_wait3A_106, %dma_wait3A_108, %dma_wait3A_109] : memref<5x128x64xf32, #tpu.memory_space<vmem>> -> memref<1x128x64xf32, #tpu.memory_space<vmem>>
    %dma_wait3A_111 = tpu.memref_squeeze %dma_wait3A_110 : memref<1x128x64xf32, #tpu.memory_space<vmem>> -> memref<128x64xf32, #tpu.memory_space<vmem>>
    %dma_wait3A_112 = arith.constant 64 : i32
    %dma_wait3A_113 = tpu.memref_slice %arg4[%dma_wait3A_107, %mul3A_2, %dma_wait3A_112] : memref<15x4096x128xf32, #tpu.memory_space<hbm>> -> memref<1x128x64xf32, #tpu.memory_space<hbm>>
    %dma_wait3A_114 = tpu.memref_squeeze %dma_wait3A_113 : memref<1x128x64xf32, #tpu.memory_space<hbm>> -> memref<128x64xf32, #tpu.memory_space<hbm>>
    %dma_wait3A_115 = arith.constant 64 : i32
    %dma_wait3A_116 = tpu.memref_slice %arg4[%dma_wait3A_107, %mul3A_2, %dma_wait3A_115] : memref<15x4096x128xf32, #tpu.memory_space<hbm>> -> memref<1x128x64xf32, #tpu.memory_space<hbm>>
    %dma_wait3A_117 = tpu.memref_squeeze %dma_wait3A_116 : memref<1x128x64xf32, #tpu.memory_space<hbm>> -> memref<128x64xf32, #tpu.memory_space<hbm>>
    %dma_wait3A_118 = arith.constant 0 : i32
    %dma_wait3A_119 = arith.constant 0 : i32
    %dma_wait3A_120 = tpu.memref_slice %arg6[%dma_wait3A_106, %dma_wait3A_118, %dma_wait3A_119] : memref<5x128x64xf32, #tpu.memory_space<vmem>> -> memref<1x128x64xf32, #tpu.memory_space<vmem>>
    %dma_wait3A_121 = tpu.memref_squeeze %dma_wait3A_120 : memref<1x128x64xf32, #tpu.memory_space<vmem>> -> memref<128x64xf32, #tpu.memory_space<vmem>>
    tpu.wait_dma2 semaphore(%arg16 : memref<!tpu.dma_semaphore, #tpu.memory_space<semaphore_mem>>) src(%dma_wait3A_121 : memref<128x64xf32, #tpu.memory_space<vmem>>) dst(%dma_wait3A_117 : memref<128x64xf32, #tpu.memory_space<hbm>>)
    return
  }
}

#map = affine_map<(d0, d1) -> (0, 0)>
#map1 = affine_map<(d0, d1) -> (0, 0, 0)>
module attributes {stable_mosaic.version = 14 : i64} {
  func.func @gather_kernel(%arg0: i32, %arg1: i32, %arg2: memref<100000x64xf32, #tpu.memory_space<hbm>>, %arg3: memref<56x4096xi32, #tpu.memory_space<hbm>>, %arg4: memref<10x4096x128xf32, #tpu.memory_space<hbm>>, %arg5: memref<20x128xi32, #tpu.memory_space<vmem>>, %arg6: memref<5x128x64xf32, #tpu.memory_space<vmem>>, %arg7: memref<!tpu.dma_semaphore, #tpu.memory_space<semaphore_mem>>, %arg8: memref<!tpu.dma_semaphore, #tpu.memory_space<semaphore_mem>>, %arg9: memref<!tpu.dma_semaphore, #tpu.memory_space<semaphore_mem>>, %arg10: memref<!tpu.dma_semaphore, #tpu.memory_space<semaphore_mem>>, %arg11: memref<!tpu.dma_semaphore, #tpu.memory_space<semaphore_mem>>, %arg12: memref<!tpu.dma_semaphore, #tpu.memory_space<semaphore_mem>>, %arg13: memref<!tpu.dma_semaphore, #tpu.memory_space<semaphore_mem>>, %arg14: memref<!tpu.dma_semaphore, #tpu.memory_space<semaphore_mem>>, %arg15: memref<!tpu.dma_semaphore, #tpu.memory_space<semaphore_mem>>, %arg16: memref<!tpu.dma_semaphore, #tpu.memory_space<semaphore_mem>>) attributes {dimension_semantics = [#tpu.dimension_semantics<core_parallel>, #tpu.dimension_semantics<subcore_parallel>], iteration_bounds = array<i64: 2, 16>, scalar_prefetch = 0 : i64, scratch_operands = 12 : i64, tpu.core_type = #tpu.core_type<sc_vector_subcore>, window_params = [{transform_indices = #map}, {transform_indices = #map}, {transform_indices = #map1}]} {
    %mul3A = arith.constant 2 : i32
    %mul3A_0 = arith.muli %arg1, %mul3A : i32
    %add3A = arith.addi %mul3A_0, %arg0 : i32
    %mul3A_1 = arith.constant 128 : i32
    %mul3A_2 = arith.muli %add3A, %mul3A_1 : i32
    "tpu.region"() ({
      %run_scoped3A = tpu.sem_alloc : memref<!tpu.dma_semaphore, #tpu.memory_space<semaphore_mem>>
      %dma_start3A_122 = arith.constant 0 : i32
      %dma_start3A_123 = tpu.memref_slice %arg3[%dma_start3A_122, %mul3A_2] : memref<56x4096xi32, #tpu.memory_space<hbm>> -> memref<20x128xi32, #tpu.memory_space<hbm>>
      %dma_start3A_124 = arith.constant 0 : i32
      %dma_start3A_125 = tpu.memref_slice %arg3[%dma_start3A_124, %mul3A_2] : memref<56x4096xi32, #tpu.memory_space<hbm>> -> memref<20x128xi32, #tpu.memory_space<hbm>>
      tpu.enqueue_dma source(%dma_start3A_125 : memref<20x128xi32, #tpu.memory_space<hbm>>) target(%arg5 : memref<20x128xi32, #tpu.memory_space<vmem>>) target_semaphore(%run_scoped3A : memref<!tpu.dma_semaphore, #tpu.memory_space<semaphore_mem>>)
      %dma_wait3A_126 = arith.constant 0 : i32
      %dma_wait3A_127 = tpu.memref_slice %arg3[%dma_wait3A_126, %mul3A_2] : memref<56x4096xi32, #tpu.memory_space<hbm>> -> memref<20x128xi32, #tpu.memory_space<hbm>>
      %dma_wait3A_128 = arith.constant 0 : i32
      %dma_wait3A_129 = tpu.memref_slice %arg3[%dma_wait3A_128, %mul3A_2] : memref<56x4096xi32, #tpu.memory_space<hbm>> -> memref<20x128xi32, #tpu.memory_space<hbm>>
      tpu.wait_dma2 semaphore(%run_scoped3A : memref<!tpu.dma_semaphore, #tpu.memory_space<semaphore_mem>>) src(%dma_wait3A_129 : memref<20x128xi32, #tpu.memory_space<hbm>>) dst(%arg5 : memref<20x128xi32, #tpu.memory_space<vmem>>)
      tpu.yield
    }) : () -> ()
    %dma_start3A = arith.constant 0 : i32
    %dma_start3A_3 = arith.constant 0 : i32
    %dma_start3A_4 = arith.constant 0 : i32
    %dma_start3A_5 = arith.constant 0 : i32
    %dma_start3A_6 = tpu.memref_slice %arg6[%dma_start3A_3, %dma_start3A_4, %dma_start3A_5] : memref<5x128x64xf32, #tpu.memory_space<vmem>> -> memref<1x128x64xf32, #tpu.memory_space<vmem>>
    %dma_start3A_7 = tpu.memref_squeeze %dma_start3A_6 : memref<1x128x64xf32, #tpu.memory_space<vmem>> -> memref<128x64xf32, #tpu.memory_space<vmem>>
    %dma_start3A_8 = arith.constant 0 : i32
    %dma_start3A_9 = tpu.memref_slice %arg5[%dma_start3A, %dma_start3A_8] : memref<20x128xi32, #tpu.memory_space<vmem>> -> memref<1x128xi32, #tpu.memory_space<vmem>>
    %dma_start3A_10 = tpu.memref_squeeze %dma_start3A_9 : memref<1x128xi32, #tpu.memory_space<vmem>> -> memref<128xi32, #tpu.memory_space<vmem>>
    %dma_start3A_11 = arith.constant 0 : i32
    %dma_start3A_12 = arith.constant 0 : i32
    %dma_start3A_13 = tpu.memref_slice %arg2[%dma_start3A_11, %dma_start3A_12] : memref<100000x64xf32, #tpu.memory_space<hbm>> -> memref<100000x64xf32, #tpu.memory_space<hbm>>
    tpu.enqueue_indirect_dma source(%dma_start3A_13 : memref<100000x64xf32, #tpu.memory_space<hbm>>) target(%dma_start3A_7 : memref<128x64xf32, #tpu.memory_space<vmem>>) offsets(%dma_start3A_10 : memref<128xi32, #tpu.memory_space<vmem>>) semaphore(%arg7 : memref<!tpu.dma_semaphore, #tpu.memory_space<semaphore_mem>>)
    %dma_start3A_14 = arith.constant 1 : i32
    %dma_start3A_15 = arith.constant 1 : i32
    %dma_start3A_16 = arith.constant 0 : i32
    %dma_start3A_17 = arith.constant 0 : i32
    %dma_start3A_18 = tpu.memref_slice %arg6[%dma_start3A_15, %dma_start3A_16, %dma_start3A_17] : memref<5x128x64xf32, #tpu.memory_space<vmem>> -> memref<1x128x64xf32, #tpu.memory_space<vmem>>
    %dma_start3A_19 = tpu.memref_squeeze %dma_start3A_18 : memref<1x128x64xf32, #tpu.memory_space<vmem>> -> memref<128x64xf32, #tpu.memory_space<vmem>>
    %dma_start3A_20 = arith.constant 0 : i32
    %dma_start3A_21 = tpu.memref_slice %arg5[%dma_start3A_14, %dma_start3A_20] : memref<20x128xi32, #tpu.memory_space<vmem>> -> memref<1x128xi32, #tpu.memory_space<vmem>>
    %dma_start3A_22 = tpu.memref_squeeze %dma_start3A_21 : memref<1x128xi32, #tpu.memory_space<vmem>> -> memref<128xi32, #tpu.memory_space<vmem>>
    %dma_start3A_23 = arith.constant 0 : i32
    %dma_start3A_24 = arith.constant 0 : i32
    %dma_start3A_25 = tpu.memref_slice %arg2[%dma_start3A_23, %dma_start3A_24] : memref<100000x64xf32, #tpu.memory_space<hbm>> -> memref<100000x64xf32, #tpu.memory_space<hbm>>
    tpu.enqueue_indirect_dma source(%dma_start3A_25 : memref<100000x64xf32, #tpu.memory_space<hbm>>) target(%dma_start3A_19 : memref<128x64xf32, #tpu.memory_space<vmem>>) offsets(%dma_start3A_22 : memref<128xi32, #tpu.memory_space<vmem>>) semaphore(%arg8 : memref<!tpu.dma_semaphore, #tpu.memory_space<semaphore_mem>>)
    %dma_start3A_26 = arith.constant 2 : i32
    %dma_start3A_27 = arith.constant 2 : i32
    %dma_start3A_28 = arith.constant 0 : i32
    %dma_start3A_29 = arith.constant 0 : i32
    %dma_start3A_30 = tpu.memref_slice %arg6[%dma_start3A_27, %dma_start3A_28, %dma_start3A_29] : memref<5x128x64xf32, #tpu.memory_space<vmem>> -> memref<1x128x64xf32, #tpu.memory_space<vmem>>
    %dma_start3A_31 = tpu.memref_squeeze %dma_start3A_30 : memref<1x128x64xf32, #tpu.memory_space<vmem>> -> memref<128x64xf32, #tpu.memory_space<vmem>>
    %dma_start3A_32 = arith.constant 0 : i32
    %dma_start3A_33 = tpu.memref_slice %arg5[%dma_start3A_26, %dma_start3A_32] : memref<20x128xi32, #tpu.memory_space<vmem>> -> memref<1x128xi32, #tpu.memory_space<vmem>>
    %dma_start3A_34 = tpu.memref_squeeze %dma_start3A_33 : memref<1x128xi32, #tpu.memory_space<vmem>> -> memref<128xi32, #tpu.memory_space<vmem>>
    %dma_start3A_35 = arith.constant 0 : i32
    %dma_start3A_36 = arith.constant 0 : i32
    %dma_start3A_37 = tpu.memref_slice %arg2[%dma_start3A_35, %dma_start3A_36] : memref<100000x64xf32, #tpu.memory_space<hbm>> -> memref<100000x64xf32, #tpu.memory_space<hbm>>
    tpu.enqueue_indirect_dma source(%dma_start3A_37 : memref<100000x64xf32, #tpu.memory_space<hbm>>) target(%dma_start3A_31 : memref<128x64xf32, #tpu.memory_space<vmem>>) offsets(%dma_start3A_34 : memref<128xi32, #tpu.memory_space<vmem>>) semaphore(%arg9 : memref<!tpu.dma_semaphore, #tpu.memory_space<semaphore_mem>>)
    %scan3A = arith.constant 0 : i32
    %scan3A_38 = arith.constant 0 : i32
    %scan3A_39 = arith.constant 4 : i32
    %scan3A_40 = arith.addi %scan3A_38, %scan3A_39 : i32
    %scan3A_41 = arith.constant 1 : i32
    scf.for %scan3A_122 = %scan3A_38 to %scan3A_40 step %scan3A_41  : i32 {
      %mul3A_123 = arith.constant 5 : i32
      %mul3A_124 = arith.muli %scan3A_122, %mul3A_123 : i32
      %add3A_125 = arith.constant 0 : i32
      %add3A_126 = arith.addi %mul3A_124, %add3A_125 : i32
      %dma_wait3A_127 = arith.constant 0 : i32
      %dma_wait3A_128 = arith.constant 0 : i32
      %dma_wait3A_129 = arith.constant 0 : i32
      %dma_wait3A_130 = tpu.memref_slice %arg6[%dma_wait3A_127, %dma_wait3A_128, %dma_wait3A_129] : memref<5x128x64xf32, #tpu.memory_space<vmem>> -> memref<1x128x64xf32, #tpu.memory_space<vmem>>
      %dma_wait3A_131 = tpu.memref_squeeze %dma_wait3A_130 : memref<1x128x64xf32, #tpu.memory_space<vmem>> -> memref<128x64xf32, #tpu.memory_space<vmem>>
      %dma_wait3A_132 = arith.constant 0 : i32
      %dma_wait3A_133 = tpu.memref_slice %arg5[%add3A_126, %dma_wait3A_132] : memref<20x128xi32, #tpu.memory_space<vmem>> -> memref<1x128xi32, #tpu.memory_space<vmem>>
      %dma_wait3A_134 = tpu.memref_squeeze %dma_wait3A_133 : memref<1x128xi32, #tpu.memory_space<vmem>> -> memref<128xi32, #tpu.memory_space<vmem>>
      %dma_wait3A_135 = arith.constant 0 : i32
      %dma_wait3A_136 = arith.constant 0 : i32
      %dma_wait3A_137 = tpu.memref_slice %arg2[%dma_wait3A_135, %dma_wait3A_136] : memref<100000x64xf32, #tpu.memory_space<hbm>> -> memref<100000x64xf32, #tpu.memory_space<hbm>>
      tpu.wait_indirect_dma semaphore(%arg7 : memref<!tpu.dma_semaphore, #tpu.memory_space<semaphore_mem>>) src(%dma_wait3A_137 : memref<100000x64xf32, #tpu.memory_space<hbm>>) dst(%dma_wait3A_131 : memref<128x64xf32, #tpu.memory_space<vmem>>)
      %jit3A = arith.constant 2 : i32
      %div3A = arith.divsi %add3A_126, %jit3A : i32
      %sign3A = arith.constant 0 : i32
      %sign3A_138 = arith.cmpi sgt, %add3A_126, %sign3A : i32
      %sign3A_139 = arith.extui %sign3A_138 : i1 to i32
      %sign3A_140 = arith.constant 0 : i32
      %sign3A_141 = arith.cmpi slt, %add3A_126, %sign3A_140 : i32
      %sign3A_142 = arith.extui %sign3A_141 : i1 to i32
      %sign3A_143 = arith.subi %sign3A_139, %sign3A_142 : i32
      %sign3A_144 = arith.constant 0 : i32
      %sign3A_145 = arith.cmpi sgt, %jit3A, %sign3A_144 : i32
      %sign3A_146 = arith.extui %sign3A_145 : i1 to i32
      %sign3A_147 = arith.constant 0 : i32
      %sign3A_148 = arith.cmpi slt, %jit3A, %sign3A_147 : i32
      %sign3A_149 = arith.extui %sign3A_148 : i1 to i32
      %sign3A_150 = arith.subi %sign3A_146, %sign3A_149 : i32
      %ne3A = arith.cmpi ne, %sign3A_143, %sign3A_150 : i32
      %rem3A = arith.remsi %add3A_126, %jit3A : i32
      %ne3A_151 = arith.constant 0 : i32
      %ne3A_152 = arith.cmpi ne, %rem3A, %ne3A_151 : i32
      %and3A = arith.andi %ne3A, %ne3A_152 : i1
      %sub3A = arith.constant 1 : i32
      %sub3A_153 = arith.subi %div3A, %sub3A : i32
      %select_n3A = arith.select %and3A, %sub3A_153, %div3A : i32
      %jit3A_154 = arith.constant 2 : i32
      %eq3A = arith.constant 0 : i32
      %eq3A_155 = arith.cmpi eq, %jit3A_154, %eq3A : i32
      %jit3A_156 = arith.constant 1 : i32
      %select_n3A_157 = arith.select %eq3A_155, %jit3A_156, %jit3A_154 : i32
      %rem3A_158 = arith.remsi %add3A_126, %select_n3A_157 : i32
      %ne3A_159 = arith.constant 0 : i32
      %ne3A_160 = arith.cmpi ne, %rem3A_158, %ne3A_159 : i32
      %lt3A = arith.constant 0 : i32
      %lt3A_161 = arith.cmpi slt, %rem3A_158, %lt3A : i32
      %lt3A_162 = arith.constant 0 : i32
      %lt3A_163 = arith.cmpi slt, %select_n3A_157, %lt3A_162 : i32
      %ne3A_164 = arith.xori %lt3A_161, %lt3A_163 : i1
      %and3A_165 = arith.andi %ne3A_164, %ne3A_160 : i1
      %add3A_166 = arith.addi %rem3A_158, %select_n3A_157 : i32
      %select_n3A_167 = arith.select %and3A_165, %add3A_166, %rem3A_158 : i32
      %mul3A_168 = arith.constant 64 : i32
      %mul3A_169 = arith.muli %select_n3A_167, %mul3A_168 : i32
      %dma_start3A_170 = arith.constant 0 : i32
      %dma_start3A_171 = arith.constant 0 : i32
      %dma_start3A_172 = arith.constant 0 : i32
      %dma_start3A_173 = tpu.memref_slice %arg6[%dma_start3A_170, %dma_start3A_171, %dma_start3A_172] : memref<5x128x64xf32, #tpu.memory_space<vmem>> -> memref<1x128x64xf32, #tpu.memory_space<vmem>>
      %dma_start3A_174 = tpu.memref_squeeze %dma_start3A_173 : memref<1x128x64xf32, #tpu.memory_space<vmem>> -> memref<128x64xf32, #tpu.memory_space<vmem>>
      %dma_start3A_175 = tpu.memref_slice %arg4[%select_n3A, %mul3A_2, %mul3A_169] : memref<10x4096x128xf32, #tpu.memory_space<hbm>> -> memref<1x128x64xf32, #tpu.memory_space<hbm>>
      %dma_start3A_176 = tpu.memref_squeeze %dma_start3A_175 : memref<1x128x64xf32, #tpu.memory_space<hbm>> -> memref<128x64xf32, #tpu.memory_space<hbm>>
      %dma_start3A_177 = tpu.memref_slice %arg4[%select_n3A, %mul3A_2, %mul3A_169] : memref<10x4096x128xf32, #tpu.memory_space<hbm>> -> memref<1x128x64xf32, #tpu.memory_space<hbm>>
      %dma_start3A_178 = tpu.memref_squeeze %dma_start3A_177 : memref<1x128x64xf32, #tpu.memory_space<hbm>> -> memref<128x64xf32, #tpu.memory_space<hbm>>
      %dma_start3A_179 = arith.constant 0 : i32
      %dma_start3A_180 = arith.constant 0 : i32
      %dma_start3A_181 = tpu.memref_slice %arg6[%dma_start3A_170, %dma_start3A_179, %dma_start3A_180] : memref<5x128x64xf32, #tpu.memory_space<vmem>> -> memref<1x128x64xf32, #tpu.memory_space<vmem>>
      %dma_start3A_182 = tpu.memref_squeeze %dma_start3A_181 : memref<1x128x64xf32, #tpu.memory_space<vmem>> -> memref<128x64xf32, #tpu.memory_space<vmem>>
      tpu.enqueue_dma source(%dma_start3A_182 : memref<128x64xf32, #tpu.memory_space<vmem>>) target(%dma_start3A_178 : memref<128x64xf32, #tpu.memory_space<hbm>>) target_semaphore(%arg12 : memref<!tpu.dma_semaphore, #tpu.memory_space<semaphore_mem>>)
      %add3A_183 = arith.constant 3 : i32
      %add3A_184 = arith.addi %add3A_126, %add3A_183 : i32
      %lt3A_185 = arith.constant 20 : i32
      %lt3A_186 = arith.cmpi slt, %add3A_184, %lt3A_185 : i32
      %convert_element_type3A = arith.extui %lt3A_186 : i1 to i32
      %cond3A = arith.constant 0 : i32
      %cond3A_187 = arith.cmpi ne, %convert_element_type3A, %cond3A : i32
      scf.if %cond3A_187 {
        %ge3A = arith.constant 5 : i32
        %ge3A_496 = arith.cmpi sge, %add3A_184, %ge3A : i32
        %convert_element_type3A_497 = arith.extui %ge3A_496 : i1 to i32
        %cond3A_498 = arith.constant 0 : i32
        %cond3A_499 = arith.cmpi ne, %convert_element_type3A_497, %cond3A_498 : i32
        scf.if %cond3A_499 {
          %sub3A_511 = arith.constant 5 : i32
          %sub3A_512 = arith.subi %add3A_184, %sub3A_511 : i32
          %jit3A_513 = arith.constant 2 : i32
          %div3A_514 = arith.divsi %sub3A_512, %jit3A_513 : i32
          %sign3A_515 = arith.constant 0 : i32
          %sign3A_516 = arith.cmpi sgt, %sub3A_512, %sign3A_515 : i32
          %sign3A_517 = arith.extui %sign3A_516 : i1 to i32
          %sign3A_518 = arith.constant 0 : i32
          %sign3A_519 = arith.cmpi slt, %sub3A_512, %sign3A_518 : i32
          %sign3A_520 = arith.extui %sign3A_519 : i1 to i32
          %sign3A_521 = arith.subi %sign3A_517, %sign3A_520 : i32
          %sign3A_522 = arith.constant 0 : i32
          %sign3A_523 = arith.cmpi sgt, %jit3A_513, %sign3A_522 : i32
          %sign3A_524 = arith.extui %sign3A_523 : i1 to i32
          %sign3A_525 = arith.constant 0 : i32
          %sign3A_526 = arith.cmpi slt, %jit3A_513, %sign3A_525 : i32
          %sign3A_527 = arith.extui %sign3A_526 : i1 to i32
          %sign3A_528 = arith.subi %sign3A_524, %sign3A_527 : i32
          %ne3A_529 = arith.cmpi ne, %sign3A_521, %sign3A_528 : i32
          %rem3A_530 = arith.remsi %sub3A_512, %jit3A_513 : i32
          %ne3A_531 = arith.constant 0 : i32
          %ne3A_532 = arith.cmpi ne, %rem3A_530, %ne3A_531 : i32
          %and3A_533 = arith.andi %ne3A_529, %ne3A_532 : i1
          %sub3A_534 = arith.constant 1 : i32
          %sub3A_535 = arith.subi %div3A_514, %sub3A_534 : i32
          %select_n3A_536 = arith.select %and3A_533, %sub3A_535, %div3A_514 : i32
          %jit3A_537 = arith.constant 2 : i32
          %eq3A_538 = arith.constant 0 : i32
          %eq3A_539 = arith.cmpi eq, %jit3A_537, %eq3A_538 : i32
          %jit3A_540 = arith.constant 1 : i32
          %select_n3A_541 = arith.select %eq3A_539, %jit3A_540, %jit3A_537 : i32
          %rem3A_542 = arith.remsi %sub3A_512, %select_n3A_541 : i32
          %ne3A_543 = arith.constant 0 : i32
          %ne3A_544 = arith.cmpi ne, %rem3A_542, %ne3A_543 : i32
          %lt3A_545 = arith.constant 0 : i32
          %lt3A_546 = arith.cmpi slt, %rem3A_542, %lt3A_545 : i32
          %lt3A_547 = arith.constant 0 : i32
          %lt3A_548 = arith.cmpi slt, %select_n3A_541, %lt3A_547 : i32
          %ne3A_549 = arith.xori %lt3A_546, %lt3A_548 : i1
          %and3A_550 = arith.andi %ne3A_549, %ne3A_544 : i1
          %add3A_551 = arith.addi %rem3A_542, %select_n3A_541 : i32
          %select_n3A_552 = arith.select %and3A_550, %add3A_551, %rem3A_542 : i32
          %mul3A_553 = arith.constant 64 : i32
          %mul3A_554 = arith.muli %select_n3A_552, %mul3A_553 : i32
          %dma_wait3A_555 = arith.constant 3 : i32
          %dma_wait3A_556 = arith.constant 0 : i32
          %dma_wait3A_557 = arith.constant 0 : i32
          %dma_wait3A_558 = tpu.memref_slice %arg6[%dma_wait3A_555, %dma_wait3A_556, %dma_wait3A_557] : memref<5x128x64xf32, #tpu.memory_space<vmem>> -> memref<1x128x64xf32, #tpu.memory_space<vmem>>
          %dma_wait3A_559 = tpu.memref_squeeze %dma_wait3A_558 : memref<1x128x64xf32, #tpu.memory_space<vmem>> -> memref<128x64xf32, #tpu.memory_space<vmem>>
          %dma_wait3A_560 = tpu.memref_slice %arg4[%select_n3A_536, %mul3A_2, %mul3A_554] : memref<10x4096x128xf32, #tpu.memory_space<hbm>> -> memref<1x128x64xf32, #tpu.memory_space<hbm>>
          %dma_wait3A_561 = tpu.memref_squeeze %dma_wait3A_560 : memref<1x128x64xf32, #tpu.memory_space<hbm>> -> memref<128x64xf32, #tpu.memory_space<hbm>>
          %dma_wait3A_562 = tpu.memref_slice %arg4[%select_n3A_536, %mul3A_2, %mul3A_554] : memref<10x4096x128xf32, #tpu.memory_space<hbm>> -> memref<1x128x64xf32, #tpu.memory_space<hbm>>
          %dma_wait3A_563 = tpu.memref_squeeze %dma_wait3A_562 : memref<1x128x64xf32, #tpu.memory_space<hbm>> -> memref<128x64xf32, #tpu.memory_space<hbm>>
          %dma_wait3A_564 = arith.constant 0 : i32
          %dma_wait3A_565 = arith.constant 0 : i32
          %dma_wait3A_566 = tpu.memref_slice %arg6[%dma_wait3A_555, %dma_wait3A_564, %dma_wait3A_565] : memref<5x128x64xf32, #tpu.memory_space<vmem>> -> memref<1x128x64xf32, #tpu.memory_space<vmem>>
          %dma_wait3A_567 = tpu.memref_squeeze %dma_wait3A_566 : memref<1x128x64xf32, #tpu.memory_space<vmem>> -> memref<128x64xf32, #tpu.memory_space<vmem>>
          tpu.wait_dma2 semaphore(%arg15 : memref<!tpu.dma_semaphore, #tpu.memory_space<semaphore_mem>>) src(%dma_wait3A_567 : memref<128x64xf32, #tpu.memory_space<vmem>>) dst(%dma_wait3A_563 : memref<128x64xf32, #tpu.memory_space<hbm>>)
        } else {
        }
        %dma_start3A_500 = arith.constant 3 : i32
        %dma_start3A_501 = arith.constant 0 : i32
        %dma_start3A_502 = arith.constant 0 : i32
        %dma_start3A_503 = tpu.memref_slice %arg6[%dma_start3A_500, %dma_start3A_501, %dma_start3A_502] : memref<5x128x64xf32, #tpu.memory_space<vmem>> -> memref<1x128x64xf32, #tpu.memory_space<vmem>>
        %dma_start3A_504 = tpu.memref_squeeze %dma_start3A_503 : memref<1x128x64xf32, #tpu.memory_space<vmem>> -> memref<128x64xf32, #tpu.memory_space<vmem>>
        %dma_start3A_505 = arith.constant 0 : i32
        %dma_start3A_506 = tpu.memref_slice %arg5[%add3A_184, %dma_start3A_505] : memref<20x128xi32, #tpu.memory_space<vmem>> -> memref<1x128xi32, #tpu.memory_space<vmem>>
        %dma_start3A_507 = tpu.memref_squeeze %dma_start3A_506 : memref<1x128xi32, #tpu.memory_space<vmem>> -> memref<128xi32, #tpu.memory_space<vmem>>
        %dma_start3A_508 = arith.constant 0 : i32
        %dma_start3A_509 = arith.constant 0 : i32
        %dma_start3A_510 = tpu.memref_slice %arg2[%dma_start3A_508, %dma_start3A_509] : memref<100000x64xf32, #tpu.memory_space<hbm>> -> memref<100000x64xf32, #tpu.memory_space<hbm>>
        tpu.enqueue_indirect_dma source(%dma_start3A_510 : memref<100000x64xf32, #tpu.memory_space<hbm>>) target(%dma_start3A_504 : memref<128x64xf32, #tpu.memory_space<vmem>>) offsets(%dma_start3A_507 : memref<128xi32, #tpu.memory_space<vmem>>) semaphore(%arg10 : memref<!tpu.dma_semaphore, #tpu.memory_space<semaphore_mem>>)
      } else {
      }
      %mul3A_188 = arith.constant 5 : i32
      %mul3A_189 = arith.muli %scan3A_122, %mul3A_188 : i32
      %add3A_190 = arith.constant 1 : i32
      %add3A_191 = arith.addi %mul3A_189, %add3A_190 : i32
      %dma_wait3A_192 = arith.constant 1 : i32
      %dma_wait3A_193 = arith.constant 0 : i32
      %dma_wait3A_194 = arith.constant 0 : i32
      %dma_wait3A_195 = tpu.memref_slice %arg6[%dma_wait3A_192, %dma_wait3A_193, %dma_wait3A_194] : memref<5x128x64xf32, #tpu.memory_space<vmem>> -> memref<1x128x64xf32, #tpu.memory_space<vmem>>
      %dma_wait3A_196 = tpu.memref_squeeze %dma_wait3A_195 : memref<1x128x64xf32, #tpu.memory_space<vmem>> -> memref<128x64xf32, #tpu.memory_space<vmem>>
      %dma_wait3A_197 = arith.constant 0 : i32
      %dma_wait3A_198 = tpu.memref_slice %arg5[%add3A_191, %dma_wait3A_197] : memref<20x128xi32, #tpu.memory_space<vmem>> -> memref<1x128xi32, #tpu.memory_space<vmem>>
      %dma_wait3A_199 = tpu.memref_squeeze %dma_wait3A_198 : memref<1x128xi32, #tpu.memory_space<vmem>> -> memref<128xi32, #tpu.memory_space<vmem>>
      %dma_wait3A_200 = arith.constant 0 : i32
      %dma_wait3A_201 = arith.constant 0 : i32
      %dma_wait3A_202 = tpu.memref_slice %arg2[%dma_wait3A_200, %dma_wait3A_201] : memref<100000x64xf32, #tpu.memory_space<hbm>> -> memref<100000x64xf32, #tpu.memory_space<hbm>>
      tpu.wait_indirect_dma semaphore(%arg8 : memref<!tpu.dma_semaphore, #tpu.memory_space<semaphore_mem>>) src(%dma_wait3A_202 : memref<100000x64xf32, #tpu.memory_space<hbm>>) dst(%dma_wait3A_196 : memref<128x64xf32, #tpu.memory_space<vmem>>)
      %jit3A_203 = arith.constant 2 : i32
      %div3A_204 = arith.divsi %add3A_191, %jit3A_203 : i32
      %sign3A_205 = arith.constant 0 : i32
      %sign3A_206 = arith.cmpi sgt, %add3A_191, %sign3A_205 : i32
      %sign3A_207 = arith.extui %sign3A_206 : i1 to i32
      %sign3A_208 = arith.constant 0 : i32
      %sign3A_209 = arith.cmpi slt, %add3A_191, %sign3A_208 : i32
      %sign3A_210 = arith.extui %sign3A_209 : i1 to i32
      %sign3A_211 = arith.subi %sign3A_207, %sign3A_210 : i32
      %sign3A_212 = arith.constant 0 : i32
      %sign3A_213 = arith.cmpi sgt, %jit3A_203, %sign3A_212 : i32
      %sign3A_214 = arith.extui %sign3A_213 : i1 to i32
      %sign3A_215 = arith.constant 0 : i32
      %sign3A_216 = arith.cmpi slt, %jit3A_203, %sign3A_215 : i32
      %sign3A_217 = arith.extui %sign3A_216 : i1 to i32
      %sign3A_218 = arith.subi %sign3A_214, %sign3A_217 : i32
      %ne3A_219 = arith.cmpi ne, %sign3A_211, %sign3A_218 : i32
      %rem3A_220 = arith.remsi %add3A_191, %jit3A_203 : i32
      %ne3A_221 = arith.constant 0 : i32
      %ne3A_222 = arith.cmpi ne, %rem3A_220, %ne3A_221 : i32
      %and3A_223 = arith.andi %ne3A_219, %ne3A_222 : i1
      %sub3A_224 = arith.constant 1 : i32
      %sub3A_225 = arith.subi %div3A_204, %sub3A_224 : i32
      %select_n3A_226 = arith.select %and3A_223, %sub3A_225, %div3A_204 : i32
      %jit3A_227 = arith.constant 2 : i32
      %eq3A_228 = arith.constant 0 : i32
      %eq3A_229 = arith.cmpi eq, %jit3A_227, %eq3A_228 : i32
      %jit3A_230 = arith.constant 1 : i32
      %select_n3A_231 = arith.select %eq3A_229, %jit3A_230, %jit3A_227 : i32
      %rem3A_232 = arith.remsi %add3A_191, %select_n3A_231 : i32
      %ne3A_233 = arith.constant 0 : i32
      %ne3A_234 = arith.cmpi ne, %rem3A_232, %ne3A_233 : i32
      %lt3A_235 = arith.constant 0 : i32
      %lt3A_236 = arith.cmpi slt, %rem3A_232, %lt3A_235 : i32
      %lt3A_237 = arith.constant 0 : i32
      %lt3A_238 = arith.cmpi slt, %select_n3A_231, %lt3A_237 : i32
      %ne3A_239 = arith.xori %lt3A_236, %lt3A_238 : i1
      %and3A_240 = arith.andi %ne3A_239, %ne3A_234 : i1
      %add3A_241 = arith.addi %rem3A_232, %select_n3A_231 : i32
      %select_n3A_242 = arith.select %and3A_240, %add3A_241, %rem3A_232 : i32
      %mul3A_243 = arith.constant 64 : i32
      %mul3A_244 = arith.muli %select_n3A_242, %mul3A_243 : i32
      %dma_start3A_245 = arith.constant 1 : i32
      %dma_start3A_246 = arith.constant 0 : i32
      %dma_start3A_247 = arith.constant 0 : i32
      %dma_start3A_248 = tpu.memref_slice %arg6[%dma_start3A_245, %dma_start3A_246, %dma_start3A_247] : memref<5x128x64xf32, #tpu.memory_space<vmem>> -> memref<1x128x64xf32, #tpu.memory_space<vmem>>
      %dma_start3A_249 = tpu.memref_squeeze %dma_start3A_248 : memref<1x128x64xf32, #tpu.memory_space<vmem>> -> memref<128x64xf32, #tpu.memory_space<vmem>>
      %dma_start3A_250 = tpu.memref_slice %arg4[%select_n3A_226, %mul3A_2, %mul3A_244] : memref<10x4096x128xf32, #tpu.memory_space<hbm>> -> memref<1x128x64xf32, #tpu.memory_space<hbm>>
      %dma_start3A_251 = tpu.memref_squeeze %dma_start3A_250 : memref<1x128x64xf32, #tpu.memory_space<hbm>> -> memref<128x64xf32, #tpu.memory_space<hbm>>
      %dma_start3A_252 = tpu.memref_slice %arg4[%select_n3A_226, %mul3A_2, %mul3A_244] : memref<10x4096x128xf32, #tpu.memory_space<hbm>> -> memref<1x128x64xf32, #tpu.memory_space<hbm>>
      %dma_start3A_253 = tpu.memref_squeeze %dma_start3A_252 : memref<1x128x64xf32, #tpu.memory_space<hbm>> -> memref<128x64xf32, #tpu.memory_space<hbm>>
      %dma_start3A_254 = arith.constant 0 : i32
      %dma_start3A_255 = arith.constant 0 : i32
      %dma_start3A_256 = tpu.memref_slice %arg6[%dma_start3A_245, %dma_start3A_254, %dma_start3A_255] : memref<5x128x64xf32, #tpu.memory_space<vmem>> -> memref<1x128x64xf32, #tpu.memory_space<vmem>>
      %dma_start3A_257 = tpu.memref_squeeze %dma_start3A_256 : memref<1x128x64xf32, #tpu.memory_space<vmem>> -> memref<128x64xf32, #tpu.memory_space<vmem>>
      tpu.enqueue_dma source(%dma_start3A_257 : memref<128x64xf32, #tpu.memory_space<vmem>>) target(%dma_start3A_253 : memref<128x64xf32, #tpu.memory_space<hbm>>) target_semaphore(%arg13 : memref<!tpu.dma_semaphore, #tpu.memory_space<semaphore_mem>>)
      %add3A_258 = arith.constant 3 : i32
      %add3A_259 = arith.addi %add3A_191, %add3A_258 : i32
      %lt3A_260 = arith.constant 20 : i32
      %lt3A_261 = arith.cmpi slt, %add3A_259, %lt3A_260 : i32
      %convert_element_type3A_262 = arith.extui %lt3A_261 : i1 to i32
      %cond3A_263 = arith.constant 0 : i32
      %cond3A_264 = arith.cmpi ne, %convert_element_type3A_262, %cond3A_263 : i32
      scf.if %cond3A_264 {
        %ge3A = arith.constant 5 : i32
        %ge3A_496 = arith.cmpi sge, %add3A_259, %ge3A : i32
        %convert_element_type3A_497 = arith.extui %ge3A_496 : i1 to i32
        %cond3A_498 = arith.constant 0 : i32
        %cond3A_499 = arith.cmpi ne, %convert_element_type3A_497, %cond3A_498 : i32
        scf.if %cond3A_499 {
          %sub3A_511 = arith.constant 5 : i32
          %sub3A_512 = arith.subi %add3A_259, %sub3A_511 : i32
          %jit3A_513 = arith.constant 2 : i32
          %div3A_514 = arith.divsi %sub3A_512, %jit3A_513 : i32
          %sign3A_515 = arith.constant 0 : i32
          %sign3A_516 = arith.cmpi sgt, %sub3A_512, %sign3A_515 : i32
          %sign3A_517 = arith.extui %sign3A_516 : i1 to i32
          %sign3A_518 = arith.constant 0 : i32
          %sign3A_519 = arith.cmpi slt, %sub3A_512, %sign3A_518 : i32
          %sign3A_520 = arith.extui %sign3A_519 : i1 to i32
          %sign3A_521 = arith.subi %sign3A_517, %sign3A_520 : i32
          %sign3A_522 = arith.constant 0 : i32
          %sign3A_523 = arith.cmpi sgt, %jit3A_513, %sign3A_522 : i32
          %sign3A_524 = arith.extui %sign3A_523 : i1 to i32
          %sign3A_525 = arith.constant 0 : i32
          %sign3A_526 = arith.cmpi slt, %jit3A_513, %sign3A_525 : i32
          %sign3A_527 = arith.extui %sign3A_526 : i1 to i32
          %sign3A_528 = arith.subi %sign3A_524, %sign3A_527 : i32
          %ne3A_529 = arith.cmpi ne, %sign3A_521, %sign3A_528 : i32
          %rem3A_530 = arith.remsi %sub3A_512, %jit3A_513 : i32
          %ne3A_531 = arith.constant 0 : i32
          %ne3A_532 = arith.cmpi ne, %rem3A_530, %ne3A_531 : i32
          %and3A_533 = arith.andi %ne3A_529, %ne3A_532 : i1
          %sub3A_534 = arith.constant 1 : i32
          %sub3A_535 = arith.subi %div3A_514, %sub3A_534 : i32
          %select_n3A_536 = arith.select %and3A_533, %sub3A_535, %div3A_514 : i32
          %jit3A_537 = arith.constant 2 : i32
          %eq3A_538 = arith.constant 0 : i32
          %eq3A_539 = arith.cmpi eq, %jit3A_537, %eq3A_538 : i32
          %jit3A_540 = arith.constant 1 : i32
          %select_n3A_541 = arith.select %eq3A_539, %jit3A_540, %jit3A_537 : i32
          %rem3A_542 = arith.remsi %sub3A_512, %select_n3A_541 : i32
          %ne3A_543 = arith.constant 0 : i32
          %ne3A_544 = arith.cmpi ne, %rem3A_542, %ne3A_543 : i32
          %lt3A_545 = arith.constant 0 : i32
          %lt3A_546 = arith.cmpi slt, %rem3A_542, %lt3A_545 : i32
          %lt3A_547 = arith.constant 0 : i32
          %lt3A_548 = arith.cmpi slt, %select_n3A_541, %lt3A_547 : i32
          %ne3A_549 = arith.xori %lt3A_546, %lt3A_548 : i1
          %and3A_550 = arith.andi %ne3A_549, %ne3A_544 : i1
          %add3A_551 = arith.addi %rem3A_542, %select_n3A_541 : i32
          %select_n3A_552 = arith.select %and3A_550, %add3A_551, %rem3A_542 : i32
          %mul3A_553 = arith.constant 64 : i32
          %mul3A_554 = arith.muli %select_n3A_552, %mul3A_553 : i32
          %dma_wait3A_555 = arith.constant 4 : i32
          %dma_wait3A_556 = arith.constant 0 : i32
          %dma_wait3A_557 = arith.constant 0 : i32
          %dma_wait3A_558 = tpu.memref_slice %arg6[%dma_wait3A_555, %dma_wait3A_556, %dma_wait3A_557] : memref<5x128x64xf32, #tpu.memory_space<vmem>> -> memref<1x128x64xf32, #tpu.memory_space<vmem>>
          %dma_wait3A_559 = tpu.memref_squeeze %dma_wait3A_558 : memref<1x128x64xf32, #tpu.memory_space<vmem>> -> memref<128x64xf32, #tpu.memory_space<vmem>>
          %dma_wait3A_560 = tpu.memref_slice %arg4[%select_n3A_536, %mul3A_2, %mul3A_554] : memref<10x4096x128xf32, #tpu.memory_space<hbm>> -> memref<1x128x64xf32, #tpu.memory_space<hbm>>
          %dma_wait3A_561 = tpu.memref_squeeze %dma_wait3A_560 : memref<1x128x64xf32, #tpu.memory_space<hbm>> -> memref<128x64xf32, #tpu.memory_space<hbm>>
          %dma_wait3A_562 = tpu.memref_slice %arg4[%select_n3A_536, %mul3A_2, %mul3A_554] : memref<10x4096x128xf32, #tpu.memory_space<hbm>> -> memref<1x128x64xf32, #tpu.memory_space<hbm>>
          %dma_wait3A_563 = tpu.memref_squeeze %dma_wait3A_562 : memref<1x128x64xf32, #tpu.memory_space<hbm>> -> memref<128x64xf32, #tpu.memory_space<hbm>>
          %dma_wait3A_564 = arith.constant 0 : i32
          %dma_wait3A_565 = arith.constant 0 : i32
          %dma_wait3A_566 = tpu.memref_slice %arg6[%dma_wait3A_555, %dma_wait3A_564, %dma_wait3A_565] : memref<5x128x64xf32, #tpu.memory_space<vmem>> -> memref<1x128x64xf32, #tpu.memory_space<vmem>>
          %dma_wait3A_567 = tpu.memref_squeeze %dma_wait3A_566 : memref<1x128x64xf32, #tpu.memory_space<vmem>> -> memref<128x64xf32, #tpu.memory_space<vmem>>
          tpu.wait_dma2 semaphore(%arg16 : memref<!tpu.dma_semaphore, #tpu.memory_space<semaphore_mem>>) src(%dma_wait3A_567 : memref<128x64xf32, #tpu.memory_space<vmem>>) dst(%dma_wait3A_563 : memref<128x64xf32, #tpu.memory_space<hbm>>)
        } else {
        }
        %dma_start3A_500 = arith.constant 4 : i32
        %dma_start3A_501 = arith.constant 0 : i32
        %dma_start3A_502 = arith.constant 0 : i32
        %dma_start3A_503 = tpu.memref_slice %arg6[%dma_start3A_500, %dma_start3A_501, %dma_start3A_502] : memref<5x128x64xf32, #tpu.memory_space<vmem>> -> memref<1x128x64xf32, #tpu.memory_space<vmem>>
        %dma_start3A_504 = tpu.memref_squeeze %dma_start3A_503 : memref<1x128x64xf32, #tpu.memory_space<vmem>> -> memref<128x64xf32, #tpu.memory_space<vmem>>
        %dma_start3A_505 = arith.constant 0 : i32
        %dma_start3A_506 = tpu.memref_slice %arg5[%add3A_259, %dma_start3A_505] : memref<20x128xi32, #tpu.memory_space<vmem>> -> memref<1x128xi32, #tpu.memory_space<vmem>>
        %dma_start3A_507 = tpu.memref_squeeze %dma_start3A_506 : memref<1x128xi32, #tpu.memory_space<vmem>> -> memref<128xi32, #tpu.memory_space<vmem>>
        %dma_start3A_508 = arith.constant 0 : i32
        %dma_start3A_509 = arith.constant 0 : i32
        %dma_start3A_510 = tpu.memref_slice %arg2[%dma_start3A_508, %dma_start3A_509] : memref<100000x64xf32, #tpu.memory_space<hbm>> -> memref<100000x64xf32, #tpu.memory_space<hbm>>
        tpu.enqueue_indirect_dma source(%dma_start3A_510 : memref<100000x64xf32, #tpu.memory_space<hbm>>) target(%dma_start3A_504 : memref<128x64xf32, #tpu.memory_space<vmem>>) offsets(%dma_start3A_507 : memref<128xi32, #tpu.memory_space<vmem>>) semaphore(%arg11 : memref<!tpu.dma_semaphore, #tpu.memory_space<semaphore_mem>>)
      } else {
      }
      %mul3A_265 = arith.constant 5 : i32
      %mul3A_266 = arith.muli %scan3A_122, %mul3A_265 : i32
      %add3A_267 = arith.constant 2 : i32
      %add3A_268 = arith.addi %mul3A_266, %add3A_267 : i32
      %dma_wait3A_269 = arith.constant 2 : i32
      %dma_wait3A_270 = arith.constant 0 : i32
      %dma_wait3A_271 = arith.constant 0 : i32
      %dma_wait3A_272 = tpu.memref_slice %arg6[%dma_wait3A_269, %dma_wait3A_270, %dma_wait3A_271] : memref<5x128x64xf32, #tpu.memory_space<vmem>> -> memref<1x128x64xf32, #tpu.memory_space<vmem>>
      %dma_wait3A_273 = tpu.memref_squeeze %dma_wait3A_272 : memref<1x128x64xf32, #tpu.memory_space<vmem>> -> memref<128x64xf32, #tpu.memory_space<vmem>>
      %dma_wait3A_274 = arith.constant 0 : i32
      %dma_wait3A_275 = tpu.memref_slice %arg5[%add3A_268, %dma_wait3A_274] : memref<20x128xi32, #tpu.memory_space<vmem>> -> memref<1x128xi32, #tpu.memory_space<vmem>>
      %dma_wait3A_276 = tpu.memref_squeeze %dma_wait3A_275 : memref<1x128xi32, #tpu.memory_space<vmem>> -> memref<128xi32, #tpu.memory_space<vmem>>
      %dma_wait3A_277 = arith.constant 0 : i32
      %dma_wait3A_278 = arith.constant 0 : i32
      %dma_wait3A_279 = tpu.memref_slice %arg2[%dma_wait3A_277, %dma_wait3A_278] : memref<100000x64xf32, #tpu.memory_space<hbm>> -> memref<100000x64xf32, #tpu.memory_space<hbm>>
      tpu.wait_indirect_dma semaphore(%arg9 : memref<!tpu.dma_semaphore, #tpu.memory_space<semaphore_mem>>) src(%dma_wait3A_279 : memref<100000x64xf32, #tpu.memory_space<hbm>>) dst(%dma_wait3A_273 : memref<128x64xf32, #tpu.memory_space<vmem>>)
      %jit3A_280 = arith.constant 2 : i32
      %div3A_281 = arith.divsi %add3A_268, %jit3A_280 : i32
      %sign3A_282 = arith.constant 0 : i32
      %sign3A_283 = arith.cmpi sgt, %add3A_268, %sign3A_282 : i32
      %sign3A_284 = arith.extui %sign3A_283 : i1 to i32
      %sign3A_285 = arith.constant 0 : i32
      %sign3A_286 = arith.cmpi slt, %add3A_268, %sign3A_285 : i32
      %sign3A_287 = arith.extui %sign3A_286 : i1 to i32
      %sign3A_288 = arith.subi %sign3A_284, %sign3A_287 : i32
      %sign3A_289 = arith.constant 0 : i32
      %sign3A_290 = arith.cmpi sgt, %jit3A_280, %sign3A_289 : i32
      %sign3A_291 = arith.extui %sign3A_290 : i1 to i32
      %sign3A_292 = arith.constant 0 : i32
      %sign3A_293 = arith.cmpi slt, %jit3A_280, %sign3A_292 : i32
      %sign3A_294 = arith.extui %sign3A_293 : i1 to i32
      %sign3A_295 = arith.subi %sign3A_291, %sign3A_294 : i32
      %ne3A_296 = arith.cmpi ne, %sign3A_288, %sign3A_295 : i32
      %rem3A_297 = arith.remsi %add3A_268, %jit3A_280 : i32
      %ne3A_298 = arith.constant 0 : i32
      %ne3A_299 = arith.cmpi ne, %rem3A_297, %ne3A_298 : i32
      %and3A_300 = arith.andi %ne3A_296, %ne3A_299 : i1
      %sub3A_301 = arith.constant 1 : i32
      %sub3A_302 = arith.subi %div3A_281, %sub3A_301 : i32
      %select_n3A_303 = arith.select %and3A_300, %sub3A_302, %div3A_281 : i32
      %jit3A_304 = arith.constant 2 : i32
      %eq3A_305 = arith.constant 0 : i32
      %eq3A_306 = arith.cmpi eq, %jit3A_304, %eq3A_305 : i32
      %jit3A_307 = arith.constant 1 : i32
      %select_n3A_308 = arith.select %eq3A_306, %jit3A_307, %jit3A_304 : i32
      %rem3A_309 = arith.remsi %add3A_268, %select_n3A_308 : i32
      %ne3A_310 = arith.constant 0 : i32
      %ne3A_311 = arith.cmpi ne, %rem3A_309, %ne3A_310 : i32
      %lt3A_312 = arith.constant 0 : i32
      %lt3A_313 = arith.cmpi slt, %rem3A_309, %lt3A_312 : i32
      %lt3A_314 = arith.constant 0 : i32
      %lt3A_315 = arith.cmpi slt, %select_n3A_308, %lt3A_314 : i32
      %ne3A_316 = arith.xori %lt3A_313, %lt3A_315 : i1
      %and3A_317 = arith.andi %ne3A_316, %ne3A_311 : i1
      %add3A_318 = arith.addi %rem3A_309, %select_n3A_308 : i32
      %select_n3A_319 = arith.select %and3A_317, %add3A_318, %rem3A_309 : i32
      %mul3A_320 = arith.constant 64 : i32
      %mul3A_321 = arith.muli %select_n3A_319, %mul3A_320 : i32
      %dma_start3A_322 = arith.constant 2 : i32
      %dma_start3A_323 = arith.constant 0 : i32
      %dma_start3A_324 = arith.constant 0 : i32
      %dma_start3A_325 = tpu.memref_slice %arg6[%dma_start3A_322, %dma_start3A_323, %dma_start3A_324] : memref<5x128x64xf32, #tpu.memory_space<vmem>> -> memref<1x128x64xf32, #tpu.memory_space<vmem>>
      %dma_start3A_326 = tpu.memref_squeeze %dma_start3A_325 : memref<1x128x64xf32, #tpu.memory_space<vmem>> -> memref<128x64xf32, #tpu.memory_space<vmem>>
      %dma_start3A_327 = tpu.memref_slice %arg4[%select_n3A_303, %mul3A_2, %mul3A_321] : memref<10x4096x128xf32, #tpu.memory_space<hbm>> -> memref<1x128x64xf32, #tpu.memory_space<hbm>>
      %dma_start3A_328 = tpu.memref_squeeze %dma_start3A_327 : memref<1x128x64xf32, #tpu.memory_space<hbm>> -> memref<128x64xf32, #tpu.memory_space<hbm>>
      %dma_start3A_329 = tpu.memref_slice %arg4[%select_n3A_303, %mul3A_2, %mul3A_321] : memref<10x4096x128xf32, #tpu.memory_space<hbm>> -> memref<1x128x64xf32, #tpu.memory_space<hbm>>
      %dma_start3A_330 = tpu.memref_squeeze %dma_start3A_329 : memref<1x128x64xf32, #tpu.memory_space<hbm>> -> memref<128x64xf32, #tpu.memory_space<hbm>>
      %dma_start3A_331 = arith.constant 0 : i32
      %dma_start3A_332 = arith.constant 0 : i32
      %dma_start3A_333 = tpu.memref_slice %arg6[%dma_start3A_322, %dma_start3A_331, %dma_start3A_332] : memref<5x128x64xf32, #tpu.memory_space<vmem>> -> memref<1x128x64xf32, #tpu.memory_space<vmem>>
      %dma_start3A_334 = tpu.memref_squeeze %dma_start3A_333 : memref<1x128x64xf32, #tpu.memory_space<vmem>> -> memref<128x64xf32, #tpu.memory_space<vmem>>
      tpu.enqueue_dma source(%dma_start3A_334 : memref<128x64xf32, #tpu.memory_space<vmem>>) target(%dma_start3A_330 : memref<128x64xf32, #tpu.memory_space<hbm>>) target_semaphore(%arg14 : memref<!tpu.dma_semaphore, #tpu.memory_space<semaphore_mem>>)
      %add3A_335 = arith.constant 3 : i32
      %add3A_336 = arith.addi %add3A_268, %add3A_335 : i32
      %lt3A_337 = arith.constant 20 : i32
      %lt3A_338 = arith.cmpi slt, %add3A_336, %lt3A_337 : i32
      %convert_element_type3A_339 = arith.extui %lt3A_338 : i1 to i32
      %cond3A_340 = arith.constant 0 : i32
      %cond3A_341 = arith.cmpi ne, %convert_element_type3A_339, %cond3A_340 : i32
      scf.if %cond3A_341 {
        %ge3A = arith.constant 5 : i32
        %ge3A_496 = arith.cmpi sge, %add3A_336, %ge3A : i32
        %convert_element_type3A_497 = arith.extui %ge3A_496 : i1 to i32
        %cond3A_498 = arith.constant 0 : i32
        %cond3A_499 = arith.cmpi ne, %convert_element_type3A_497, %cond3A_498 : i32
        scf.if %cond3A_499 {
          %sub3A_511 = arith.constant 5 : i32
          %sub3A_512 = arith.subi %add3A_336, %sub3A_511 : i32
          %jit3A_513 = arith.constant 2 : i32
          %div3A_514 = arith.divsi %sub3A_512, %jit3A_513 : i32
          %sign3A_515 = arith.constant 0 : i32
          %sign3A_516 = arith.cmpi sgt, %sub3A_512, %sign3A_515 : i32
          %sign3A_517 = arith.extui %sign3A_516 : i1 to i32
          %sign3A_518 = arith.constant 0 : i32
          %sign3A_519 = arith.cmpi slt, %sub3A_512, %sign3A_518 : i32
          %sign3A_520 = arith.extui %sign3A_519 : i1 to i32
          %sign3A_521 = arith.subi %sign3A_517, %sign3A_520 : i32
          %sign3A_522 = arith.constant 0 : i32
          %sign3A_523 = arith.cmpi sgt, %jit3A_513, %sign3A_522 : i32
          %sign3A_524 = arith.extui %sign3A_523 : i1 to i32
          %sign3A_525 = arith.constant 0 : i32
          %sign3A_526 = arith.cmpi slt, %jit3A_513, %sign3A_525 : i32
          %sign3A_527 = arith.extui %sign3A_526 : i1 to i32
          %sign3A_528 = arith.subi %sign3A_524, %sign3A_527 : i32
          %ne3A_529 = arith.cmpi ne, %sign3A_521, %sign3A_528 : i32
          %rem3A_530 = arith.remsi %sub3A_512, %jit3A_513 : i32
          %ne3A_531 = arith.constant 0 : i32
          %ne3A_532 = arith.cmpi ne, %rem3A_530, %ne3A_531 : i32
          %and3A_533 = arith.andi %ne3A_529, %ne3A_532 : i1
          %sub3A_534 = arith.constant 1 : i32
          %sub3A_535 = arith.subi %div3A_514, %sub3A_534 : i32
          %select_n3A_536 = arith.select %and3A_533, %sub3A_535, %div3A_514 : i32
          %jit3A_537 = arith.constant 2 : i32
          %eq3A_538 = arith.constant 0 : i32
          %eq3A_539 = arith.cmpi eq, %jit3A_537, %eq3A_538 : i32
          %jit3A_540 = arith.constant 1 : i32
          %select_n3A_541 = arith.select %eq3A_539, %jit3A_540, %jit3A_537 : i32
          %rem3A_542 = arith.remsi %sub3A_512, %select_n3A_541 : i32
          %ne3A_543 = arith.constant 0 : i32
          %ne3A_544 = arith.cmpi ne, %rem3A_542, %ne3A_543 : i32
          %lt3A_545 = arith.constant 0 : i32
          %lt3A_546 = arith.cmpi slt, %rem3A_542, %lt3A_545 : i32
          %lt3A_547 = arith.constant 0 : i32
          %lt3A_548 = arith.cmpi slt, %select_n3A_541, %lt3A_547 : i32
          %ne3A_549 = arith.xori %lt3A_546, %lt3A_548 : i1
          %and3A_550 = arith.andi %ne3A_549, %ne3A_544 : i1
          %add3A_551 = arith.addi %rem3A_542, %select_n3A_541 : i32
          %select_n3A_552 = arith.select %and3A_550, %add3A_551, %rem3A_542 : i32
          %mul3A_553 = arith.constant 64 : i32
          %mul3A_554 = arith.muli %select_n3A_552, %mul3A_553 : i32
          %dma_wait3A_555 = arith.constant 0 : i32
          %dma_wait3A_556 = arith.constant 0 : i32
          %dma_wait3A_557 = arith.constant 0 : i32
          %dma_wait3A_558 = tpu.memref_slice %arg6[%dma_wait3A_555, %dma_wait3A_556, %dma_wait3A_557] : memref<5x128x64xf32, #tpu.memory_space<vmem>> -> memref<1x128x64xf32, #tpu.memory_space<vmem>>
          %dma_wait3A_559 = tpu.memref_squeeze %dma_wait3A_558 : memref<1x128x64xf32, #tpu.memory_space<vmem>> -> memref<128x64xf32, #tpu.memory_space<vmem>>
          %dma_wait3A_560 = tpu.memref_slice %arg4[%select_n3A_536, %mul3A_2, %mul3A_554] : memref<10x4096x128xf32, #tpu.memory_space<hbm>> -> memref<1x128x64xf32, #tpu.memory_space<hbm>>
          %dma_wait3A_561 = tpu.memref_squeeze %dma_wait3A_560 : memref<1x128x64xf32, #tpu.memory_space<hbm>> -> memref<128x64xf32, #tpu.memory_space<hbm>>
          %dma_wait3A_562 = tpu.memref_slice %arg4[%select_n3A_536, %mul3A_2, %mul3A_554] : memref<10x4096x128xf32, #tpu.memory_space<hbm>> -> memref<1x128x64xf32, #tpu.memory_space<hbm>>
          %dma_wait3A_563 = tpu.memref_squeeze %dma_wait3A_562 : memref<1x128x64xf32, #tpu.memory_space<hbm>> -> memref<128x64xf32, #tpu.memory_space<hbm>>
          %dma_wait3A_564 = arith.constant 0 : i32
          %dma_wait3A_565 = arith.constant 0 : i32
          %dma_wait3A_566 = tpu.memref_slice %arg6[%dma_wait3A_555, %dma_wait3A_564, %dma_wait3A_565] : memref<5x128x64xf32, #tpu.memory_space<vmem>> -> memref<1x128x64xf32, #tpu.memory_space<vmem>>
          %dma_wait3A_567 = tpu.memref_squeeze %dma_wait3A_566 : memref<1x128x64xf32, #tpu.memory_space<vmem>> -> memref<128x64xf32, #tpu.memory_space<vmem>>
          tpu.wait_dma2 semaphore(%arg12 : memref<!tpu.dma_semaphore, #tpu.memory_space<semaphore_mem>>) src(%dma_wait3A_567 : memref<128x64xf32, #tpu.memory_space<vmem>>) dst(%dma_wait3A_563 : memref<128x64xf32, #tpu.memory_space<hbm>>)
        } else {
        }
        %dma_start3A_500 = arith.constant 0 : i32
        %dma_start3A_501 = arith.constant 0 : i32
        %dma_start3A_502 = arith.constant 0 : i32
        %dma_start3A_503 = tpu.memref_slice %arg6[%dma_start3A_500, %dma_start3A_501, %dma_start3A_502] : memref<5x128x64xf32, #tpu.memory_space<vmem>> -> memref<1x128x64xf32, #tpu.memory_space<vmem>>
        %dma_start3A_504 = tpu.memref_squeeze %dma_start3A_503 : memref<1x128x64xf32, #tpu.memory_space<vmem>> -> memref<128x64xf32, #tpu.memory_space<vmem>>
        %dma_start3A_505 = arith.constant 0 : i32
        %dma_start3A_506 = tpu.memref_slice %arg5[%add3A_336, %dma_start3A_505] : memref<20x128xi32, #tpu.memory_space<vmem>> -> memref<1x128xi32, #tpu.memory_space<vmem>>
        %dma_start3A_507 = tpu.memref_squeeze %dma_start3A_506 : memref<1x128xi32, #tpu.memory_space<vmem>> -> memref<128xi32, #tpu.memory_space<vmem>>
        %dma_start3A_508 = arith.constant 0 : i32
        %dma_start3A_509 = arith.constant 0 : i32
        %dma_start3A_510 = tpu.memref_slice %arg2[%dma_start3A_508, %dma_start3A_509] : memref<100000x64xf32, #tpu.memory_space<hbm>> -> memref<100000x64xf32, #tpu.memory_space<hbm>>
        tpu.enqueue_indirect_dma source(%dma_start3A_510 : memref<100000x64xf32, #tpu.memory_space<hbm>>) target(%dma_start3A_504 : memref<128x64xf32, #tpu.memory_space<vmem>>) offsets(%dma_start3A_507 : memref<128xi32, #tpu.memory_space<vmem>>) semaphore(%arg7 : memref<!tpu.dma_semaphore, #tpu.memory_space<semaphore_mem>>)
      } else {
      }
      %mul3A_342 = arith.constant 5 : i32
      %mul3A_343 = arith.muli %scan3A_122, %mul3A_342 : i32
      %add3A_344 = arith.constant 3 : i32
      %add3A_345 = arith.addi %mul3A_343, %add3A_344 : i32
      %dma_wait3A_346 = arith.constant 3 : i32
      %dma_wait3A_347 = arith.constant 0 : i32
      %dma_wait3A_348 = arith.constant 0 : i32
      %dma_wait3A_349 = tpu.memref_slice %arg6[%dma_wait3A_346, %dma_wait3A_347, %dma_wait3A_348] : memref<5x128x64xf32, #tpu.memory_space<vmem>> -> memref<1x128x64xf32, #tpu.memory_space<vmem>>
      %dma_wait3A_350 = tpu.memref_squeeze %dma_wait3A_349 : memref<1x128x64xf32, #tpu.memory_space<vmem>> -> memref<128x64xf32, #tpu.memory_space<vmem>>
      %dma_wait3A_351 = arith.constant 0 : i32
      %dma_wait3A_352 = tpu.memref_slice %arg5[%add3A_345, %dma_wait3A_351] : memref<20x128xi32, #tpu.memory_space<vmem>> -> memref<1x128xi32, #tpu.memory_space<vmem>>
      %dma_wait3A_353 = tpu.memref_squeeze %dma_wait3A_352 : memref<1x128xi32, #tpu.memory_space<vmem>> -> memref<128xi32, #tpu.memory_space<vmem>>
      %dma_wait3A_354 = arith.constant 0 : i32
      %dma_wait3A_355 = arith.constant 0 : i32
      %dma_wait3A_356 = tpu.memref_slice %arg2[%dma_wait3A_354, %dma_wait3A_355] : memref<100000x64xf32, #tpu.memory_space<hbm>> -> memref<100000x64xf32, #tpu.memory_space<hbm>>
      tpu.wait_indirect_dma semaphore(%arg10 : memref<!tpu.dma_semaphore, #tpu.memory_space<semaphore_mem>>) src(%dma_wait3A_356 : memref<100000x64xf32, #tpu.memory_space<hbm>>) dst(%dma_wait3A_350 : memref<128x64xf32, #tpu.memory_space<vmem>>)
      %jit3A_357 = arith.constant 2 : i32
      %div3A_358 = arith.divsi %add3A_345, %jit3A_357 : i32
      %sign3A_359 = arith.constant 0 : i32
      %sign3A_360 = arith.cmpi sgt, %add3A_345, %sign3A_359 : i32
      %sign3A_361 = arith.extui %sign3A_360 : i1 to i32
      %sign3A_362 = arith.constant 0 : i32
      %sign3A_363 = arith.cmpi slt, %add3A_345, %sign3A_362 : i32
      %sign3A_364 = arith.extui %sign3A_363 : i1 to i32
      %sign3A_365 = arith.subi %sign3A_361, %sign3A_364 : i32
      %sign3A_366 = arith.constant 0 : i32
      %sign3A_367 = arith.cmpi sgt, %jit3A_357, %sign3A_366 : i32
      %sign3A_368 = arith.extui %sign3A_367 : i1 to i32
      %sign3A_369 = arith.constant 0 : i32
      %sign3A_370 = arith.cmpi slt, %jit3A_357, %sign3A_369 : i32
      %sign3A_371 = arith.extui %sign3A_370 : i1 to i32
      %sign3A_372 = arith.subi %sign3A_368, %sign3A_371 : i32
      %ne3A_373 = arith.cmpi ne, %sign3A_365, %sign3A_372 : i32
      %rem3A_374 = arith.remsi %add3A_345, %jit3A_357 : i32
      %ne3A_375 = arith.constant 0 : i32
      %ne3A_376 = arith.cmpi ne, %rem3A_374, %ne3A_375 : i32
      %and3A_377 = arith.andi %ne3A_373, %ne3A_376 : i1
      %sub3A_378 = arith.constant 1 : i32
      %sub3A_379 = arith.subi %div3A_358, %sub3A_378 : i32
      %select_n3A_380 = arith.select %and3A_377, %sub3A_379, %div3A_358 : i32
      %jit3A_381 = arith.constant 2 : i32
      %eq3A_382 = arith.constant 0 : i32
      %eq3A_383 = arith.cmpi eq, %jit3A_381, %eq3A_382 : i32
      %jit3A_384 = arith.constant 1 : i32
      %select_n3A_385 = arith.select %eq3A_383, %jit3A_384, %jit3A_381 : i32
      %rem3A_386 = arith.remsi %add3A_345, %select_n3A_385 : i32
      %ne3A_387 = arith.constant 0 : i32
      %ne3A_388 = arith.cmpi ne, %rem3A_386, %ne3A_387 : i32
      %lt3A_389 = arith.constant 0 : i32
      %lt3A_390 = arith.cmpi slt, %rem3A_386, %lt3A_389 : i32
      %lt3A_391 = arith.constant 0 : i32
      %lt3A_392 = arith.cmpi slt, %select_n3A_385, %lt3A_391 : i32
      %ne3A_393 = arith.xori %lt3A_390, %lt3A_392 : i1
      %and3A_394 = arith.andi %ne3A_393, %ne3A_388 : i1
      %add3A_395 = arith.addi %rem3A_386, %select_n3A_385 : i32
      %select_n3A_396 = arith.select %and3A_394, %add3A_395, %rem3A_386 : i32
      %mul3A_397 = arith.constant 64 : i32
      %mul3A_398 = arith.muli %select_n3A_396, %mul3A_397 : i32
      %dma_start3A_399 = arith.constant 3 : i32
      %dma_start3A_400 = arith.constant 0 : i32
      %dma_start3A_401 = arith.constant 0 : i32
      %dma_start3A_402 = tpu.memref_slice %arg6[%dma_start3A_399, %dma_start3A_400, %dma_start3A_401] : memref<5x128x64xf32, #tpu.memory_space<vmem>> -> memref<1x128x64xf32, #tpu.memory_space<vmem>>
      %dma_start3A_403 = tpu.memref_squeeze %dma_start3A_402 : memref<1x128x64xf32, #tpu.memory_space<vmem>> -> memref<128x64xf32, #tpu.memory_space<vmem>>
      %dma_start3A_404 = tpu.memref_slice %arg4[%select_n3A_380, %mul3A_2, %mul3A_398] : memref<10x4096x128xf32, #tpu.memory_space<hbm>> -> memref<1x128x64xf32, #tpu.memory_space<hbm>>
      %dma_start3A_405 = tpu.memref_squeeze %dma_start3A_404 : memref<1x128x64xf32, #tpu.memory_space<hbm>> -> memref<128x64xf32, #tpu.memory_space<hbm>>
      %dma_start3A_406 = tpu.memref_slice %arg4[%select_n3A_380, %mul3A_2, %mul3A_398] : memref<10x4096x128xf32, #tpu.memory_space<hbm>> -> memref<1x128x64xf32, #tpu.memory_space<hbm>>
      %dma_start3A_407 = tpu.memref_squeeze %dma_start3A_406 : memref<1x128x64xf32, #tpu.memory_space<hbm>> -> memref<128x64xf32, #tpu.memory_space<hbm>>
      %dma_start3A_408 = arith.constant 0 : i32
      %dma_start3A_409 = arith.constant 0 : i32
      %dma_start3A_410 = tpu.memref_slice %arg6[%dma_start3A_399, %dma_start3A_408, %dma_start3A_409] : memref<5x128x64xf32, #tpu.memory_space<vmem>> -> memref<1x128x64xf32, #tpu.memory_space<vmem>>
      %dma_start3A_411 = tpu.memref_squeeze %dma_start3A_410 : memref<1x128x64xf32, #tpu.memory_space<vmem>> -> memref<128x64xf32, #tpu.memory_space<vmem>>
      tpu.enqueue_dma source(%dma_start3A_411 : memref<128x64xf32, #tpu.memory_space<vmem>>) target(%dma_start3A_407 : memref<128x64xf32, #tpu.memory_space<hbm>>) target_semaphore(%arg15 : memref<!tpu.dma_semaphore, #tpu.memory_space<semaphore_mem>>)
      %add3A_412 = arith.constant 3 : i32
      %add3A_413 = arith.addi %add3A_345, %add3A_412 : i32
      %lt3A_414 = arith.constant 20 : i32
      %lt3A_415 = arith.cmpi slt, %add3A_413, %lt3A_414 : i32
      %convert_element_type3A_416 = arith.extui %lt3A_415 : i1 to i32
      %cond3A_417 = arith.constant 0 : i32
      %cond3A_418 = arith.cmpi ne, %convert_element_type3A_416, %cond3A_417 : i32
      scf.if %cond3A_418 {
        %ge3A = arith.constant 5 : i32
        %ge3A_496 = arith.cmpi sge, %add3A_413, %ge3A : i32
        %convert_element_type3A_497 = arith.extui %ge3A_496 : i1 to i32
        %cond3A_498 = arith.constant 0 : i32
        %cond3A_499 = arith.cmpi ne, %convert_element_type3A_497, %cond3A_498 : i32
        scf.if %cond3A_499 {
          %sub3A_511 = arith.constant 5 : i32
          %sub3A_512 = arith.subi %add3A_413, %sub3A_511 : i32
          %jit3A_513 = arith.constant 2 : i32
          %div3A_514 = arith.divsi %sub3A_512, %jit3A_513 : i32
          %sign3A_515 = arith.constant 0 : i32
          %sign3A_516 = arith.cmpi sgt, %sub3A_512, %sign3A_515 : i32
          %sign3A_517 = arith.extui %sign3A_516 : i1 to i32
          %sign3A_518 = arith.constant 0 : i32
          %sign3A_519 = arith.cmpi slt, %sub3A_512, %sign3A_518 : i32
          %sign3A_520 = arith.extui %sign3A_519 : i1 to i32
          %sign3A_521 = arith.subi %sign3A_517, %sign3A_520 : i32
          %sign3A_522 = arith.constant 0 : i32
          %sign3A_523 = arith.cmpi sgt, %jit3A_513, %sign3A_522 : i32
          %sign3A_524 = arith.extui %sign3A_523 : i1 to i32
          %sign3A_525 = arith.constant 0 : i32
          %sign3A_526 = arith.cmpi slt, %jit3A_513, %sign3A_525 : i32
          %sign3A_527 = arith.extui %sign3A_526 : i1 to i32
          %sign3A_528 = arith.subi %sign3A_524, %sign3A_527 : i32
          %ne3A_529 = arith.cmpi ne, %sign3A_521, %sign3A_528 : i32
          %rem3A_530 = arith.remsi %sub3A_512, %jit3A_513 : i32
          %ne3A_531 = arith.constant 0 : i32
          %ne3A_532 = arith.cmpi ne, %rem3A_530, %ne3A_531 : i32
          %and3A_533 = arith.andi %ne3A_529, %ne3A_532 : i1
          %sub3A_534 = arith.constant 1 : i32
          %sub3A_535 = arith.subi %div3A_514, %sub3A_534 : i32
          %select_n3A_536 = arith.select %and3A_533, %sub3A_535, %div3A_514 : i32
          %jit3A_537 = arith.constant 2 : i32
          %eq3A_538 = arith.constant 0 : i32
          %eq3A_539 = arith.cmpi eq, %jit3A_537, %eq3A_538 : i32
          %jit3A_540 = arith.constant 1 : i32
          %select_n3A_541 = arith.select %eq3A_539, %jit3A_540, %jit3A_537 : i32
          %rem3A_542 = arith.remsi %sub3A_512, %select_n3A_541 : i32
          %ne3A_543 = arith.constant 0 : i32
          %ne3A_544 = arith.cmpi ne, %rem3A_542, %ne3A_543 : i32
          %lt3A_545 = arith.constant 0 : i32
          %lt3A_546 = arith.cmpi slt, %rem3A_542, %lt3A_545 : i32
          %lt3A_547 = arith.constant 0 : i32
          %lt3A_548 = arith.cmpi slt, %select_n3A_541, %lt3A_547 : i32
          %ne3A_549 = arith.xori %lt3A_546, %lt3A_548 : i1
          %and3A_550 = arith.andi %ne3A_549, %ne3A_544 : i1
          %add3A_551 = arith.addi %rem3A_542, %select_n3A_541 : i32
          %select_n3A_552 = arith.select %and3A_550, %add3A_551, %rem3A_542 : i32
          %mul3A_553 = arith.constant 64 : i32
          %mul3A_554 = arith.muli %select_n3A_552, %mul3A_553 : i32
          %dma_wait3A_555 = arith.constant 1 : i32
          %dma_wait3A_556 = arith.constant 0 : i32
          %dma_wait3A_557 = arith.constant 0 : i32
          %dma_wait3A_558 = tpu.memref_slice %arg6[%dma_wait3A_555, %dma_wait3A_556, %dma_wait3A_557] : memref<5x128x64xf32, #tpu.memory_space<vmem>> -> memref<1x128x64xf32, #tpu.memory_space<vmem>>
          %dma_wait3A_559 = tpu.memref_squeeze %dma_wait3A_558 : memref<1x128x64xf32, #tpu.memory_space<vmem>> -> memref<128x64xf32, #tpu.memory_space<vmem>>
          %dma_wait3A_560 = tpu.memref_slice %arg4[%select_n3A_536, %mul3A_2, %mul3A_554] : memref<10x4096x128xf32, #tpu.memory_space<hbm>> -> memref<1x128x64xf32, #tpu.memory_space<hbm>>
          %dma_wait3A_561 = tpu.memref_squeeze %dma_wait3A_560 : memref<1x128x64xf32, #tpu.memory_space<hbm>> -> memref<128x64xf32, #tpu.memory_space<hbm>>
          %dma_wait3A_562 = tpu.memref_slice %arg4[%select_n3A_536, %mul3A_2, %mul3A_554] : memref<10x4096x128xf32, #tpu.memory_space<hbm>> -> memref<1x128x64xf32, #tpu.memory_space<hbm>>
          %dma_wait3A_563 = tpu.memref_squeeze %dma_wait3A_562 : memref<1x128x64xf32, #tpu.memory_space<hbm>> -> memref<128x64xf32, #tpu.memory_space<hbm>>
          %dma_wait3A_564 = arith.constant 0 : i32
          %dma_wait3A_565 = arith.constant 0 : i32
          %dma_wait3A_566 = tpu.memref_slice %arg6[%dma_wait3A_555, %dma_wait3A_564, %dma_wait3A_565] : memref<5x128x64xf32, #tpu.memory_space<vmem>> -> memref<1x128x64xf32, #tpu.memory_space<vmem>>
          %dma_wait3A_567 = tpu.memref_squeeze %dma_wait3A_566 : memref<1x128x64xf32, #tpu.memory_space<vmem>> -> memref<128x64xf32, #tpu.memory_space<vmem>>
          tpu.wait_dma2 semaphore(%arg13 : memref<!tpu.dma_semaphore, #tpu.memory_space<semaphore_mem>>) src(%dma_wait3A_567 : memref<128x64xf32, #tpu.memory_space<vmem>>) dst(%dma_wait3A_563 : memref<128x64xf32, #tpu.memory_space<hbm>>)
        } else {
        }
        %dma_start3A_500 = arith.constant 1 : i32
        %dma_start3A_501 = arith.constant 0 : i32
        %dma_start3A_502 = arith.constant 0 : i32
        %dma_start3A_503 = tpu.memref_slice %arg6[%dma_start3A_500, %dma_start3A_501, %dma_start3A_502] : memref<5x128x64xf32, #tpu.memory_space<vmem>> -> memref<1x128x64xf32, #tpu.memory_space<vmem>>
        %dma_start3A_504 = tpu.memref_squeeze %dma_start3A_503 : memref<1x128x64xf32, #tpu.memory_space<vmem>> -> memref<128x64xf32, #tpu.memory_space<vmem>>
        %dma_start3A_505 = arith.constant 0 : i32
        %dma_start3A_506 = tpu.memref_slice %arg5[%add3A_413, %dma_start3A_505] : memref<20x128xi32, #tpu.memory_space<vmem>> -> memref<1x128xi32, #tpu.memory_space<vmem>>
        %dma_start3A_507 = tpu.memref_squeeze %dma_start3A_506 : memref<1x128xi32, #tpu.memory_space<vmem>> -> memref<128xi32, #tpu.memory_space<vmem>>
        %dma_start3A_508 = arith.constant 0 : i32
        %dma_start3A_509 = arith.constant 0 : i32
        %dma_start3A_510 = tpu.memref_slice %arg2[%dma_start3A_508, %dma_start3A_509] : memref<100000x64xf32, #tpu.memory_space<hbm>> -> memref<100000x64xf32, #tpu.memory_space<hbm>>
        tpu.enqueue_indirect_dma source(%dma_start3A_510 : memref<100000x64xf32, #tpu.memory_space<hbm>>) target(%dma_start3A_504 : memref<128x64xf32, #tpu.memory_space<vmem>>) offsets(%dma_start3A_507 : memref<128xi32, #tpu.memory_space<vmem>>) semaphore(%arg8 : memref<!tpu.dma_semaphore, #tpu.memory_space<semaphore_mem>>)
      } else {
      }
      %mul3A_419 = arith.constant 5 : i32
      %mul3A_420 = arith.muli %scan3A_122, %mul3A_419 : i32
      %add3A_421 = arith.constant 4 : i32
      %add3A_422 = arith.addi %mul3A_420, %add3A_421 : i32
      %dma_wait3A_423 = arith.constant 4 : i32
      %dma_wait3A_424 = arith.constant 0 : i32
      %dma_wait3A_425 = arith.constant 0 : i32
      %dma_wait3A_426 = tpu.memref_slice %arg6[%dma_wait3A_423, %dma_wait3A_424, %dma_wait3A_425] : memref<5x128x64xf32, #tpu.memory_space<vmem>> -> memref<1x128x64xf32, #tpu.memory_space<vmem>>
      %dma_wait3A_427 = tpu.memref_squeeze %dma_wait3A_426 : memref<1x128x64xf32, #tpu.memory_space<vmem>> -> memref<128x64xf32, #tpu.memory_space<vmem>>
      %dma_wait3A_428 = arith.constant 0 : i32
      %dma_wait3A_429 = tpu.memref_slice %arg5[%add3A_422, %dma_wait3A_428] : memref<20x128xi32, #tpu.memory_space<vmem>> -> memref<1x128xi32, #tpu.memory_space<vmem>>
      %dma_wait3A_430 = tpu.memref_squeeze %dma_wait3A_429 : memref<1x128xi32, #tpu.memory_space<vmem>> -> memref<128xi32, #tpu.memory_space<vmem>>
      %dma_wait3A_431 = arith.constant 0 : i32
      %dma_wait3A_432 = arith.constant 0 : i32
      %dma_wait3A_433 = tpu.memref_slice %arg2[%dma_wait3A_431, %dma_wait3A_432] : memref<100000x64xf32, #tpu.memory_space<hbm>> -> memref<100000x64xf32, #tpu.memory_space<hbm>>
      tpu.wait_indirect_dma semaphore(%arg11 : memref<!tpu.dma_semaphore, #tpu.memory_space<semaphore_mem>>) src(%dma_wait3A_433 : memref<100000x64xf32, #tpu.memory_space<hbm>>) dst(%dma_wait3A_427 : memref<128x64xf32, #tpu.memory_space<vmem>>)
      %jit3A_434 = arith.constant 2 : i32
      %div3A_435 = arith.divsi %add3A_422, %jit3A_434 : i32
      %sign3A_436 = arith.constant 0 : i32
      %sign3A_437 = arith.cmpi sgt, %add3A_422, %sign3A_436 : i32
      %sign3A_438 = arith.extui %sign3A_437 : i1 to i32
      %sign3A_439 = arith.constant 0 : i32
      %sign3A_440 = arith.cmpi slt, %add3A_422, %sign3A_439 : i32
      %sign3A_441 = arith.extui %sign3A_440 : i1 to i32
      %sign3A_442 = arith.subi %sign3A_438, %sign3A_441 : i32
      %sign3A_443 = arith.constant 0 : i32
      %sign3A_444 = arith.cmpi sgt, %jit3A_434, %sign3A_443 : i32
      %sign3A_445 = arith.extui %sign3A_444 : i1 to i32
      %sign3A_446 = arith.constant 0 : i32
      %sign3A_447 = arith.cmpi slt, %jit3A_434, %sign3A_446 : i32
      %sign3A_448 = arith.extui %sign3A_447 : i1 to i32
      %sign3A_449 = arith.subi %sign3A_445, %sign3A_448 : i32
      %ne3A_450 = arith.cmpi ne, %sign3A_442, %sign3A_449 : i32
      %rem3A_451 = arith.remsi %add3A_422, %jit3A_434 : i32
      %ne3A_452 = arith.constant 0 : i32
      %ne3A_453 = arith.cmpi ne, %rem3A_451, %ne3A_452 : i32
      %and3A_454 = arith.andi %ne3A_450, %ne3A_453 : i1
      %sub3A_455 = arith.constant 1 : i32
      %sub3A_456 = arith.subi %div3A_435, %sub3A_455 : i32
      %select_n3A_457 = arith.select %and3A_454, %sub3A_456, %div3A_435 : i32
      %jit3A_458 = arith.constant 2 : i32
      %eq3A_459 = arith.constant 0 : i32
      %eq3A_460 = arith.cmpi eq, %jit3A_458, %eq3A_459 : i32
      %jit3A_461 = arith.constant 1 : i32
      %select_n3A_462 = arith.select %eq3A_460, %jit3A_461, %jit3A_458 : i32
      %rem3A_463 = arith.remsi %add3A_422, %select_n3A_462 : i32
      %ne3A_464 = arith.constant 0 : i32
      %ne3A_465 = arith.cmpi ne, %rem3A_463, %ne3A_464 : i32
      %lt3A_466 = arith.constant 0 : i32
      %lt3A_467 = arith.cmpi slt, %rem3A_463, %lt3A_466 : i32
      %lt3A_468 = arith.constant 0 : i32
      %lt3A_469 = arith.cmpi slt, %select_n3A_462, %lt3A_468 : i32
      %ne3A_470 = arith.xori %lt3A_467, %lt3A_469 : i1
      %and3A_471 = arith.andi %ne3A_470, %ne3A_465 : i1
      %add3A_472 = arith.addi %rem3A_463, %select_n3A_462 : i32
      %select_n3A_473 = arith.select %and3A_471, %add3A_472, %rem3A_463 : i32
      %mul3A_474 = arith.constant 64 : i32
      %mul3A_475 = arith.muli %select_n3A_473, %mul3A_474 : i32
      %dma_start3A_476 = arith.constant 4 : i32
      %dma_start3A_477 = arith.constant 0 : i32
      %dma_start3A_478 = arith.constant 0 : i32
      %dma_start3A_479 = tpu.memref_slice %arg6[%dma_start3A_476, %dma_start3A_477, %dma_start3A_478] : memref<5x128x64xf32, #tpu.memory_space<vmem>> -> memref<1x128x64xf32, #tpu.memory_space<vmem>>
      %dma_start3A_480 = tpu.memref_squeeze %dma_start3A_479 : memref<1x128x64xf32, #tpu.memory_space<vmem>> -> memref<128x64xf32, #tpu.memory_space<vmem>>
      %dma_start3A_481 = tpu.memref_slice %arg4[%select_n3A_457, %mul3A_2, %mul3A_475] : memref<10x4096x128xf32, #tpu.memory_space<hbm>> -> memref<1x128x64xf32, #tpu.memory_space<hbm>>
      %dma_start3A_482 = tpu.memref_squeeze %dma_start3A_481 : memref<1x128x64xf32, #tpu.memory_space<hbm>> -> memref<128x64xf32, #tpu.memory_space<hbm>>
      %dma_start3A_483 = tpu.memref_slice %arg4[%select_n3A_457, %mul3A_2, %mul3A_475] : memref<10x4096x128xf32, #tpu.memory_space<hbm>> -> memref<1x128x64xf32, #tpu.memory_space<hbm>>
      %dma_start3A_484 = tpu.memref_squeeze %dma_start3A_483 : memref<1x128x64xf32, #tpu.memory_space<hbm>> -> memref<128x64xf32, #tpu.memory_space<hbm>>
      %dma_start3A_485 = arith.constant 0 : i32
      %dma_start3A_486 = arith.constant 0 : i32
      %dma_start3A_487 = tpu.memref_slice %arg6[%dma_start3A_476, %dma_start3A_485, %dma_start3A_486] : memref<5x128x64xf32, #tpu.memory_space<vmem>> -> memref<1x128x64xf32, #tpu.memory_space<vmem>>
      %dma_start3A_488 = tpu.memref_squeeze %dma_start3A_487 : memref<1x128x64xf32, #tpu.memory_space<vmem>> -> memref<128x64xf32, #tpu.memory_space<vmem>>
      tpu.enqueue_dma source(%dma_start3A_488 : memref<128x64xf32, #tpu.memory_space<vmem>>) target(%dma_start3A_484 : memref<128x64xf32, #tpu.memory_space<hbm>>) target_semaphore(%arg16 : memref<!tpu.dma_semaphore, #tpu.memory_space<semaphore_mem>>)
      %add3A_489 = arith.constant 3 : i32
      %add3A_490 = arith.addi %add3A_422, %add3A_489 : i32
      %lt3A_491 = arith.constant 20 : i32
      %lt3A_492 = arith.cmpi slt, %add3A_490, %lt3A_491 : i32
      %convert_element_type3A_493 = arith.extui %lt3A_492 : i1 to i32
      %cond3A_494 = arith.constant 0 : i32
      %cond3A_495 = arith.cmpi ne, %convert_element_type3A_493, %cond3A_494 : i32
      scf.if %cond3A_495 {
        %ge3A = arith.constant 5 : i32
        %ge3A_496 = arith.cmpi sge, %add3A_490, %ge3A : i32
        %convert_element_type3A_497 = arith.extui %ge3A_496 : i1 to i32
        %cond3A_498 = arith.constant 0 : i32
        %cond3A_499 = arith.cmpi ne, %convert_element_type3A_497, %cond3A_498 : i32
        scf.if %cond3A_499 {
          %sub3A_511 = arith.constant 5 : i32
          %sub3A_512 = arith.subi %add3A_490, %sub3A_511 : i32
          %jit3A_513 = arith.constant 2 : i32
          %div3A_514 = arith.divsi %sub3A_512, %jit3A_513 : i32
          %sign3A_515 = arith.constant 0 : i32
          %sign3A_516 = arith.cmpi sgt, %sub3A_512, %sign3A_515 : i32
          %sign3A_517 = arith.extui %sign3A_516 : i1 to i32
          %sign3A_518 = arith.constant 0 : i32
          %sign3A_519 = arith.cmpi slt, %sub3A_512, %sign3A_518 : i32
          %sign3A_520 = arith.extui %sign3A_519 : i1 to i32
          %sign3A_521 = arith.subi %sign3A_517, %sign3A_520 : i32
          %sign3A_522 = arith.constant 0 : i32
          %sign3A_523 = arith.cmpi sgt, %jit3A_513, %sign3A_522 : i32
          %sign3A_524 = arith.extui %sign3A_523 : i1 to i32
          %sign3A_525 = arith.constant 0 : i32
          %sign3A_526 = arith.cmpi slt, %jit3A_513, %sign3A_525 : i32
          %sign3A_527 = arith.extui %sign3A_526 : i1 to i32
          %sign3A_528 = arith.subi %sign3A_524, %sign3A_527 : i32
          %ne3A_529 = arith.cmpi ne, %sign3A_521, %sign3A_528 : i32
          %rem3A_530 = arith.remsi %sub3A_512, %jit3A_513 : i32
          %ne3A_531 = arith.constant 0 : i32
          %ne3A_532 = arith.cmpi ne, %rem3A_530, %ne3A_531 : i32
          %and3A_533 = arith.andi %ne3A_529, %ne3A_532 : i1
          %sub3A_534 = arith.constant 1 : i32
          %sub3A_535 = arith.subi %div3A_514, %sub3A_534 : i32
          %select_n3A_536 = arith.select %and3A_533, %sub3A_535, %div3A_514 : i32
          %jit3A_537 = arith.constant 2 : i32
          %eq3A_538 = arith.constant 0 : i32
          %eq3A_539 = arith.cmpi eq, %jit3A_537, %eq3A_538 : i32
          %jit3A_540 = arith.constant 1 : i32
          %select_n3A_541 = arith.select %eq3A_539, %jit3A_540, %jit3A_537 : i32
          %rem3A_542 = arith.remsi %sub3A_512, %select_n3A_541 : i32
          %ne3A_543 = arith.constant 0 : i32
          %ne3A_544 = arith.cmpi ne, %rem3A_542, %ne3A_543 : i32
          %lt3A_545 = arith.constant 0 : i32
          %lt3A_546 = arith.cmpi slt, %rem3A_542, %lt3A_545 : i32
          %lt3A_547 = arith.constant 0 : i32
          %lt3A_548 = arith.cmpi slt, %select_n3A_541, %lt3A_547 : i32
          %ne3A_549 = arith.xori %lt3A_546, %lt3A_548 : i1
          %and3A_550 = arith.andi %ne3A_549, %ne3A_544 : i1
          %add3A_551 = arith.addi %rem3A_542, %select_n3A_541 : i32
          %select_n3A_552 = arith.select %and3A_550, %add3A_551, %rem3A_542 : i32
          %mul3A_553 = arith.constant 64 : i32
          %mul3A_554 = arith.muli %select_n3A_552, %mul3A_553 : i32
          %dma_wait3A_555 = arith.constant 2 : i32
          %dma_wait3A_556 = arith.constant 0 : i32
          %dma_wait3A_557 = arith.constant 0 : i32
          %dma_wait3A_558 = tpu.memref_slice %arg6[%dma_wait3A_555, %dma_wait3A_556, %dma_wait3A_557] : memref<5x128x64xf32, #tpu.memory_space<vmem>> -> memref<1x128x64xf32, #tpu.memory_space<vmem>>
          %dma_wait3A_559 = tpu.memref_squeeze %dma_wait3A_558 : memref<1x128x64xf32, #tpu.memory_space<vmem>> -> memref<128x64xf32, #tpu.memory_space<vmem>>
          %dma_wait3A_560 = tpu.memref_slice %arg4[%select_n3A_536, %mul3A_2, %mul3A_554] : memref<10x4096x128xf32, #tpu.memory_space<hbm>> -> memref<1x128x64xf32, #tpu.memory_space<hbm>>
          %dma_wait3A_561 = tpu.memref_squeeze %dma_wait3A_560 : memref<1x128x64xf32, #tpu.memory_space<hbm>> -> memref<128x64xf32, #tpu.memory_space<hbm>>
          %dma_wait3A_562 = tpu.memref_slice %arg4[%select_n3A_536, %mul3A_2, %mul3A_554] : memref<10x4096x128xf32, #tpu.memory_space<hbm>> -> memref<1x128x64xf32, #tpu.memory_space<hbm>>
          %dma_wait3A_563 = tpu.memref_squeeze %dma_wait3A_562 : memref<1x128x64xf32, #tpu.memory_space<hbm>> -> memref<128x64xf32, #tpu.memory_space<hbm>>
          %dma_wait3A_564 = arith.constant 0 : i32
          %dma_wait3A_565 = arith.constant 0 : i32
          %dma_wait3A_566 = tpu.memref_slice %arg6[%dma_wait3A_555, %dma_wait3A_564, %dma_wait3A_565] : memref<5x128x64xf32, #tpu.memory_space<vmem>> -> memref<1x128x64xf32, #tpu.memory_space<vmem>>
          %dma_wait3A_567 = tpu.memref_squeeze %dma_wait3A_566 : memref<1x128x64xf32, #tpu.memory_space<vmem>> -> memref<128x64xf32, #tpu.memory_space<vmem>>
          tpu.wait_dma2 semaphore(%arg14 : memref<!tpu.dma_semaphore, #tpu.memory_space<semaphore_mem>>) src(%dma_wait3A_567 : memref<128x64xf32, #tpu.memory_space<vmem>>) dst(%dma_wait3A_563 : memref<128x64xf32, #tpu.memory_space<hbm>>)
        } else {
        }
        %dma_start3A_500 = arith.constant 2 : i32
        %dma_start3A_501 = arith.constant 0 : i32
        %dma_start3A_502 = arith.constant 0 : i32
        %dma_start3A_503 = tpu.memref_slice %arg6[%dma_start3A_500, %dma_start3A_501, %dma_start3A_502] : memref<5x128x64xf32, #tpu.memory_space<vmem>> -> memref<1x128x64xf32, #tpu.memory_space<vmem>>
        %dma_start3A_504 = tpu.memref_squeeze %dma_start3A_503 : memref<1x128x64xf32, #tpu.memory_space<vmem>> -> memref<128x64xf32, #tpu.memory_space<vmem>>
        %dma_start3A_505 = arith.constant 0 : i32
        %dma_start3A_506 = tpu.memref_slice %arg5[%add3A_490, %dma_start3A_505] : memref<20x128xi32, #tpu.memory_space<vmem>> -> memref<1x128xi32, #tpu.memory_space<vmem>>
        %dma_start3A_507 = tpu.memref_squeeze %dma_start3A_506 : memref<1x128xi32, #tpu.memory_space<vmem>> -> memref<128xi32, #tpu.memory_space<vmem>>
        %dma_start3A_508 = arith.constant 0 : i32
        %dma_start3A_509 = arith.constant 0 : i32
        %dma_start3A_510 = tpu.memref_slice %arg2[%dma_start3A_508, %dma_start3A_509] : memref<100000x64xf32, #tpu.memory_space<hbm>> -> memref<100000x64xf32, #tpu.memory_space<hbm>>
        tpu.enqueue_indirect_dma source(%dma_start3A_510 : memref<100000x64xf32, #tpu.memory_space<hbm>>) target(%dma_start3A_504 : memref<128x64xf32, #tpu.memory_space<vmem>>) offsets(%dma_start3A_507 : memref<128xi32, #tpu.memory_space<vmem>>) semaphore(%arg9 : memref<!tpu.dma_semaphore, #tpu.memory_space<semaphore_mem>>)
      } else {
      }
    }
    %scan3A_42 = arith.constant 4 : i32
    %dma_wait3A = arith.constant 0 : i32
    %dma_wait3A_43 = arith.constant 7 : i32
    %dma_wait3A_44 = arith.constant 0 : i32
    %dma_wait3A_45 = arith.constant 0 : i32
    %dma_wait3A_46 = tpu.memref_slice %arg6[%dma_wait3A, %dma_wait3A_44, %dma_wait3A_45] : memref<5x128x64xf32, #tpu.memory_space<vmem>> -> memref<1x128x64xf32, #tpu.memory_space<vmem>>
    %dma_wait3A_47 = tpu.memref_squeeze %dma_wait3A_46 : memref<1x128x64xf32, #tpu.memory_space<vmem>> -> memref<128x64xf32, #tpu.memory_space<vmem>>
    %dma_wait3A_48 = arith.constant 64 : i32
    %dma_wait3A_49 = tpu.memref_slice %arg4[%dma_wait3A_43, %mul3A_2, %dma_wait3A_48] : memref<10x4096x128xf32, #tpu.memory_space<hbm>> -> memref<1x128x64xf32, #tpu.memory_space<hbm>>
    %dma_wait3A_50 = tpu.memref_squeeze %dma_wait3A_49 : memref<1x128x64xf32, #tpu.memory_space<hbm>> -> memref<128x64xf32, #tpu.memory_space<hbm>>
    %dma_wait3A_51 = arith.constant 64 : i32
    %dma_wait3A_52 = tpu.memref_slice %arg4[%dma_wait3A_43, %mul3A_2, %dma_wait3A_51] : memref<10x4096x128xf32, #tpu.memory_space<hbm>> -> memref<1x128x64xf32, #tpu.memory_space<hbm>>
    %dma_wait3A_53 = tpu.memref_squeeze %dma_wait3A_52 : memref<1x128x64xf32, #tpu.memory_space<hbm>> -> memref<128x64xf32, #tpu.memory_space<hbm>>
    %dma_wait3A_54 = arith.constant 0 : i32
    %dma_wait3A_55 = arith.constant 0 : i32
    %dma_wait3A_56 = tpu.memref_slice %arg6[%dma_wait3A, %dma_wait3A_54, %dma_wait3A_55] : memref<5x128x64xf32, #tpu.memory_space<vmem>> -> memref<1x128x64xf32, #tpu.memory_space<vmem>>
    %dma_wait3A_57 = tpu.memref_squeeze %dma_wait3A_56 : memref<1x128x64xf32, #tpu.memory_space<vmem>> -> memref<128x64xf32, #tpu.memory_space<vmem>>
    tpu.wait_dma2 semaphore(%arg12 : memref<!tpu.dma_semaphore, #tpu.memory_space<semaphore_mem>>) src(%dma_wait3A_57 : memref<128x64xf32, #tpu.memory_space<vmem>>) dst(%dma_wait3A_53 : memref<128x64xf32, #tpu.memory_space<hbm>>)
    %dma_wait3A_58 = arith.constant 1 : i32
    %dma_wait3A_59 = arith.constant 8 : i32
    %dma_wait3A_60 = arith.constant 0 : i32
    %dma_wait3A_61 = arith.constant 0 : i32
    %dma_wait3A_62 = tpu.memref_slice %arg6[%dma_wait3A_58, %dma_wait3A_60, %dma_wait3A_61] : memref<5x128x64xf32, #tpu.memory_space<vmem>> -> memref<1x128x64xf32, #tpu.memory_space<vmem>>
    %dma_wait3A_63 = tpu.memref_squeeze %dma_wait3A_62 : memref<1x128x64xf32, #tpu.memory_space<vmem>> -> memref<128x64xf32, #tpu.memory_space<vmem>>
    %dma_wait3A_64 = arith.constant 0 : i32
    %dma_wait3A_65 = tpu.memref_slice %arg4[%dma_wait3A_59, %mul3A_2, %dma_wait3A_64] : memref<10x4096x128xf32, #tpu.memory_space<hbm>> -> memref<1x128x64xf32, #tpu.memory_space<hbm>>
    %dma_wait3A_66 = tpu.memref_squeeze %dma_wait3A_65 : memref<1x128x64xf32, #tpu.memory_space<hbm>> -> memref<128x64xf32, #tpu.memory_space<hbm>>
    %dma_wait3A_67 = arith.constant 0 : i32
    %dma_wait3A_68 = tpu.memref_slice %arg4[%dma_wait3A_59, %mul3A_2, %dma_wait3A_67] : memref<10x4096x128xf32, #tpu.memory_space<hbm>> -> memref<1x128x64xf32, #tpu.memory_space<hbm>>
    %dma_wait3A_69 = tpu.memref_squeeze %dma_wait3A_68 : memref<1x128x64xf32, #tpu.memory_space<hbm>> -> memref<128x64xf32, #tpu.memory_space<hbm>>
    %dma_wait3A_70 = arith.constant 0 : i32
    %dma_wait3A_71 = arith.constant 0 : i32
    %dma_wait3A_72 = tpu.memref_slice %arg6[%dma_wait3A_58, %dma_wait3A_70, %dma_wait3A_71] : memref<5x128x64xf32, #tpu.memory_space<vmem>> -> memref<1x128x64xf32, #tpu.memory_space<vmem>>
    %dma_wait3A_73 = tpu.memref_squeeze %dma_wait3A_72 : memref<1x128x64xf32, #tpu.memory_space<vmem>> -> memref<128x64xf32, #tpu.memory_space<vmem>>
    tpu.wait_dma2 semaphore(%arg13 : memref<!tpu.dma_semaphore, #tpu.memory_space<semaphore_mem>>) src(%dma_wait3A_73 : memref<128x64xf32, #tpu.memory_space<vmem>>) dst(%dma_wait3A_69 : memref<128x64xf32, #tpu.memory_space<hbm>>)
    %dma_wait3A_74 = arith.constant 2 : i32
    %dma_wait3A_75 = arith.constant 8 : i32
    %dma_wait3A_76 = arith.constant 0 : i32
    %dma_wait3A_77 = arith.constant 0 : i32
    %dma_wait3A_78 = tpu.memref_slice %arg6[%dma_wait3A_74, %dma_wait3A_76, %dma_wait3A_77] : memref<5x128x64xf32, #tpu.memory_space<vmem>> -> memref<1x128x64xf32, #tpu.memory_space<vmem>>
    %dma_wait3A_79 = tpu.memref_squeeze %dma_wait3A_78 : memref<1x128x64xf32, #tpu.memory_space<vmem>> -> memref<128x64xf32, #tpu.memory_space<vmem>>
    %dma_wait3A_80 = arith.constant 64 : i32
    %dma_wait3A_81 = tpu.memref_slice %arg4[%dma_wait3A_75, %mul3A_2, %dma_wait3A_80] : memref<10x4096x128xf32, #tpu.memory_space<hbm>> -> memref<1x128x64xf32, #tpu.memory_space<hbm>>
    %dma_wait3A_82 = tpu.memref_squeeze %dma_wait3A_81 : memref<1x128x64xf32, #tpu.memory_space<hbm>> -> memref<128x64xf32, #tpu.memory_space<hbm>>
    %dma_wait3A_83 = arith.constant 64 : i32
    %dma_wait3A_84 = tpu.memref_slice %arg4[%dma_wait3A_75, %mul3A_2, %dma_wait3A_83] : memref<10x4096x128xf32, #tpu.memory_space<hbm>> -> memref<1x128x64xf32, #tpu.memory_space<hbm>>
    %dma_wait3A_85 = tpu.memref_squeeze %dma_wait3A_84 : memref<1x128x64xf32, #tpu.memory_space<hbm>> -> memref<128x64xf32, #tpu.memory_space<hbm>>
    %dma_wait3A_86 = arith.constant 0 : i32
    %dma_wait3A_87 = arith.constant 0 : i32
    %dma_wait3A_88 = tpu.memref_slice %arg6[%dma_wait3A_74, %dma_wait3A_86, %dma_wait3A_87] : memref<5x128x64xf32, #tpu.memory_space<vmem>> -> memref<1x128x64xf32, #tpu.memory_space<vmem>>
    %dma_wait3A_89 = tpu.memref_squeeze %dma_wait3A_88 : memref<1x128x64xf32, #tpu.memory_space<vmem>> -> memref<128x64xf32, #tpu.memory_space<vmem>>
    tpu.wait_dma2 semaphore(%arg14 : memref<!tpu.dma_semaphore, #tpu.memory_space<semaphore_mem>>) src(%dma_wait3A_89 : memref<128x64xf32, #tpu.memory_space<vmem>>) dst(%dma_wait3A_85 : memref<128x64xf32, #tpu.memory_space<hbm>>)
    %dma_wait3A_90 = arith.constant 3 : i32
    %dma_wait3A_91 = arith.constant 9 : i32
    %dma_wait3A_92 = arith.constant 0 : i32
    %dma_wait3A_93 = arith.constant 0 : i32
    %dma_wait3A_94 = tpu.memref_slice %arg6[%dma_wait3A_90, %dma_wait3A_92, %dma_wait3A_93] : memref<5x128x64xf32, #tpu.memory_space<vmem>> -> memref<1x128x64xf32, #tpu.memory_space<vmem>>
    %dma_wait3A_95 = tpu.memref_squeeze %dma_wait3A_94 : memref<1x128x64xf32, #tpu.memory_space<vmem>> -> memref<128x64xf32, #tpu.memory_space<vmem>>
    %dma_wait3A_96 = arith.constant 0 : i32
    %dma_wait3A_97 = tpu.memref_slice %arg4[%dma_wait3A_91, %mul3A_2, %dma_wait3A_96] : memref<10x4096x128xf32, #tpu.memory_space<hbm>> -> memref<1x128x64xf32, #tpu.memory_space<hbm>>
    %dma_wait3A_98 = tpu.memref_squeeze %dma_wait3A_97 : memref<1x128x64xf32, #tpu.memory_space<hbm>> -> memref<128x64xf32, #tpu.memory_space<hbm>>
    %dma_wait3A_99 = arith.constant 0 : i32
    %dma_wait3A_100 = tpu.memref_slice %arg4[%dma_wait3A_91, %mul3A_2, %dma_wait3A_99] : memref<10x4096x128xf32, #tpu.memory_space<hbm>> -> memref<1x128x64xf32, #tpu.memory_space<hbm>>
    %dma_wait3A_101 = tpu.memref_squeeze %dma_wait3A_100 : memref<1x128x64xf32, #tpu.memory_space<hbm>> -> memref<128x64xf32, #tpu.memory_space<hbm>>
    %dma_wait3A_102 = arith.constant 0 : i32
    %dma_wait3A_103 = arith.constant 0 : i32
    %dma_wait3A_104 = tpu.memref_slice %arg6[%dma_wait3A_90, %dma_wait3A_102, %dma_wait3A_103] : memref<5x128x64xf32, #tpu.memory_space<vmem>> -> memref<1x128x64xf32, #tpu.memory_space<vmem>>
    %dma_wait3A_105 = tpu.memref_squeeze %dma_wait3A_104 : memref<1x128x64xf32, #tpu.memory_space<vmem>> -> memref<128x64xf32, #tpu.memory_space<vmem>>
    tpu.wait_dma2 semaphore(%arg15 : memref<!tpu.dma_semaphore, #tpu.memory_space<semaphore_mem>>) src(%dma_wait3A_105 : memref<128x64xf32, #tpu.memory_space<vmem>>) dst(%dma_wait3A_101 : memref<128x64xf32, #tpu.memory_space<hbm>>)
    %dma_wait3A_106 = arith.constant 4 : i32
    %dma_wait3A_107 = arith.constant 9 : i32
    %dma_wait3A_108 = arith.constant 0 : i32
    %dma_wait3A_109 = arith.constant 0 : i32
    %dma_wait3A_110 = tpu.memref_slice %arg6[%dma_wait3A_106, %dma_wait3A_108, %dma_wait3A_109] : memref<5x128x64xf32, #tpu.memory_space<vmem>> -> memref<1x128x64xf32, #tpu.memory_space<vmem>>
    %dma_wait3A_111 = tpu.memref_squeeze %dma_wait3A_110 : memref<1x128x64xf32, #tpu.memory_space<vmem>> -> memref<128x64xf32, #tpu.memory_space<vmem>>
    %dma_wait3A_112 = arith.constant 64 : i32
    %dma_wait3A_113 = tpu.memref_slice %arg4[%dma_wait3A_107, %mul3A_2, %dma_wait3A_112] : memref<10x4096x128xf32, #tpu.memory_space<hbm>> -> memref<1x128x64xf32, #tpu.memory_space<hbm>>
    %dma_wait3A_114 = tpu.memref_squeeze %dma_wait3A_113 : memref<1x128x64xf32, #tpu.memory_space<hbm>> -> memref<128x64xf32, #tpu.memory_space<hbm>>
    %dma_wait3A_115 = arith.constant 64 : i32
    %dma_wait3A_116 = tpu.memref_slice %arg4[%dma_wait3A_107, %mul3A_2, %dma_wait3A_115] : memref<10x4096x128xf32, #tpu.memory_space<hbm>> -> memref<1x128x64xf32, #tpu.memory_space<hbm>>
    %dma_wait3A_117 = tpu.memref_squeeze %dma_wait3A_116 : memref<1x128x64xf32, #tpu.memory_space<hbm>> -> memref<128x64xf32, #tpu.memory_space<hbm>>
    %dma_wait3A_118 = arith.constant 0 : i32
    %dma_wait3A_119 = arith.constant 0 : i32
    %dma_wait3A_120 = tpu.memref_slice %arg6[%dma_wait3A_106, %dma_wait3A_118, %dma_wait3A_119] : memref<5x128x64xf32, #tpu.memory_space<vmem>> -> memref<1x128x64xf32, #tpu.memory_space<vmem>>
    %dma_wait3A_121 = tpu.memref_squeeze %dma_wait3A_120 : memref<1x128x64xf32, #tpu.memory_space<vmem>> -> memref<128x64xf32, #tpu.memory_space<vmem>>
    tpu.wait_dma2 semaphore(%arg16 : memref<!tpu.dma_semaphore, #tpu.memory_space<semaphore_mem>>) src(%dma_wait3A_121 : memref<128x64xf32, #tpu.memory_space<vmem>>) dst(%dma_wait3A_117 : memref<128x64xf32, #tpu.memory_space<hbm>>)
    return
  }
}

module attributes {stable_mosaic.version = 14 : i64} {
  func.func @tr_kernel(%arg0: memref<4096x50xi32, #tpu.memory_space<vmem>>, %arg1: memref<56x4096xi32, #tpu.memory_space<vmem>>) attributes {dimension_semantics = [], scalar_prefetch = 0 : i64, scratch_operands = 0 : i64, tpu.core_type = #tpu.core_type<tc>} {
    %get3A = arith.constant 0 : index
    %get3A_0 = arith.constant 0 : index
    %get3A_1 = vector.load %arg0[%get3A, %get3A_0] : memref<4096x50xi32, #tpu.memory_space<vmem>>, vector<4096x50xi32>
    %transpose3A = tpu.transpose %get3A_1, [1, 0] : vector<4096x50xi32> -> vector<50x4096xi32>
    %swap3A = arith.constant 0 : index
    %swap3A_2 = arith.constant 0 : index
    %swap3A_3 = vector.load %arg1[%swap3A, %swap3A_2] : memref<56x4096xi32, #tpu.memory_space<vmem>>, vector<50x4096xi32>
    tpu.vector_store %arg1[%swap3A, %swap3A_2], %transpose3A {strides = array<i32>} : memref<56x4096xi32, #tpu.memory_space<vmem>>, vector<50x4096xi32>,
    return
  }
}

module attributes {stable_mosaic.version = 14 : i64} {
  func.func @rnn_kernel(%arg0: i32, %arg1: memref<1x4096x128xf32, #tpu.memory_space<vmem>>, %arg2: memref<64x128xbf16, #tpu.memory_space<vmem>>, %arg3: memref<128x128xf32, #tpu.memory_space<vmem>>, %arg4: memref<1x128xf32, #tpu.memory_space<vmem>>, %arg5: memref<4096x128xf32, #tpu.memory_space<vmem>>) attributes {dimension_semantics = [#tpu.dimension_semantics<arbitrary>], iteration_bounds = array<i64: 10>, scalar_prefetch = 0 : i64, scratch_operands = 0 : i64, tpu.core_type = #tpu.core_type<tc>, window_params = [{transform_indices = @transform_0, window_bounds = array<i64: 1, 4096, 128>}, {pipeline_mode = #tpu.pipeline_mode<synchronous>, transform_indices = @transform_1, window_bounds = array<i64: 64, 128>}, {pipeline_mode = #tpu.pipeline_mode<synchronous>, transform_indices = @transform_2, window_bounds = array<i64: 128, 128>}, {pipeline_mode = #tpu.pipeline_mode<synchronous>, transform_indices = @transform_3, window_bounds = array<i64: 1, 128>}, {pipeline_mode = #tpu.pipeline_mode<synchronous>, transform_indices = @transform_4, window_bounds = array<i64: 4096, 128>}]} {
    %eq3A = arith.constant 0 : i32
    %eq3A_0 = arith.cmpi eq, %arg0, %eq3A : i32
    %convert_element_type3A = arith.extui %eq3A_0 : i1 to i32
    %cond3A = arith.constant 0 : i32
    %cond3A_1 = arith.cmpi ne, %convert_element_type3A, %cond3A : i32
    scf.if %cond3A_1 {
      %broadcast_in_dim3A = arith.constant 0.000000e+00 : f32
      %broadcast_in_dim3A_44 = vector.broadcast %broadcast_in_dim3A : f32 to vector<4096x128xf32>
      %swap3A_45 = arith.constant 0 : index
      %swap3A_46 = arith.constant 0 : index
      %swap3A_47 = vector.load %arg5[%swap3A_45, %swap3A_46] : memref<4096x128xf32, #tpu.memory_space<vmem>>, vector<4096x128xf32>
      tpu.vector_store %arg5[%swap3A_45, %swap3A_46], %broadcast_in_dim3A_44 {strides = array<i32>} : memref<4096x128xf32, #tpu.memory_space<vmem>>, vector<4096x128xf32>,
    } else {
    }
    %get3A = arith.constant 0 : index
    %get3A_2 = arith.constant 0 : index
    %get3A_3 = vector.load %arg5[%get3A, %get3A_2] : memref<4096x128xf32, #tpu.memory_space<vmem>>, vector<4096x128xf32>
    %get3A_4 = arith.constant 0 : index
    %get3A_5 = arith.constant 0 : index
    %get3A_6 = arith.constant 0 : index
    %get3A_7 = vector.load %arg1[%get3A_4, %get3A_5, %get3A_6] : memref<1x4096x128xf32, #tpu.memory_space<vmem>>, vector<1x4096x128xf32>
    %get3A_8 = vector.shape_cast %get3A_7 : vector<1x4096x128xf32> to vector<4096x128xf32>
    %convert_element_type3A_9 = arith.truncf %get3A_8 : vector<4096x128xf32> to vector<4096x128xbf16>
    %slice3A = vector.extract_strided_slice %convert_element_type3A_9 {offsets = [0, 0], sizes = [4096, 64], strides = [1, 1]} : vector<4096x128xbf16> to vector<4096x64xbf16>
    %get3A_10 = arith.constant 0 : index
    %get3A_11 = arith.constant 0 : index
    %get3A_12 = vector.load %arg2[%get3A_10, %get3A_11] : memref<64x128xbf16, #tpu.memory_space<vmem>>, vector<64x128xbf16>
    %dot_general3A = arith.constant dense<0.000000e+00> : vector<4096x128xf32>
    %dot_general3A_13 = tpu.matmul %slice3A, %get3A_12, %dot_general3A {dimension_numbers = #tpu.dot_dimension_numbers<[1], [0], [0], [1], [0, 0, 1, 1], [], []>, transpose_lhs_hint = false} : vector<4096x64xbf16>, vector<64x128xbf16>, vector<4096x128xf32> -> vector<4096x128xf32>
    %slice3A_14 = vector.extract_strided_slice %convert_element_type3A_9 {offsets = [0, 64], sizes = [4096, 64], strides = [1, 1]} : vector<4096x128xbf16> to vector<4096x64xbf16>
    %get3A_15 = arith.constant 0 : index
    %get3A_16 = arith.constant 0 : index
    %get3A_17 = vector.load %arg2[%get3A_15, %get3A_16] : memref<64x128xbf16, #tpu.memory_space<vmem>>, vector<64x128xbf16>
    %dot_general3A_18 = arith.constant dense<0.000000e+00> : vector<4096x128xf32>
    %dot_general3A_19 = tpu.matmul %slice3A_14, %get3A_17, %dot_general3A_18 {dimension_numbers = #tpu.dot_dimension_numbers<[1], [0], [0], [1], [0, 0, 1, 1], [], []>, transpose_lhs_hint = false} : vector<4096x64xbf16>, vector<64x128xbf16>, vector<4096x128xf32> -> vector<4096x128xf32>
    %get3A_20 = arith.constant 0 : index
    %get3A_21 = arith.constant 0 : index
    %get3A_22 = vector.load %arg3[%get3A_20, %get3A_21] : memref<128x128xf32, #tpu.memory_space<vmem>>, vector<128x128xf32>
    %dot_general3A_23 = arith.constant dense<0.000000e+00> : vector<4096x128xf32>
    %dot_general3A_24 = tpu.matmul %get3A_3, %get3A_22, %dot_general3A_23 {dimension_numbers = #tpu.dot_dimension_numbers<[1], [0], [0], [1], [0, 0, 1, 1], [], []>, transpose_lhs_hint = false} : vector<4096x128xf32>, vector<128x128xf32>, vector<4096x128xf32> -> vector<4096x128xf32>
    %add3A = arith.addf %dot_general3A_13, %dot_general3A_24 : vector<4096x128xf32>
    %get3A_25 = arith.constant 0 : index
    %get3A_26 = arith.constant 0 : index
    %get3A_27 = vector.load %arg4[%get3A_25, %get3A_26] : memref<1x128xf32, #tpu.memory_space<vmem>>, vector<1x128xf32>
    %add3A_28 = vector.broadcast %get3A_27 : vector<1x128xf32> to vector<4096x128xf32>
    %add3A_29 = arith.addf %add3A, %add3A_28 : vector<4096x128xf32>
    %tanh3A = math.tanh %add3A_29 : vector<4096x128xf32>
    %get3A_30 = arith.constant 0 : index
    %get3A_31 = arith.constant 0 : index
    %get3A_32 = vector.load %arg3[%get3A_30, %get3A_31] : memref<128x128xf32, #tpu.memory_space<vmem>>, vector<128x128xf32>
    %dot_general3A_33 = arith.constant dense<0.000000e+00> : vector<4096x128xf32>
    %dot_general3A_34 = tpu.matmul %tanh3A, %get3A_32, %dot_general3A_33 {dimension_numbers = #tpu.dot_dimension_numbers<[1], [0], [0], [1], [0, 0, 1, 1], [], []>, transpose_lhs_hint = false} : vector<4096x128xf32>, vector<128x128xf32>, vector<4096x128xf32> -> vector<4096x128xf32>
    %add3A_35 = arith.addf %dot_general3A_19, %dot_general3A_34 : vector<4096x128xf32>
    %get3A_36 = arith.constant 0 : index
    %get3A_37 = arith.constant 0 : index
    %get3A_38 = vector.load %arg4[%get3A_36, %get3A_37] : memref<1x128xf32, #tpu.memory_space<vmem>>, vector<1x128xf32>
    %add3A_39 = vector.broadcast %get3A_38 : vector<1x128xf32> to vector<4096x128xf32>
    %add3A_40 = arith.addf %add3A_35, %add3A_39 : vector<4096x128xf32>
    %tanh3A_41 = math.tanh %add3A_40 : vector<4096x128xf32>
    %swap3A = arith.constant 0 : index
    %swap3A_42 = arith.constant 0 : index
    %swap3A_43 = vector.load %arg5[%swap3A, %swap3A_42] : memref<4096x128xf32, #tpu.memory_space<vmem>>, vector<4096x128xf32>
    tpu.vector_store %arg5[%swap3A, %swap3A_42], %tanh3A_41 {strides = array<i32>} : memref<4096x128xf32, #tpu.memory_space<vmem>>, vector<4096x128xf32>,
    return
  }
  func.func @transform_0(%arg0: i32) -> (i32, i32, i32) {
    %c0_i32 = arith.constant 0 : i32
    %c0_i32_0 = arith.constant 0 : i32
    %c0_i32_1 = arith.constant 0 : i32
    return %arg0, %c0_i32, %c0_i32_0 : i32, i32, i32
  }
  func.func @transform_1(%arg0: i32) -> (i32, i32) {
    %c0_i32 = arith.constant 0 : i32
    %c0_i32_0 = arith.constant 0 : i32
    %c0_i32_1 = arith.constant 0 : i32
    return %c0_i32, %c0_i32_0 : i32, i32
  }
  func.func @transform_2(%arg0: i32) -> (i32, i32) {
    %c0_i32 = arith.constant 0 : i32
    %c0_i32_0 = arith.constant 0 : i32
    %c0_i32_1 = arith.constant 0 : i32
    return %c0_i32, %c0_i32_0 : i32, i32
  }
  func.func @transform_3(%arg0: i32) -> (i32, i32) {
    %c0_i32 = arith.constant 0 : i32
    %c0_i32_0 = arith.constant 0 : i32
    %c0_i32_1 = arith.constant 0 : i32
    return %c0_i32, %c0_i32_0 : i32, i32
  }
  func.func @transform_4(%arg0: i32) -> (i32, i32) {
    %c0_i32 = arith.constant 0 : i32
    %c0_i32_0 = arith.constant 0 : i32
    %c0_i32_1 = arith.constant 0 : i32
    return %c0_i32, %c0_i32_0 : i32, i32
  }
}

module attributes {stable_mosaic.version = 14 : i64} {
  func.func @rnn_kernel(%arg0: i32, %arg1: memref<1x4096x128xf32, #tpu.memory_space<vmem>>, %arg2: memref<4096x128xf32, #tpu.memory_space<vmem>>, %arg3: memref<64x128xbf16, #tpu.memory_space<vmem>>, %arg4: memref<128x128xf32, #tpu.memory_space<vmem>>, %arg5: memref<1x128xf32, #tpu.memory_space<vmem>>, %arg6: memref<128x32xf32, #tpu.memory_space<vmem>>, %arg7: memref<1x32xf32, #tpu.memory_space<vmem>>, %arg8: memref<4096x32xf32, #tpu.memory_space<vmem>>, %arg9: memref<4096x128xf32, #tpu.memory_space<vmem>>) attributes {dimension_semantics = [#tpu.dimension_semantics<arbitrary>], iteration_bounds = array<i64: 15>, scalar_prefetch = 0 : i64, scratch_operands = 1 : i64, tpu.core_type = #tpu.core_type<tc>, window_params = [{transform_indices = @transform_0, window_bounds = array<i64: 1, 4096, 128>}, {pipeline_mode = #tpu.pipeline_mode<synchronous>, transform_indices = @transform_1, window_bounds = array<i64: 4096, 128>}, {pipeline_mode = #tpu.pipeline_mode<synchronous>, transform_indices = @transform_2, window_bounds = array<i64: 64, 128>}, {pipeline_mode = #tpu.pipeline_mode<synchronous>, transform_indices = @transform_3, window_bounds = array<i64: 128, 128>}, {pipeline_mode = #tpu.pipeline_mode<synchronous>, transform_indices = @transform_4, window_bounds = array<i64: 1, 128>}, {pipeline_mode = #tpu.pipeline_mode<synchronous>, transform_indices = @transform_5, window_bounds = array<i64: 128, 32>}, {pipeline_mode = #tpu.pipeline_mode<synchronous>, transform_indices = @transform_6, window_bounds = array<i64: 1, 32>}, {pipeline_mode = #tpu.pipeline_mode<synchronous>, transform_indices = @transform_7, window_bounds = array<i64: 4096, 32>}]} {
    %eq3A = arith.constant 0 : i32
    %eq3A_0 = arith.cmpi eq, %arg0, %eq3A : i32
    %convert_element_type3A = arith.extui %eq3A_0 : i1 to i32
    %cond3A = arith.constant 0 : i32
    %cond3A_1 = arith.cmpi ne, %convert_element_type3A, %cond3A : i32
    scf.if %cond3A_1 {
      %get3A_49 = arith.constant 0 : index
      %get3A_50 = arith.constant 0 : index
      %get3A_51 = vector.load %arg2[%get3A_49, %get3A_50] : memref<4096x128xf32, #tpu.memory_space<vmem>>, vector<4096x128xf32>
      %swap3A_52 = arith.constant 0 : index
      %swap3A_53 = arith.constant 0 : index
      %swap3A_54 = vector.load %arg9[%swap3A_52, %swap3A_53] : memref<4096x128xf32, #tpu.memory_space<vmem>>, vector<4096x128xf32>
      tpu.vector_store %arg9[%swap3A_52, %swap3A_53], %get3A_51 {strides = array<i32>} : memref<4096x128xf32, #tpu.memory_space<vmem>>, vector<4096x128xf32>,
    } else {
    }
    %get3A = arith.constant 0 : index
    %get3A_2 = arith.constant 0 : index
    %get3A_3 = vector.load %arg9[%get3A, %get3A_2] : memref<4096x128xf32, #tpu.memory_space<vmem>>, vector<4096x128xf32>
    %get3A_4 = arith.constant 0 : index
    %get3A_5 = arith.constant 0 : index
    %get3A_6 = arith.constant 0 : index
    %get3A_7 = vector.load %arg1[%get3A_4, %get3A_5, %get3A_6] : memref<1x4096x128xf32, #tpu.memory_space<vmem>>, vector<1x4096x128xf32>
    %get3A_8 = vector.shape_cast %get3A_7 : vector<1x4096x128xf32> to vector<4096x128xf32>
    %convert_element_type3A_9 = arith.truncf %get3A_8 : vector<4096x128xf32> to vector<4096x128xbf16>
    %slice3A = vector.extract_strided_slice %convert_element_type3A_9 {offsets = [0, 0], sizes = [4096, 64], strides = [1, 1]} : vector<4096x128xbf16> to vector<4096x64xbf16>
    %get3A_10 = arith.constant 0 : index
    %get3A_11 = arith.constant 0 : index
    %get3A_12 = vector.load %arg3[%get3A_10, %get3A_11] : memref<64x128xbf16, #tpu.memory_space<vmem>>, vector<64x128xbf16>
    %dot_general3A = arith.constant dense<0.000000e+00> : vector<4096x128xf32>
    %dot_general3A_13 = tpu.matmul %slice3A, %get3A_12, %dot_general3A {dimension_numbers = #tpu.dot_dimension_numbers<[1], [0], [0], [1], [0, 0, 1, 1], [], []>, transpose_lhs_hint = false} : vector<4096x64xbf16>, vector<64x128xbf16>, vector<4096x128xf32> -> vector<4096x128xf32>
    %slice3A_14 = vector.extract_strided_slice %convert_element_type3A_9 {offsets = [0, 64], sizes = [4096, 64], strides = [1, 1]} : vector<4096x128xbf16> to vector<4096x64xbf16>
    %get3A_15 = arith.constant 0 : index
    %get3A_16 = arith.constant 0 : index
    %get3A_17 = vector.load %arg3[%get3A_15, %get3A_16] : memref<64x128xbf16, #tpu.memory_space<vmem>>, vector<64x128xbf16>
    %dot_general3A_18 = arith.constant dense<0.000000e+00> : vector<4096x128xf32>
    %dot_general3A_19 = tpu.matmul %slice3A_14, %get3A_17, %dot_general3A_18 {dimension_numbers = #tpu.dot_dimension_numbers<[1], [0], [0], [1], [0, 0, 1, 1], [], []>, transpose_lhs_hint = false} : vector<4096x64xbf16>, vector<64x128xbf16>, vector<4096x128xf32> -> vector<4096x128xf32>
    %get3A_20 = arith.constant 0 : index
    %get3A_21 = arith.constant 0 : index
    %get3A_22 = vector.load %arg4[%get3A_20, %get3A_21] : memref<128x128xf32, #tpu.memory_space<vmem>>, vector<128x128xf32>
    %dot_general3A_23 = arith.constant dense<0.000000e+00> : vector<4096x128xf32>
    %dot_general3A_24 = tpu.matmul %get3A_3, %get3A_22, %dot_general3A_23 {dimension_numbers = #tpu.dot_dimension_numbers<[1], [0], [0], [1], [0, 0, 1, 1], [], []>, transpose_lhs_hint = false} : vector<4096x128xf32>, vector<128x128xf32>, vector<4096x128xf32> -> vector<4096x128xf32>
    %add3A = arith.addf %dot_general3A_13, %dot_general3A_24 : vector<4096x128xf32>
    %get3A_25 = arith.constant 0 : index
    %get3A_26 = arith.constant 0 : index
    %get3A_27 = vector.load %arg5[%get3A_25, %get3A_26] : memref<1x128xf32, #tpu.memory_space<vmem>>, vector<1x128xf32>
    %add3A_28 = vector.broadcast %get3A_27 : vector<1x128xf32> to vector<4096x128xf32>
    %add3A_29 = arith.addf %add3A, %add3A_28 : vector<4096x128xf32>
    %tanh3A = math.tanh %add3A_29 : vector<4096x128xf32>
    %get3A_30 = arith.constant 0 : index
    %get3A_31 = arith.constant 0 : index
    %get3A_32 = vector.load %arg4[%get3A_30, %get3A_31] : memref<128x128xf32, #tpu.memory_space<vmem>>, vector<128x128xf32>
    %dot_general3A_33 = arith.constant dense<0.000000e+00> : vector<4096x128xf32>
    %dot_general3A_34 = tpu.matmul %tanh3A, %get3A_32, %dot_general3A_33 {dimension_numbers = #tpu.dot_dimension_numbers<[1], [0], [0], [1], [0, 0, 1, 1], [], []>, transpose_lhs_hint = false} : vector<4096x128xf32>, vector<128x128xf32>, vector<4096x128xf32> -> vector<4096x128xf32>
    %add3A_35 = arith.addf %dot_general3A_19, %dot_general3A_34 : vector<4096x128xf32>
    %get3A_36 = arith.constant 0 : index
    %get3A_37 = arith.constant 0 : index
    %get3A_38 = vector.load %arg5[%get3A_36, %get3A_37] : memref<1x128xf32, #tpu.memory_space<vmem>>, vector<1x128xf32>
    %add3A_39 = vector.broadcast %get3A_38 : vector<1x128xf32> to vector<4096x128xf32>
    %add3A_40 = arith.addf %add3A_35, %add3A_39 : vector<4096x128xf32>
    %tanh3A_41 = math.tanh %add3A_40 : vector<4096x128xf32>
    %swap3A = arith.constant 0 : index
    %swap3A_42 = arith.constant 0 : index
    %swap3A_43 = vector.load %arg9[%swap3A, %swap3A_42] : memref<4096x128xf32, #tpu.memory_space<vmem>>, vector<4096x128xf32>
    tpu.vector_store %arg9[%swap3A, %swap3A_42], %tanh3A_41 {strides = array<i32>} : memref<4096x128xf32, #tpu.memory_space<vmem>>, vector<4096x128xf32>,
    %eq3A_44 = arith.constant 14 : i32
    %eq3A_45 = arith.cmpi eq, %arg0, %eq3A_44 : i32
    %convert_element_type3A_46 = arith.extui %eq3A_45 : i1 to i32
    %cond3A_47 = arith.constant 0 : i32
    %cond3A_48 = arith.cmpi ne, %convert_element_type3A_46, %cond3A_47 : i32
    scf.if %cond3A_48 {
      %get3A_49 = arith.constant 0 : index
      %get3A_50 = arith.constant 0 : index
      %get3A_51 = vector.load %arg6[%get3A_49, %get3A_50] : memref<128x32xf32, #tpu.memory_space<vmem>>, vector<128x32xf32>
      %dot_general3A_52 = arith.constant dense<0.000000e+00> : vector<4096x32xf32>
      %dot_general3A_53 = tpu.matmul %tanh3A_41, %get3A_51, %dot_general3A_52 {dimension_numbers = #tpu.dot_dimension_numbers<[1], [0], [0], [1], [0, 0, 1, 1], [], []>, transpose_lhs_hint = false} : vector<4096x128xf32>, vector<128x32xf32>, vector<4096x32xf32> -> vector<4096x32xf32>
      %get3A_54 = arith.constant 0 : index
      %get3A_55 = arith.constant 0 : index
      %get3A_56 = vector.load %arg7[%get3A_54, %get3A_55] : memref<1x32xf32, #tpu.memory_space<vmem>>, vector<1x32xf32>
      %add3A_57 = vector.broadcast %get3A_56 : vector<1x32xf32> to vector<4096x32xf32>
      %add3A_58 = arith.addf %dot_general3A_53, %add3A_57 : vector<4096x32xf32>
      %swap3A_59 = arith.constant 0 : index
      %swap3A_60 = arith.constant 0 : index
      %swap3A_61 = vector.load %arg8[%swap3A_59, %swap3A_60] : memref<4096x32xf32, #tpu.memory_space<vmem>>, vector<4096x32xf32>
      tpu.vector_store %arg8[%swap3A_59, %swap3A_60], %add3A_58 {strides = array<i32>} : memref<4096x32xf32, #tpu.memory_space<vmem>>, vector<4096x32xf32>,
    } else {
    }
    return
  }
  func.func @transform_0(%arg0: i32) -> (i32, i32, i32) {
    %c0_i32 = arith.constant 0 : i32
    %c0_i32_0 = arith.constant 0 : i32
    %c0_i32_1 = arith.constant 0 : i32
    return %arg0, %c0_i32, %c0_i32_0 : i32, i32, i32
  }
  func.func @transform_1(%arg0: i32) -> (i32, i32) {
    %c0_i32 = arith.constant 0 : i32
    %c0_i32_0 = arith.constant 0 : i32
    %c0_i32_1 = arith.constant 0 : i32
    return %c0_i32, %c0_i32_0 : i32, i32
  }
  func.func @transform_2(%arg0: i32) -> (i32, i32) {
    %c0_i32 = arith.constant 0 : i32
    %c0_i32_0 = arith.constant 0 : i32
    %c0_i32_1 = arith.constant 0 : i32
    return %c0_i32, %c0_i32_0 : i32, i32
  }
  func.func @transform_3(%arg0: i32) -> (i32, i32) {
    %c0_i32 = arith.constant 0 : i32
    %c0_i32_0 = arith.constant 0 : i32
    %c0_i32_1 = arith.constant 0 : i32
    return %c0_i32, %c0_i32_0 : i32, i32
  }
  func.func @transform_4(%arg0: i32) -> (i32, i32) {
    %c0_i32 = arith.constant 0 : i32
    %c0_i32_0 = arith.constant 0 : i32
    %c0_i32_1 = arith.constant 0 : i32
    return %c0_i32, %c0_i32_0 : i32, i32
  }
  func.func @transform_5(%arg0: i32) -> (i32, i32) {
    %c0_i32 = arith.constant 0 : i32
    %c0_i32_0 = arith.constant 0 : i32
    %c0_i32_1 = arith.constant 0 : i32
    return %c0_i32, %c0_i32_0 : i32, i32
  }
  func.func @transform_6(%arg0: i32) -> (i32, i32) {
    %c0_i32 = arith.constant 0 : i32
    %c0_i32_0 = arith.constant 0 : i32
    %c0_i32_1 = arith.constant 0 : i32
    return %c0_i32, %c0_i32_0 : i32, i32
  }
  func.func @transform_7(%arg0: i32) -> (i32, i32) {
    %c0_i32 = arith.constant 0 : i32
    %c0_i32_0 = arith.constant 0 : i32
    %c0_i32_1 = arith.constant 0 : i32
    return %c0_i32, %c0_i32_0 : i32, i32
  }
}

</mosaic_0001>

<sc_bundles>
// kernel: kernel.10.cloned.1.call-start
scs
__scs_entry_jumppad:
0x0: {  	(pc) =	sbr.rel $0x88, $3  }
0x1: {  	(tag) =	ssettag $0x0;
	lr =	simm.s32 $0x1  }
0x2: {  	[smem:$0x3F99] =	sst lr;
	_ =	strace $0xD0000000  }
0x3: {  	_ = 	snop  }
0x4: {  	_ = 	snop  }
0x5: {  	_ = 	snop  }
0x6: {  	_ = 	snop  }
0x7: {  	_ = 	snop  }
__scs_overlays_trampoline_lowered:
0x8: {  	[smem:$0x3FA8] =	sst s0  }
0x9: {  	[smem:$0x3FA9] =	sst s1  }
0xa: {  	[smem:$0x3FAA] =	sst s2  }
0xb: {  	[smem:$0x3FAB] =	sst s3  }
0xc: {  	[smem:$0x3FAC] =	sst s4  }
0xd: {  	[smem:$0x3FAD] =	sst s5  }
0xe: {  	[smem:$0x3FAE] =	sst s6  }
0xf: {  	[smem:$0x3FAF] =	sst s7  }
0x10: {  	[smem:$0x3FB0] =	sst s8  }
0x11: {  	[smem:$0x3FB1] =	sst s9;
	s0 =	simm.s32 @!p0 $0x0  }
0x12: {  	s1 =	sld [smem:$0x3F97];
	s0 =	simm.s32 @p0 $0x1  }
0x13: {  	[smem:$0x3FB2] =	sst s0;
	s0 =	simm.s32 @!p1 $0x0  }
0x14: {  	s2 =	sld [smem:$0x3F96];
	s0 =	simm.s32 @p1 $0x1  }
0x15: {  	[smem:$0x3FB3] =	sst s0;
	s0 =	simm.s32 @!p2 $0x0  }
0x16: {  	s3 =	sld [smem:$0x3FDB];
	s0 =	simm.s32 @p2 $0x1  }
0x17: {  	s4 =	simm.s32 $0x1BF5;
	[smem:$0x3FB5] =	sst s0  }
0x18: {  	s0 =	sld [smem:$0x3F98];
	_ =	swait.ge [sflag:s4], $0x0  }
0x19: {  	s7 =	sld [smem:$0x3F99]  }
0x1a: {  	s8 =	sadd.s32 $0xFFFFE003, lr  }
0x1b: {  	s9 =	sadd.s32 $0xFFFFFEF7, lr;
	s5 =	simm.s32 $0xFFFFFFFF;
	p2 =	slt.u32 s8, $0xFFFFF086  }
0x1c: {  	p1 =	slt.u32 s9, $0xF7A;
	s5 =	simm.s32 @!p2 $0x0  }
0x1d: {  	s5 =	simm.s32 @p1 $0x1;
	p0 =	seq.s32 s7, s2  }
0x1e: {  	s7 =	smul.u32 @!p0 $0xF7A, s2;
	p2 =	seq.s32 @!p0 s5, $0x0  }
0x1f: {  	s9 =	smul.u32 $0xF7A, s1;
	s8 =	simm.s32 @!p0 $0x1BF5;
	p2 =	por !p2, p0  }
0x20: {  	[sflag:s8] =	ssyncset.s32 @!p0 $0xFFFFF086;
	s6 =	sadd.s32 @!p0 s3, s7;
	s7 =	simm.s32 @!p0 $0x108  }
0x21: {  	s3 =	sadd.s32 s3, s9;
	s6 =	sadd.s32 @!p0 $0x88, s6;
	s7 =	simm.s32 @p2 $0x1082  }
0x22: {  	[simem:s7], [sflag:s8] =	dma.local @!p0 [hbm:s6], $0xF7A  }
0x23: {  	s9 =	sor.u32 $0xD0000000, s2;
	s6 =	simm.s32 $0x108;
	_ =	swait.ge @!p0 [sflag:s8], $0x0  }
0x24: {  	s3 =	sadd.s32 $0x88, s3;
	s6 =	simm.s32 @!p1 $0x1082;
	[sflag:s4] =	ssyncset.s32 $0xFFFFF086  }
0x25: {  	[simem:s6], [sflag:s4] =	dma.local [hbm:s3], $0xF7A  }
0x26: {  	[smem:$0x3F99] =	sst s1;
	(tag) =	ssettag s2;
	_ =	strace s9  }
0x27: {  	s1 =	sld [smem:$0x3FA9]  }
0x28: {  	s2 =	sld [smem:$0x3FAA]  }
0x29: {  	s4 =	sld [smem:$0x3FAC]  }
0x2a: {  	p0 =	seq.s32 s5, $0x0;
	s5 =	sld [smem:$0x3FAD]  }
0x2b: {  	s6 =	sld [smem:$0x3FAE]  }
0x2c: {  	s7 =	sld [smem:$0x3FAF]  }
0x2d: {  	s3 =	simm.s32 $0x108;
	s8 =	sld [smem:$0x3FB0]  }
0x2e: {  	s3 =	simm.s32 @!p0 $0x1082;
	s9 =	sld [smem:$0x3FB1]  }
0x2f: {  	lr =	sadd.s32 s0, s3;
	s0 =	sld [smem:$0x3FA8]  }
0x30: {  	s3 =	sld [smem:$0x3FAB]  }
0x31: {  	[smem:$0x3FB4] =	sst s10  }
0x32: {  	s10 =	sld [smem:$0x3FB2];
	_ =	sdelay $0x3  }
0x33: {  	p0 =	seq.s32 s10, $0x1;
	s10 =	sld [smem:$0x3FB4];
	_ =	sdelay $0x3  }
0x34: {  	[smem:$0x3FB4] =	sst s10  }
0x35: {  	s10 =	sld [smem:$0x3FB3];
	_ =	sdelay $0x3  }
0x36: {  	p1 =	seq.s32 s10, $0x1;
	s10 =	sld [smem:$0x3FB4];
	_ =	sdelay $0x3  }
0x37: {  	[smem:$0x3FB4] =	sst s10  }
0x38: {  	s10 =	sld [smem:$0x3FB5]  }
0x39: {  	_ = 	snop;
	(pc) =	sbr.ind lr, $3  }
0x3a: {  	_ = 	snop  }
0x3b: {  	_ = 	snop  }
0x3c: {  	p2 =	seq.s32 s10, $0x1;
	s10 =	sld [smem:$0x3FB4]  }
0x3d: {  	_ =	shalt  }
0x3e: {  	_ =	shalt  }
0x3f: {  	_ =	shalt  }
0x40: {  	_ =	shalt  }
0x41: {  	_ =	shalt  }
0x42: {  	_ =	shalt  }
0x43: {  	_ =	shalt  }
0x44: {  	_ =	shalt  }
0x45: {  	_ =	shalt  }
0x46: {  	_ =	shalt  }
0x47: {  	_ =	shalt  }
0x48: {  	_ =	shalt  }
0x49: {  	_ =	shalt  }
0x4a: {  	_ =	shalt  }
0x4b: {  	_ =	shalt  }
0x4c: {  	_ =	shalt  }
0x4d: {  	_ =	shalt  }
0x4e: {  	_ =	shalt  }
0x4f: {  	_ =	shalt  }
0x50: {  	_ =	shalt  }
0x51: {  	_ =	shalt  }
0x52: {  	_ =	shalt  }
0x53: {  	_ =	shalt  }
0x54: {  	_ =	shalt  }
0x55: {  	_ =	shalt  }
0x56: {  	_ =	shalt  }
0x57: {  	_ =	shalt  }
0x58: {  	_ =	shalt  }
0x59: {  	_ =	shalt  }
0x5a: {  	_ =	shalt  }
0x5b: {  	_ =	shalt  }
0x5c: {  	_ =	shalt  }
0x5d: {  	_ =	shalt  }
0x5e: {  	_ =	shalt  }
0x5f: {  	_ =	shalt  }
0x60: {  	_ =	shalt  }
0x61: {  	_ =	shalt  }
0x62: {  	_ =	shalt  }
0x63: {  	_ =	shalt  }
0x64: {  	_ =	shalt  }
0x65: {  	_ =	shalt  }
0x66: {  	_ =	shalt  }
0x67: {  	_ =	shalt  }
0x68: {  	_ =	shalt  }
0x69: {  	_ =	shalt  }
0x6a: {  	_ =	shalt  }
0x6b: {  	_ =	shalt  }
0x6c: {  	_ =	shalt  }
0x6d: {  	_ =	shalt  }
0x6e: {  	_ =	shalt  }
0x6f: {  	_ =	shalt  }
0x70: {  	_ =	shalt  }
0x71: {  	_ =	shalt  }
0x72: {  	_ =	shalt  }
0x73: {  	_ =	shalt  }
0x74: {  	_ =	shalt  }
0x75: {  	_ =	shalt  }
0x76: {  	_ =	shalt  }
0x77: {  	_ =	shalt  }
0x78: {  	_ =	shalt  }
0x79: {  	_ =	shalt  }
0x7a: {  	_ =	shalt  }
0x7b: {  	_ =	shalt  }
0x7c: {  	_ =	shalt  }
0x7d: {  	_ =	shalt  }
0x7e: {  	_ =	shalt  }
0x7f: {  	_ =	shalt  }
0x80: {  	_ =	shalt  }
0x81: {  	_ =	shalt  }
0x82: {  	_ =	shalt  }
0x83: {  	_ =	shalt  }
0x84: {  	_ =	shalt  }
0x85: {  	_ =	shalt  }
0x86: {  	_ =	shalt  }
0x87: {  	_ =	shalt  }
.Lfunc_end0:
.L_simem_size_0:
called_computation.1_lowered:
.L_overlay_start_0:
0x88: {  	s2 =	sld [smem:$0x3FD9]  }
0x89: {  	s3 =	sld [smem:$0x3FFE];
	_ =	sdelay $0x1  }
0x8a: {  	s1 =	srdreg.scid  }
0x8b: {  	s0 =	sand.u32 $0x1, s1  }
0x8c: {  	s17 =	sshll.u32 s0, $0xA;
	s2 =	sadd.s32 s3, s2  }
0x8d: {  	s2 =	sadd.s32 s2, s17  }
0x8e: {  	[smem:$0x3FC0] =	sst s2  }
0x8f: {  	_ = 	snop  }
0x90: {  	(tm) =	ssettm $0x1  }
0x91: {  	s18 =	sld [smem:$0x3FFB];
	_ =	sdelay $0x3  }
0x92: {  	_ =	strace s18  }
0x93: {  	s2 =	sld [smem:$0x3FFC];
	_ =	sdelay $0x3  }
0x94: {  	_ =	strace s2  }
0x95: {  	s2 =	sld [smem:$0x3FFD];
	_ =	sdelay $0x3  }
0x96: {  	_ =	strace s2  }
0x97: {  	_ =	strace $0x8FFFFFFF  }
0x98: {  	s19 =	sld [smem:$0x3FDB];
	_ =	sdelay $0x1  }
0x99: {  	s20 =	simm.s32 $_scs_section_size  }
0x9a: {  	s4 =	simm.s32 $_size__tile_overlayer_lowered;
	s5 =	simm.s32 $_tile_overlayer_lowered  }
0x9b: {  	s6 =	simm.s32 $0x1BFF;
	s21 =	sshll.u32 s5, $0x1;
	s3 =	sadd.s32 s20, s19  }
0x9c: {  	s22 =	simm.s32 $0x0;
	s4 =	sshll.u32 s4, $0x1;
	s5 =	sadd.s32 s21, s3  }
0x9d: {  	[timem:s22], [sflag:s6] =	dma.local [hbm:s5], s4  }
0x9e: {  	_ =	swait.ge [sflag:s6], s4  }
0x9f: {  	s4 =	ssub.s32 $0x0, s4;
	[sflag:s6] =	ssyncset.done $0x0  }
0xa0: {  	[sflag:s6] =	ssyncadd.s32 s4;
	_ =	sdelay $0x1  }
0xa1: {  	s23 =	simm.s32 $0x1B8B  }
0xa2: {  	_ =	swait.ge [sflag:s23], $0x1  }
0xa3: {  	[sflag:s23] =	ssyncset.done $0x0  }
0xa4: {  	[sflag:s23] =	ssyncadd.s32 $0xFFFFFFFF  }
0xa5: {  	s4 =	sld [smem:$0x0]  }
0xa6: {  	s5 =	sand.u32 $0xFFFFFFFE, s1  }
0xa7: {  	p0 =	sne.s32 s1, s5  }
0xa8: {  	s5 =	sshll.u32 @p0 s5, $0xE  }
0xa9: {  	s5 =	sadd.s32 @p0 $0x11B8D, s5;
	s6 =	sshll.u32 @p0 s4, $0x11  }
0xaa: {  	s5 =	sor.u32 @p0 s6, s5  }
0xab: {  	[sflag:s5] =	ssyncadd.remote.s32 @p0 $0x1;
	_ =	sdelay $0x1  }
0xac: {  	s5 =	simm.s32 @p0 $0x1B8D  }
0xad: {  	_ =	swait.eq @p0 [sflag:s5], $0x1  }
0xae: {  	[sflag:s5] =	ssyncadd.s32 @p0 $0xFFFFFFFF  }
0xaf: {  	s6 =	sshll.u32 @!p0 s1, $0xE  }
0xb0: {  	s6 =	sor.u32 @!p0 $0x4000, s6;
	s5 =	simm.s32 @!p0 $0x1B8D  }
0xb1: {  	s4 =	sshll.u32 @!p0 s4, $0x11;
	s6 =	sadd.s32 @!p0 $0x11B8D, s6;
	_ =	swait.eq @!p0 [sflag:s5], $0x1  }
0xb2: {  	s4 =	sor.u32 @!p0 s4, s6;
	[sflag:s5] =	ssyncadd.s32 @!p0 $0xFFFFFFFF  }
0xb3: {  	s25 =	simm.s32 $0x1B8E;
	s24 =	sld [smem:$0x3FFE];
	[sflag:s4] =	ssyncadd.remote.s32 @!p0 $0x1  }
0xb4: {  	s26 =	simm.s32 $execute0_lowered;
	[smem:$0x3FD2] =	sst s25  }
0xb5: {  	s5 =	sshll.u32 s26, $0x1;
	_ =	strace $0x80000049;
	[dreg:$0x1] =	wrdreg $0xFFFFFFFF  }
0xb6: {  	s28 =	simm.s32 $_size_execute0_lowered;
	s3 =	sadd.s32 s3, s5;
	[dreg:$0x0] =	wrdreg $0x0  }
0xb7: {  	s5 =	sshll.u32 s28, $0x1;
	[dreg:$0x2] =	wrdreg s3  }
0xb8: {  	[dreg:$0x3] =	wrdreg s5  }
0xb9: {  	[dreg:$0x4] =	wrdreg $0xC0  }
0xba: {  	_ =	task [dreg:s22], $0x5FFFF  }
0xbb: {  	[dreg:$0x1] =	wrdreg $0xFFFFFFFF  }
0xbc: {  	[dreg:$0x0] =	wrdreg $0x60  }
0xbd: {  	[dreg:$0x2] =	wrdreg s24  }
0xbe: {  	[dreg:$0x3] =	wrdreg $0xA  }
0xbf: {  	_ =	task.clear_ibuf [dreg:s22], $0x4FFFF;
	_ =	strace $0x90000049  }
0xc0: {  	s29 =	simm.s32 $0xA;
	_ =	strace $0x8000004B  }
0xc1: {  	_ =	swait.ge [sflag:s29], $0x1  }
0xc2: {  	[sflag:s29] =	ssyncadd.s32 $0xFFFFFFFF  }
0xc3: {  	_ =	strace $0x9000004B  }
0xc4: {  	_ =	sfence  }
0xc5: {  	s30 =	sld [smem:$0x0];
	_ =	sdelay $0x2  }
0xc6: {  	s31 =	sshll.u32 s1, $0xD;
	s1 =	sshrl.u32 s1, $0x2  }
0xc7: {  	s4 =	sand.u32 $0x4000, s31;
	s1 =	sadd.s32 s1, s30  }
0xc8: {  	s0 =	sor.u32 s4, s0;
	s1 =	sshll.u32 s1, $0x11  }
0xc9: {  	s0 =	sor.u32 s1, s0  }
0xca: {  	s0 =	sadd.s32 $0x8F2B, s0  }
0xcb: {  	[sflag:s0] =	ssyncadd.remote.s32 $0x1  }
0xcc: {  	_ =	sfence.sel $0xFFFF  }
0xcd: {  	[dreg:$0x0] =	wrdreg $0xFFFFFFFF;
	(pc) =	sbr.abs _section_cstart, $3  }
0xce: {  	[dreg:$0x1] =	wrdreg $0xFFFFFFFF  }
0xcf: {  	_ =	task.clear_ibuf [dreg:s22], $0x2FFFF;
	_ =	strace $0x9FFFFFFF  }
0xd0: {  	(tm) =	ssettm $0x7FFFFFFF  }
0xd1: {  	_ =	shalt  }
tec
execute0_lowered:
.L_overlay_start_1:
0x0: {  	(tag) =	ssettag $0x1  }
0x1: {  	s0 =	rddreg [dreg:$0x0];
	s1 =	srdreg.scid  }
0x2: {  	s3 =	simm.s32 $0x0;
	s2 =	stileid.u32;
	s8 =	simm.s32 $0x80  }
0x3: {  	s10 =	simm.s32 $0xB;
	s11 =	simm.s32 $0xF00;
	s12 =	simm.s32 $0x2F00  }
0x4: {  	s14 =	simm.s32 $0x4F00;
	s15 =	simm.s32 $0x1;
	s16 =	simm.s32 $0x40  }
0x5: {  	s17 =	simm.s32 $0x6F00;
	s18 =	simm.s32 $0x2;
	s19 =	simm.s32 $0x8F00  }
0x6: {  	s20 =	simm.s32 $0x3;
	s21 =	simm.s32 $0x4;
	s22 =	simm.s32 $0x5  }
0x7: {  	s23 =	simm.s32 $0x6;
	s24 =	simm.s32 $0x7;
	s25 =	simm.s32 $0x8  }
0x8: {  	s28 =	simm.s32 $0xA;
	s29 =	simm.s32 $0x0;
	s1 =	sand.u32 $0x1, s1  }
0x9: {  	[smem:$0x7FF] =	sst s3;
	s26 =	sshll.u32 s2, $0x8;
	s4 =	sshll.u32 s1, $0x7  }
.Ltmp0:
0xa: {  	s3 =	sadd.s32 $0x188000, s0;
	s6 =	sor.u32 s4, s26;
	(pc) =	sbr.rel .LBB2_1-.Ltmp0, $4  }
0xb: {  	_ =	strace $0x8000004A;
	s1 =	ssub.s32 $0x2, s1;
	s4 =	sshrl.u32 s6, $0x3  }
0xc: {  	s5 =	sshrl.u32 s1, $0x1;
	s26 =	simm.s32 $0x9;
	s7 =	sadd.s32 s4, s0  }
0xd: {  	s30 =	ssub.s32 s1, s5;
	s6 =	sshll.u32 s6, $0x7;
	s31 =	sadd.s32 $0x3E00, s7  }
0xe: {  	s4 =	sadd.s32 $0x24B600, s0;
	s7 =	smax.u32 s30, $0x1;
	[dreg:$0x2] =	wrdreg s31  }
.LBB2_4:
0xf: {  	_ =	swait.ge [sflag:s23], $0x2000  }
0x10: {  	[sflag:s23] =	ssyncset.done $0x0  }
0x11: {  	[sflag:s23] =	ssyncadd.s32 $0xFFFFE000  }
0x12: {  	_ =	swait.ge [sflag:s24], $0x2000  }
0x13: {  	[sflag:s24] =	ssyncset.done $0x0  }
0x14: {  	[sflag:s24] =	ssyncadd.s32 $0xFFFFE000  }
0x15: {  	_ =	swait.ge [sflag:s25], $0x2000  }
0x16: {  	[sflag:s25] =	ssyncset.done $0x0  }
0x17: {  	s29 =	sadd.s32 $0x1, s29;
	[sflag:s25] =	ssyncadd.s32 $0xFFFFE000  }
0x18: {  	p0 =	sne.s32 s29, s7;
	_ =	swait.ge [sflag:s26], $0x2000  }
.Ltmp1:
0x19: {  	[sflag:s26] =	ssyncset.done $0x0;
	(pc) =	sbr.rel @!p0 .LBB2_5-.Ltmp1, $4  }
0x1a: {  	[sflag:s26] =	ssyncadd.s32 $0xFFFFE000  }
0x1b: {  	_ =	swait.ge [sflag:s28], $0x2000  }
0x1c: {  	[sflag:s28] =	ssyncset.done $0x0  }
0x1d: {  	[sflag:s28] =	ssyncadd.s32 $0xFFFFE000  }
.LBB2_1:
0x1e: {  	s0 =	simm.s32 $0x0;
	s1 =	rddreg [dreg:$0x2];
	s2 =	simm.s32 $0x1000  }
0x1f: {  	[tilespmem:s0], [sflag:$0xB] =	stream.strided.gather [hbm4b:s1+s8], $0xF00, s2, s8, $0x38;
	[tilespmem:$0xAF00] =	vst v63  }
0x20: {  	_ =	swait.ge [sflag:s10], $0xF00  }
0x21: {  	[sflag:s10] =	ssyncset.done $0x0  }
0x22: {  	[sflag:s10] =	ssyncadd.s32 $0xFFFFF100  }
0x23: {  	[tilespmem:s11], [sflag:$0x1] =	stream.indirect.gather [hbm4b:s3+s8], $0x40, s0, s8, $0xb8;
	[tilespmem:$0xAF00] =	vst v63  }
0x24: {  	s13 =	simm.s32 $0x100;
	s30 =	simm.s32 $0x380  }
0x25: {  	[tilespmem:s12], [sflag:$0x2] =	stream.indirect.gather [hbm4b:s3+s8], $0x40, s8, s8, $0xb8;
	[tilespmem:$0xAF00] =	vst v63  }
0x26: {  	s31 =	simm.s32 $0x100000;
	s1 =	simm.s32 $0x0;
	s0 =	simm.s32 $0xC0  }
0x27: {  	[tilespmem:s14], [sflag:$0x3] =	stream.indirect.gather [hbm4b:s3+s8], $0x40, s13, s8, $0xb8;
	[tilespmem:$0xAF00] =	vst v63  }
.LBB2_2:
0x28: {  	s9 =	sadd.s32 $0xFFF00000, s31  }
0x29: {  	s13 =	sand.u32 $0xF80000, s9  }
0x2a: {  	s9 =	sand.u32 $0x40, s1;
	s13 =	sor.u32 s13, s6  }
0x2b: {  	_ =	swait.ge [sflag:s15], $0x2000;
	s13 =	sor.u32 s9, s13  }
0x2c: {  	[sflag:s15] =	ssyncset.done $0x0;
	s13 =	sshrl.u32 s13, $0x3  }
0x2d: {  	p0 =	seq.s32 s31, $0x100000;
	[sflag:s15] =	ssyncadd.s32 $0xFFFFE000;
	s13 =	sadd.s32 s4, s13  }
0x2e: {  	[hbm4b:s13+s16] =	stream.strided.scatter [tilespmem:s11], [sflag:$0x6], $0x2000, s8, s16, $0x38;
	[tilespmem:$0xAF00] =	vst v63  }
0x2f: {  	s13 =	simm.s32 @!p0 $0x9  }
0x30: {  	_ =	swait.ge @!p0 [sflag:s13], $0x2000  }
0x31: {  	[sflag:s13] =	ssyncset.done @!p0 $0x0  }
0x32: {  	s2 =	sadd.s32 $0xFFFFFE00, s30;
	[sflag:s13] =	ssyncadd.s32 @!p0 $0xFFFFE000  }
0x33: {  	[tilespmem:s17], [sflag:$0x4] =	stream.indirect.gather [hbm4b:s3+s8], $0x40, s2, s8, $0xb8;
	[tilespmem:$0xAF00] =	vst v63  }
0x34: {  	s5 =	sadd.s32 $0xFFFFFF80, s0;
	s2 =	sadd.s32 $0xFFF40000, s31  }
0x35: {  	s13 =	sand.u32 $0x40, s5;
	s2 =	sand.u32 $0x1F80000, s2  }
0x36: {  	s2 =	sor.u32 s2, s13  }
0x37: {  	_ =	swait.ge [sflag:s18], $0x2000;
	s2 =	sor.u32 s6, s2  }
0x38: {  	[sflag:s18] =	ssyncset.done $0x0;
	s2 =	sshrl.u32 s2, $0x3  }
0x39: {  	[sflag:s18] =	ssyncadd.s32 $0xFFFFE000;
	s2 =	sadd.s32 s4, s2  }
0x3a: {  	[hbm4b:s2+s16] =	stream.strided.scatter [tilespmem:s12], [sflag:$0x7], $0x2000, s8, s16, $0x38;
	[tilespmem:$0xAF00] =	vst v63  }
0x3b: {  	s2 =	simm.s32 @!p0 $0xA  }
0x3c: {  	_ =	swait.ge @!p0 [sflag:s2], $0x2000  }
0x3d: {  	s5 =	sadd.s32 $0xFFF80000, s31;
	[sflag:s2] =	ssyncset.done @!p0 $0x0  }
0x3e: {  	s13 =	sadd.s32 $0xFFFFFE80, s30;
	[sflag:s2] =	ssyncadd.s32 @!p0 $0xFFFFE000;
	s2 =	sand.u32 $0x1F80000, s5  }
0x3f: {  	[tilespmem:s19], [sflag:$0x5] =	stream.indirect.gather [hbm4b:s3+s8], $0x40, s13, s8, $0xb8;
	[tilespmem:$0xAF00] =	vst v63  }
0x40: {  	s2 =	sor.u32 s2, s6  }
0x41: {  	_ =	swait.ge [sflag:s20], $0x2000;
	s2 =	sor.u32 s9, s2  }
0x42: {  	[sflag:s20] =	ssyncset.done $0x0;
	s2 =	sshrl.u32 s2, $0x3  }
0x43: {  	p0 =	seq.s32 s31, $0x740000;
	[sflag:s20] =	ssyncadd.s32 $0xFFFFE000;
	s2 =	sadd.s32 s4, s2  }
0x44: {  	[hbm4b:s2+s16] =	stream.strided.scatter [tilespmem:s14], [sflag:$0x8], $0x2000, s8, s16, $0x38;
	[tilespmem:$0xAF00] =	vst v63  }
0x45: {  	s2 =	simm.s32 @!p0 $0x6  }
0x46: {  	_ =	swait.ge @!p0 [sflag:s2], $0x2000  }
0x47: {  	s13 =	simm.s32 @!p0 $0x80;
	[sflag:s2] =	ssyncset.done @!p0 $0x0  }
0x48: {  	s5 =	simm.s32 @!p0 $0xF00;
	[sflag:s2] =	ssyncadd.s32 @!p0 $0xFFFFE000;
	s2 =	sadd.s32 @!p0 $0xFFFFFF00, s30  }
0x49: {  	[tilespmem:s5], [sflag:$0x1] =	stream.indirect.gather @!p0 [hbm4b:s3+s13], $0x40, s2, s13, $0xb8;
	[tilespmem:$0xAF00] =	vst v63  }
0x4a: {  	s2 =	sadd.s32 $0xFFFC0000, s31  }
0x4b: {  	s5 =	sand.u32 $0x40, s0;
	s2 =	sand.u32 $0x1F80000, s2  }
0x4c: {  	s2 =	sor.u32 s2, s5  }
0x4d: {  	_ =	swait.ge [sflag:s21], $0x2000;
	s2 =	sor.u32 s6, s2  }
0x4e: {  	[sflag:s21] =	ssyncset.done $0x0;
	s2 =	sshrl.u32 s2, $0x3  }
0x4f: {  	[sflag:s21] =	ssyncadd.s32 $0xFFFFE000;
	s2 =	sadd.s32 s4, s2  }
0x50: {  	[hbm4b:s2+s16] =	stream.strided.scatter [tilespmem:s17], [sflag:$0x9], $0x2000, s8, s16, $0x38;
	[tilespmem:$0xAF00] =	vst v63  }
0x51: {  	s2 =	simm.s32 @!p0 $0x7  }
0x52: {  	_ =	swait.ge @!p0 [sflag:s2], $0x2000  }
0x53: {  	[sflag:s2] =	ssyncset.done @!p0 $0x0  }
0x54: {  	s5 =	simm.s32 @!p0 $0x2F00;
	[sflag:s2] =	ssyncadd.s32 @!p0 $0xFFFFE000;
	s2 =	sadd.s32 @!p0 $0xFFFFFF80, s30  }
0x55: {  	[tilespmem:s5], [sflag:$0x2] =	stream.indirect.gather @!p0 [hbm4b:s3+s13], $0x40, s2, s13, $0xb8;
	[tilespmem:$0xAF00] =	vst v63  }
0x56: {  	s13 =	sand.u32 $0x1F80000, s31  }
.Ltmp2:
0x57: {  	s2 =	sor.u32 s13, s6;
	(pc) =	sbr.rel @p0 .LBB2_4-.Ltmp2, $4  }
0x58: {  	_ =	swait.ge [sflag:s22], $0x2000;
	s2 =	sor.u32 s9, s2  }
0x59: {  	[sflag:s22] =	ssyncset.done $0x0;
	s2 =	sshrl.u32 s2, $0x3  }
0x5a: {  	[sflag:s22] =	ssyncadd.s32 $0xFFFFE000;
	s2 =	sadd.s32 s4, s2  }
0x5b: {  	[hbm4b:s2+s16] =	stream.strided.scatter [tilespmem:s19], [sflag:$0xA], $0x2000, s8, s16, $0x38;
	[tilespmem:$0xAF00] =	vst v63  }
.Ltmp3:
0x5c: {  	_ =	swait.ge [sflag:s25], $0x2000;
	(pc) =	sbr.rel .LBB2_2-.Ltmp3, $4  }
0x5d: {  	[sflag:s25] =	ssyncset.done $0x0  }
0x5e: {  	s31 =	sadd.s32 $0x140000, s31;
	[sflag:s25] =	ssyncadd.s32 $0xFFFFE000  }
0x5f: {  	[tilespmem:s14], [sflag:$0x3] =	stream.indirect.gather [hbm4b:s3+s8], $0x40, s30, s8, $0xb8;
	[tilespmem:$0xAF00] =	vst v63  }
0x60: {  	s0 =	sadd.s32 $0x140, s0;
	s1 =	sadd.s32 $0x40, s1;
	s30 =	sadd.s32 $0x280, s30  }
.LBB2_5:
0x61: {  	_ =	sfence.sel $0x180000  }
0x62: {  	[bflag:$0x0] =	sbarrier.arrive $0xFFFF  }
0x63: {  	_ =	strace $0x9000004A  }
0x64: {  	s0 =	stileid.u32;
	[bflag:$0x2] =	sbarrier.arrive $0xFFFF  }
0x65: {  	p0 =	sne.s32 s0, $0x0;
	s0 =	rddreg [dreg:$0x1]  }
0x66: {  	s0 =	sadd.s32 @!p0 $0x100000, s0  }
0x67: {  	[sflag:s0] =	ssyncadd.tile.s32 @!p0 $0x1;
	_ =	shalt  }
.Lfunc_end2:
_tile_overlayer_lowered:
.L_overlay_start_2:
0x68: {  	(tag) =	ssettag $0x2  }
0x69: {  	s0 =	rddreg [dreg:$0x0];
	s2 =	stileid.u32  }
0x6a: {  	s1 =	rddreg [dreg:$0x1];
	p0 =	sne.s32 s2, $0x0  }
0x6b: {  	s3 =	rddreg [dreg:$0x2];
	[bflag:$0x3] =	sbarrier.arrive $0xFFFF;
	s2 =	simm.s32 @!p0 $0x1C0B  }
0x6c: {  	[timem:s3], [sflag:s2] =	dma.local @!p0 [hbm:s0], s1  }
0x6d: {  	s0 =	simm.s32 @!p0 $0xB  }
0x6e: {  	_ =	swait.ge @!p0 [sflag:s0], s1  }
0x6f: {  	s1 =	ssub.s32 @!p0 $0x0, s1;
	[sflag:s0] =	ssyncset.done @!p0 $0x0  }
0x70: {  	[sflag:s0] =	ssyncadd.s32 @!p0 s1  }
0x71: {  	[bflag:$0x3] =	sbarrier.arrive $0xFFFF  }
0x72: {  	_ =	shalt  }

// kernel: kernel.7.cloned.1.call-start
scs
__scs_entry_jumppad:
0x0: {  	(pc) =	sbr.rel $0x88, $3  }
0x1: {  	(tag) =	ssettag $0x0;
	lr =	simm.s32 $0x1  }
0x2: {  	[smem:$0x3F99] =	sst lr;
	_ =	strace $0xD0000000  }
0x3: {  	_ = 	snop  }
0x4: {  	_ = 	snop  }
0x5: {  	_ = 	snop  }
0x6: {  	_ = 	snop  }
0x7: {  	_ = 	snop  }
__scs_overlays_trampoline_lowered:
0x8: {  	[smem:$0x3FA8] =	sst s0  }
0x9: {  	[smem:$0x3FA9] =	sst s1  }
0xa: {  	[smem:$0x3FAA] =	sst s2  }
0xb: {  	[smem:$0x3FAB] =	sst s3  }
0xc: {  	[smem:$0x3FAC] =	sst s4  }
0xd: {  	[smem:$0x3FAD] =	sst s5  }
0xe: {  	[smem:$0x3FAE] =	sst s6  }
0xf: {  	[smem:$0x3FAF] =	sst s7  }
0x10: {  	[smem:$0x3FB0] =	sst s8  }
0x11: {  	[smem:$0x3FB1] =	sst s9;
	s0 =	simm.s32 @!p0 $0x0  }
0x12: {  	s1 =	sld [smem:$0x3F97];
	s0 =	simm.s32 @p0 $0x1  }
0x13: {  	[smem:$0x3FB2] =	sst s0;
	s0 =	simm.s32 @!p1 $0x0  }
0x14: {  	s2 =	sld [smem:$0x3F96];
	s0 =	simm.s32 @p1 $0x1  }
0x15: {  	[smem:$0x3FB3] =	sst s0;
	s0 =	simm.s32 @!p2 $0x0  }
0x16: {  	s3 =	sld [smem:$0x3FDB];
	s0 =	simm.s32 @p2 $0x1  }
0x17: {  	s4 =	simm.s32 $0x1BF5;
	[smem:$0x3FB5] =	sst s0  }
0x18: {  	s0 =	sld [smem:$0x3F98];
	_ =	swait.ge [sflag:s4], $0x0  }
0x19: {  	s7 =	sld [smem:$0x3F99]  }
0x1a: {  	s8 =	sadd.s32 $0xFFFFE003, lr  }
0x1b: {  	s9 =	sadd.s32 $0xFFFFFEF7, lr;
	s5 =	simm.s32 $0xFFFFFFFF;
	p2 =	slt.u32 s8, $0xFFFFF086  }
0x1c: {  	p1 =	slt.u32 s9, $0xF7A;
	s5 =	simm.s32 @!p2 $0x0  }
0x1d: {  	s5 =	simm.s32 @p1 $0x1;
	p0 =	seq.s32 s7, s2  }
0x1e: {  	s7 =	smul.u32 @!p0 $0xF7A, s2;
	p2 =	seq.s32 @!p0 s5, $0x0  }
0x1f: {  	s9 =	smul.u32 $0xF7A, s1;
	s8 =	simm.s32 @!p0 $0x1BF5;
	p2 =	por !p2, p0  }
0x20: {  	[sflag:s8] =	ssyncset.s32 @!p0 $0xFFFFF086;
	s6 =	sadd.s32 @!p0 s3, s7;
	s7 =	simm.s32 @!p0 $0x108  }
0x21: {  	s3 =	sadd.s32 s3, s9;
	s6 =	sadd.s32 @!p0 $0x88, s6;
	s7 =	simm.s32 @p2 $0x1082  }
0x22: {  	[simem:s7], [sflag:s8] =	dma.local @!p0 [hbm:s6], $0xF7A  }
0x23: {  	s9 =	sor.u32 $0xD0000000, s2;
	s6 =	simm.s32 $0x108;
	_ =	swait.ge @!p0 [sflag:s8], $0x0  }
0x24: {  	s3 =	sadd.s32 $0x88, s3;
	s6 =	simm.s32 @!p1 $0x1082;
	[sflag:s4] =	ssyncset.s32 $0xFFFFF086  }
0x25: {  	[simem:s6], [sflag:s4] =	dma.local [hbm:s3], $0xF7A  }
0x26: {  	[smem:$0x3F99] =	sst s1;
	(tag) =	ssettag s2;
	_ =	strace s9  }
0x27: {  	s1 =	sld [smem:$0x3FA9]  }
0x28: {  	s2 =	sld [smem:$0x3FAA]  }
0x29: {  	s4 =	sld [smem:$0x3FAC]  }
0x2a: {  	p0 =	seq.s32 s5, $0x0;
	s5 =	sld [smem:$0x3FAD]  }
0x2b: {  	s6 =	sld [smem:$0x3FAE]  }
0x2c: {  	s7 =	sld [smem:$0x3FAF]  }
0x2d: {  	s3 =	simm.s32 $0x108;
	s8 =	sld [smem:$0x3FB0]  }
0x2e: {  	s3 =	simm.s32 @!p0 $0x1082;
	s9 =	sld [smem:$0x3FB1]  }
0x2f: {  	lr =	sadd.s32 s0, s3;
	s0 =	sld [smem:$0x3FA8]  }
0x30: {  	s3 =	sld [smem:$0x3FAB]  }
0x31: {  	[smem:$0x3FB4] =	sst s10  }
0x32: {  	s10 =	sld [smem:$0x3FB2];
	_ =	sdelay $0x3  }
0x33: {  	p0 =	seq.s32 s10, $0x1;
	s10 =	sld [smem:$0x3FB4];
	_ =	sdelay $0x3  }
0x34: {  	[smem:$0x3FB4] =	sst s10  }
0x35: {  	s10 =	sld [smem:$0x3FB3];
	_ =	sdelay $0x3  }
0x36: {  	p1 =	seq.s32 s10, $0x1;
	s10 =	sld [smem:$0x3FB4];
	_ =	sdelay $0x3  }
0x37: {  	[smem:$0x3FB4] =	sst s10  }
0x38: {  	s10 =	sld [smem:$0x3FB5]  }
0x39: {  	_ = 	snop;
	(pc) =	sbr.ind lr, $3  }
0x3a: {  	_ = 	snop  }
0x3b: {  	_ = 	snop  }
0x3c: {  	p2 =	seq.s32 s10, $0x1;
	s10 =	sld [smem:$0x3FB4]  }
0x3d: {  	_ =	shalt  }
0x3e: {  	_ =	shalt  }
0x3f: {  	_ =	shalt  }
0x40: {  	_ =	shalt  }
0x41: {  	_ =	shalt  }
0x42: {  	_ =	shalt  }
0x43: {  	_ =	shalt  }
0x44: {  	_ =	shalt  }
0x45: {  	_ =	shalt  }
0x46: {  	_ =	shalt  }
0x47: {  	_ =	shalt  }
0x48: {  	_ =	shalt  }
0x49: {  	_ =	shalt  }
0x4a: {  	_ =	shalt  }
0x4b: {  	_ =	shalt  }
0x4c: {  	_ =	shalt  }
0x4d: {  	_ =	shalt  }
0x4e: {  	_ =	shalt  }
0x4f: {  	_ =	shalt  }
0x50: {  	_ =	shalt  }
0x51: {  	_ =	shalt  }
0x52: {  	_ =	shalt  }
0x53: {  	_ =	shalt  }
0x54: {  	_ =	shalt  }
0x55: {  	_ =	shalt  }
0x56: {  	_ =	shalt  }
0x57: {  	_ =	shalt  }
0x58: {  	_ =	shalt  }
0x59: {  	_ =	shalt  }
0x5a: {  	_ =	shalt  }
0x5b: {  	_ =	shalt  }
0x5c: {  	_ =	shalt  }
0x5d: {  	_ =	shalt  }
0x5e: {  	_ =	shalt  }
0x5f: {  	_ =	shalt  }
0x60: {  	_ =	shalt  }
0x61: {  	_ =	shalt  }
0x62: {  	_ =	shalt  }
0x63: {  	_ =	shalt  }
0x64: {  	_ =	shalt  }
0x65: {  	_ =	shalt  }
0x66: {  	_ =	shalt  }
0x67: {  	_ =	shalt  }
0x68: {  	_ =	shalt  }
0x69: {  	_ =	shalt  }
0x6a: {  	_ =	shalt  }
0x6b: {  	_ =	shalt  }
0x6c: {  	_ =	shalt  }
0x6d: {  	_ =	shalt  }
0x6e: {  	_ =	shalt  }
0x6f: {  	_ =	shalt  }
0x70: {  	_ =	shalt  }
0x71: {  	_ =	shalt  }
0x72: {  	_ =	shalt  }
0x73: {  	_ =	shalt  }
0x74: {  	_ =	shalt  }
0x75: {  	_ =	shalt  }
0x76: {  	_ =	shalt  }
0x77: {  	_ =	shalt  }
0x78: {  	_ =	shalt  }
0x79: {  	_ =	shalt  }
0x7a: {  	_ =	shalt  }
0x7b: {  	_ =	shalt  }
0x7c: {  	_ =	shalt  }
0x7d: {  	_ =	shalt  }
0x7e: {  	_ =	shalt  }
0x7f: {  	_ =	shalt  }
0x80: {  	_ =	shalt  }
0x81: {  	_ =	shalt  }
0x82: {  	_ =	shalt  }
0x83: {  	_ =	shalt  }
0x84: {  	_ =	shalt  }
0x85: {  	_ =	shalt  }
0x86: {  	_ =	shalt  }
0x87: {  	_ =	shalt  }
.Lfunc_end0:
.L_simem_size_0:
called_computation_lowered:
.L_overlay_start_0:
0x88: {  	s2 =	sld [smem:$0x3FD9]  }
0x89: {  	s3 =	sld [smem:$0x3FFE];
	_ =	sdelay $0x1  }
0x8a: {  	s1 =	srdreg.scid  }
0x8b: {  	s0 =	sand.u32 $0x1, s1  }
0x8c: {  	s16 =	sshll.u32 s0, $0xA;
	s2 =	sadd.s32 s3, s2  }
0x8d: {  	s2 =	sadd.s32 s2, s16  }
0x8e: {  	[smem:$0x3FC0] =	sst s2  }
0x8f: {  	_ = 	snop  }
0x90: {  	(tm) =	ssettm $0x1  }
0x91: {  	s17 =	sld [smem:$0x3FFB];
	_ =	sdelay $0x3  }
0x92: {  	_ =	strace s17  }
0x93: {  	s2 =	sld [smem:$0x3FFC];
	_ =	sdelay $0x3  }
0x94: {  	_ =	strace s2  }
0x95: {  	s2 =	sld [smem:$0x3FFD];
	_ =	sdelay $0x3  }
0x96: {  	_ =	strace s2  }
0x97: {  	_ =	strace $0x8FFFFFFF  }
0x98: {  	s18 =	sld [smem:$0x3FDB];
	_ =	sdelay $0x1  }
0x99: {  	s19 =	simm.s32 $_scs_section_size  }
0x9a: {  	s4 =	simm.s32 $_size__tile_overlayer_lowered;
	s5 =	simm.s32 $_tile_overlayer_lowered  }
0x9b: {  	s22 =	simm.s32 $0x1BFF;
	s21 =	sshll.u32 s5, $0x1;
	s2 =	sadd.s32 s19, s18  }
0x9c: {  	s6 =	simm.s32 $0x0;
	s20 =	sshll.u32 s4, $0x1;
	s4 =	sadd.s32 s21, s2  }
0x9d: {  	[timem:s6], [sflag:s22] =	dma.local [hbm:s4], s20  }
0x9e: {  	_ =	swait.ge [sflag:s22], s20  }
0x9f: {  	s3 =	ssub.s32 $0x0, s20;
	[sflag:s22] =	ssyncset.done $0x0  }
0xa0: {  	[sflag:s22] =	ssyncadd.s32 s3;
	_ =	sdelay $0x1  }
0xa1: {  	s23 =	simm.s32 $0x1B8B  }
0xa2: {  	_ =	swait.ge [sflag:s23], $0x1  }
0xa3: {  	[sflag:s23] =	ssyncset.done $0x0  }
0xa4: {  	s25 =	simm.s32 $0x1B8E;
	s24 =	sld [smem:$0x3FFE];
	[sflag:s23] =	ssyncadd.s32 $0xFFFFFFFF  }
0xa5: {  	s26 =	simm.s32 $execute0_lowered;
	[smem:$0x3FD2] =	sst s25  }
0xa6: {  	s4 =	sshll.u32 s26, $0x1;
	_ =	strace $0x80000046;
	[dreg:$0x1] =	wrdreg $0xFFFFFFFF  }
0xa7: {  	s28 =	simm.s32 $_size_execute0_lowered;
	s2 =	sadd.s32 s2, s4;
	[dreg:$0x0] =	wrdreg $0x0  }
0xa8: {  	s4 =	sshll.u32 s28, $0x1;
	[dreg:$0x2] =	wrdreg s2  }
0xa9: {  	[dreg:$0x3] =	wrdreg s4  }
0xaa: {  	[dreg:$0x4] =	wrdreg $0xC0  }
0xab: {  	_ =	task [dreg:s6], $0x5FFFF  }
0xac: {  	[dreg:$0x1] =	wrdreg $0xFFFFFFFF  }
0xad: {  	[dreg:$0x0] =	wrdreg $0x60  }
0xae: {  	[dreg:$0x2] =	wrdreg s24  }
0xaf: {  	[dreg:$0x3] =	wrdreg $0x9  }
0xb0: {  	_ =	task.clear_ibuf [dreg:s6], $0x4FFFF;
	_ =	strace $0x90000046  }
0xb1: {  	s29 =	simm.s32 $0x9;
	_ =	strace $0x80000048  }
0xb2: {  	_ =	swait.ge [sflag:s29], $0x1  }
0xb3: {  	[sflag:s29] =	ssyncadd.s32 $0xFFFFFFFF  }
0xb4: {  	_ =	strace $0x90000048  }
0xb5: {  	_ =	sfence  }
0xb6: {  	s30 =	sld [smem:$0x0];
	_ =	sdelay $0x2  }
0xb7: {  	s31 =	sshll.u32 s1, $0xD;
	s1 =	sshrl.u32 s1, $0x2  }
0xb8: {  	s3 =	sand.u32 $0x4000, s31;
	s1 =	sadd.s32 s1, s30  }
0xb9: {  	s0 =	sor.u32 s3, s0;
	s1 =	sshll.u32 s1, $0x11  }
0xba: {  	s0 =	sor.u32 s1, s0  }
0xbb: {  	s0 =	sadd.s32 $0x8F2B, s0  }
0xbc: {  	[sflag:s0] =	ssyncadd.remote.s32 $0x1  }
0xbd: {  	_ =	sfence.sel $0xFFFF  }
0xbe: {  	[dreg:$0x0] =	wrdreg $0xFFFFFFFF;
	(pc) =	sbr.abs _section_cstart, $3  }
0xbf: {  	[dreg:$0x1] =	wrdreg $0xFFFFFFFF  }
0xc0: {  	_ =	task.clear_ibuf [dreg:s6], $0x2FFFF;
	_ =	strace $0x9FFFFFFF  }
0xc1: {  	(tm) =	ssettm $0x7FFFFFFF  }
tec
execute0_lowered:
.L_overlay_start_1:
0x0: {  	(tag) =	ssettag $0x1  }
0x1: {  	s0 =	rddreg [dreg:$0x0];
	s1 =	srdreg.scid  }
0x2: {  	s3 =	simm.s32 $0x0;
	s2 =	stileid.u32;
	s8 =	simm.s32 $0x80  }
0x3: {  	s10 =	simm.s32 $0xB;
	s11 =	simm.s32 $0xA00;
	s12 =	simm.s32 $0x2A00  }
0x4: {  	s14 =	simm.s32 $0x4A00;
	s15 =	simm.s32 $0x1;
	s16 =	simm.s32 $0x40  }
0x5: {  	s17 =	simm.s32 $0x6A00;
	s18 =	simm.s32 $0x2;
	s19 =	simm.s32 $0x8A00  }
0x6: {  	s20 =	simm.s32 $0x3;
	s21 =	simm.s32 $0x4;
	s22 =	simm.s32 $0x5  }
0x7: {  	s23 =	simm.s32 $0x6;
	s24 =	simm.s32 $0x7;
	s25 =	simm.s32 $0x8  }
0x8: {  	s28 =	simm.s32 $0xA;
	s29 =	simm.s32 $0x0;
	s1 =	sand.u32 $0x1, s1  }
0x9: {  	[smem:$0x7FF] =	sst s3;
	s26 =	sshll.u32 s2, $0x8;
	s4 =	sshll.u32 s1, $0x7  }
.Ltmp0:
0xa: {  	s3 =	sadd.s32 $0x188000, s0;
	s6 =	sor.u32 s4, s26;
	(pc) =	sbr.rel .LBB2_1-.Ltmp0, $4  }
0xb: {  	_ =	strace $0x80000047;
	s1 =	ssub.s32 $0x2, s1;
	s4 =	sshrl.u32 s6, $0x3  }
0xc: {  	s5 =	sshrl.u32 s1, $0x1;
	s26 =	simm.s32 $0x9;
	s7 =	sadd.s32 s4, s0  }
0xd: {  	s30 =	ssub.s32 s1, s5;
	s6 =	sshll.u32 s6, $0x7;
	s31 =	sadd.s32 $0x1600, s7  }
0xe: {  	s4 =	sadd.s32 $0x8600, s0;
	s7 =	smax.u32 s30, $0x1;
	[dreg:$0x2] =	wrdreg s31  }
.LBB2_4:
0xf: {  	_ =	swait.ge [sflag:s23], $0x2000  }
0x10: {  	[sflag:s23] =	ssyncset.done $0x0  }
0x11: {  	[sflag:s23] =	ssyncadd.s32 $0xFFFFE000  }
0x12: {  	_ =	swait.ge [sflag:s24], $0x2000  }
0x13: {  	[sflag:s24] =	ssyncset.done $0x0  }
0x14: {  	[sflag:s24] =	ssyncadd.s32 $0xFFFFE000  }
0x15: {  	_ =	swait.ge [sflag:s25], $0x2000  }
0x16: {  	[sflag:s25] =	ssyncset.done $0x0  }
0x17: {  	s29 =	sadd.s32 $0x1, s29;
	[sflag:s25] =	ssyncadd.s32 $0xFFFFE000  }
0x18: {  	p0 =	sne.s32 s29, s7;
	_ =	swait.ge [sflag:s26], $0x2000  }
.Ltmp1:
0x19: {  	[sflag:s26] =	ssyncset.done $0x0;
	(pc) =	sbr.rel @!p0 .LBB2_5-.Ltmp1, $4  }
0x1a: {  	[sflag:s26] =	ssyncadd.s32 $0xFFFFE000  }
0x1b: {  	_ =	swait.ge [sflag:s28], $0x2000  }
0x1c: {  	[sflag:s28] =	ssyncset.done $0x0  }
0x1d: {  	[sflag:s28] =	ssyncadd.s32 $0xFFFFE000  }
.LBB2_1:
0x1e: {  	s0 =	simm.s32 $0x0;
	s1 =	rddreg [dreg:$0x2];
	s2 =	simm.s32 $0x1000  }
0x1f: {  	[tilespmem:s0], [sflag:$0xB] =	stream.strided.gather [hbm4b:s1+s8], $0xA00, s2, s8, $0x38;
	[tilespmem:$0xAA00] =	vst v63  }
0x20: {  	_ =	swait.ge [sflag:s10], $0xA00  }
0x21: {  	[sflag:s10] =	ssyncset.done $0x0  }
0x22: {  	[sflag:s10] =	ssyncadd.s32 $0xFFFFF600  }
0x23: {  	[tilespmem:s11], [sflag:$0x1] =	stream.indirect.gather [hbm4b:s3+s8], $0x40, s0, s8, $0xb8;
	[tilespmem:$0xAA00] =	vst v63  }
0x24: {  	s13 =	simm.s32 $0x100;
	s30 =	simm.s32 $0x380  }
0x25: {  	[tilespmem:s12], [sflag:$0x2] =	stream.indirect.gather [hbm4b:s3+s8], $0x40, s8, s8, $0xb8;
	[tilespmem:$0xAA00] =	vst v63  }
0x26: {  	s31 =	simm.s32 $0x100000;
	s1 =	simm.s32 $0x0;
	s0 =	simm.s32 $0xC0  }
0x27: {  	[tilespmem:s14], [sflag:$0x3] =	stream.indirect.gather [hbm4b:s3+s8], $0x40, s13, s8, $0xb8;
	[tilespmem:$0xAA00] =	vst v63  }
.LBB2_2:
0x28: {  	s9 =	sadd.s32 $0xFFF00000, s31  }
0x29: {  	s13 =	sand.u32 $0x380000, s9  }
0x2a: {  	s9 =	sand.u32 $0x40, s1;
	s13 =	sor.u32 s13, s6  }
0x2b: {  	_ =	swait.ge [sflag:s15], $0x2000;
	s13 =	sor.u32 s9, s13  }
0x2c: {  	[sflag:s15] =	ssyncset.done $0x0;
	s13 =	sshrl.u32 s13, $0x3  }
0x2d: {  	p0 =	seq.s32 s31, $0x100000;
	[sflag:s15] =	ssyncadd.s32 $0xFFFFE000;
	s13 =	sadd.s32 s4, s13  }
0x2e: {  	[hbm4b:s13+s16] =	stream.strided.scatter [tilespmem:s11], [sflag:$0x6], $0x2000, s8, s16, $0x38;
	[tilespmem:$0xAA00] =	vst v63  }
0x2f: {  	s13 =	simm.s32 @!p0 $0x9  }
0x30: {  	_ =	swait.ge @!p0 [sflag:s13], $0x2000  }
0x31: {  	[sflag:s13] =	ssyncset.done @!p0 $0x0  }
0x32: {  	s2 =	sadd.s32 $0xFFFFFE00, s30;
	[sflag:s13] =	ssyncadd.s32 @!p0 $0xFFFFE000  }
0x33: {  	[tilespmem:s17], [sflag:$0x4] =	stream.indirect.gather [hbm4b:s3+s8], $0x40, s2, s8, $0xb8;
	[tilespmem:$0xAA00] =	vst v63  }
0x34: {  	s5 =	sadd.s32 $0xFFFFFF80, s0;
	s2 =	sadd.s32 $0xFFF40000, s31  }
0x35: {  	s13 =	sand.u32 $0x40, s5;
	s2 =	sand.u32 $0x780000, s2  }
0x36: {  	s2 =	sor.u32 s2, s13  }
0x37: {  	_ =	swait.ge [sflag:s18], $0x2000;
	s2 =	sor.u32 s6, s2  }
0x38: {  	[sflag:s18] =	ssyncset.done $0x0;
	s2 =	sshrl.u32 s2, $0x3  }
0x39: {  	[sflag:s18] =	ssyncadd.s32 $0xFFFFE000;
	s2 =	sadd.s32 s4, s2  }
0x3a: {  	[hbm4b:s2+s16] =	stream.strided.scatter [tilespmem:s12], [sflag:$0x7], $0x2000, s8, s16, $0x38;
	[tilespmem:$0xAA00] =	vst v63  }
0x3b: {  	s2 =	simm.s32 @!p0 $0xA  }
0x3c: {  	_ =	swait.ge @!p0 [sflag:s2], $0x2000  }
0x3d: {  	s5 =	sadd.s32 $0xFFF80000, s31;
	[sflag:s2] =	ssyncset.done @!p0 $0x0  }
0x3e: {  	s13 =	sadd.s32 $0xFFFFFE80, s30;
	[sflag:s2] =	ssyncadd.s32 @!p0 $0xFFFFE000;
	s2 =	sand.u32 $0x780000, s5  }
0x3f: {  	[tilespmem:s19], [sflag:$0x5] =	stream.indirect.gather [hbm4b:s3+s8], $0x40, s13, s8, $0xb8;
	[tilespmem:$0xAA00] =	vst v63  }
0x40: {  	s2 =	sor.u32 s2, s6  }
0x41: {  	_ =	swait.ge [sflag:s20], $0x2000;
	s2 =	sor.u32 s9, s2  }
0x42: {  	[sflag:s20] =	ssyncset.done $0x0;
	s2 =	sshrl.u32 s2, $0x3  }
0x43: {  	p0 =	seq.s32 s31, $0x4C0000;
	[sflag:s20] =	ssyncadd.s32 $0xFFFFE000;
	s2 =	sadd.s32 s4, s2  }
0x44: {  	[hbm4b:s2+s16] =	stream.strided.scatter [tilespmem:s14], [sflag:$0x8], $0x2000, s8, s16, $0x38;
	[tilespmem:$0xAA00] =	vst v63  }
0x45: {  	s2 =	simm.s32 @!p0 $0x6  }
0x46: {  	_ =	swait.ge @!p0 [sflag:s2], $0x2000  }
0x47: {  	s13 =	simm.s32 @!p0 $0x80;
	[sflag:s2] =	ssyncset.done @!p0 $0x0  }
0x48: {  	s5 =	simm.s32 @!p0 $0xA00;
	[sflag:s2] =	ssyncadd.s32 @!p0 $0xFFFFE000;
	s2 =	sadd.s32 @!p0 $0xFFFFFF00, s30  }
0x49: {  	[tilespmem:s5], [sflag:$0x1] =	stream.indirect.gather @!p0 [hbm4b:s3+s13], $0x40, s2, s13, $0xb8;
	[tilespmem:$0xAA00] =	vst v63  }
0x4a: {  	s2 =	sadd.s32 $0xFFFC0000, s31  }
0x4b: {  	s5 =	sand.u32 $0x40, s0;
	s2 =	sand.u32 $0x780000, s2  }
0x4c: {  	s2 =	sor.u32 s2, s5  }
0x4d: {  	_ =	swait.ge [sflag:s21], $0x2000;
	s2 =	sor.u32 s6, s2  }
0x4e: {  	[sflag:s21] =	ssyncset.done $0x0;
	s2 =	sshrl.u32 s2, $0x3  }
0x4f: {  	[sflag:s21] =	ssyncadd.s32 $0xFFFFE000;
	s2 =	sadd.s32 s4, s2  }
0x50: {  	[hbm4b:s2+s16] =	stream.strided.scatter [tilespmem:s17], [sflag:$0x9], $0x2000, s8, s16, $0x38;
	[tilespmem:$0xAA00] =	vst v63  }
0x51: {  	s2 =	simm.s32 @!p0 $0x7  }
0x52: {  	_ =	swait.ge @!p0 [sflag:s2], $0x2000  }
0x53: {  	[sflag:s2] =	ssyncset.done @!p0 $0x0  }
0x54: {  	s5 =	simm.s32 @!p0 $0x2A00;
	[sflag:s2] =	ssyncadd.s32 @!p0 $0xFFFFE000;
	s2 =	sadd.s32 @!p0 $0xFFFFFF80, s30  }
0x55: {  	[tilespmem:s5], [sflag:$0x2] =	stream.indirect.gather @!p0 [hbm4b:s3+s13], $0x40, s2, s13, $0xb8;
	[tilespmem:$0xAA00] =	vst v63  }
0x56: {  	s13 =	sand.u32 $0x780000, s31  }
.Ltmp2:
0x57: {  	s2 =	sor.u32 s13, s6;
	(pc) =	sbr.rel @p0 .LBB2_4-.Ltmp2, $4  }
0x58: {  	_ =	swait.ge [sflag:s22], $0x2000;
	s2 =	sor.u32 s9, s2  }
0x59: {  	[sflag:s22] =	ssyncset.done $0x0;
	s2 =	sshrl.u32 s2, $0x3  }
0x5a: {  	[sflag:s22] =	ssyncadd.s32 $0xFFFFE000;
	s2 =	sadd.s32 s4, s2  }
0x5b: {  	[hbm4b:s2+s16] =	stream.strided.scatter [tilespmem:s19], [sflag:$0xA], $0x2000, s8, s16, $0x38;
	[tilespmem:$0xAA00] =	vst v63  }
.Ltmp3:
0x5c: {  	_ =	swait.ge [sflag:s25], $0x2000;
	(pc) =	sbr.rel .LBB2_2-.Ltmp3, $4  }
0x5d: {  	[sflag:s25] =	ssyncset.done $0x0  }
0x5e: {  	s31 =	sadd.s32 $0x140000, s31;
	[sflag:s25] =	ssyncadd.s32 $0xFFFFE000  }
0x5f: {  	[tilespmem:s14], [sflag:$0x3] =	stream.indirect.gather [hbm4b:s3+s8], $0x40, s30, s8, $0xb8;
	[tilespmem:$0xAA00] =	vst v63  }
0x60: {  	s0 =	sadd.s32 $0x140, s0;
	s1 =	sadd.s32 $0x40, s1;
	s30 =	sadd.s32 $0x280, s30  }
.LBB2_5:
0x61: {  	_ =	sfence.sel $0x180000  }
0x62: {  	[bflag:$0x0] =	sbarrier.arrive $0xFFFF  }
0x63: {  	_ =	strace $0x90000047  }
0x64: {  	s0 =	stileid.u32;
	[bflag:$0x2] =	sbarrier.arrive $0xFFFF  }
0x65: {  	p0 =	sne.s32 s0, $0x0;
	s0 =	rddreg [dreg:$0x1]  }
0x66: {  	s0 =	sadd.s32 @!p0 $0x100000, s0  }
0x67: {  	[sflag:s0] =	ssyncadd.tile.s32 @!p0 $0x1;
	_ =	shalt  }
.Lfunc_end2:
_tile_overlayer_lowered:
.L_overlay_start_2:
0x68: {  	(tag) =	ssettag $0x2  }
0x69: {  	s0 =	rddreg [dreg:$0x0];
	s2 =	stileid.u32  }
0x6a: {  	s1 =	rddreg [dreg:$0x1];
	p0 =	sne.s32 s2, $0x0  }
0x6b: {  	s3 =	rddreg [dreg:$0x2];
	[bflag:$0x3] =	sbarrier.arrive $0xFFFF;
	s2 =	simm.s32 @!p0 $0x1C0B  }
0x6c: {  	[timem:s3], [sflag:s2] =	dma.local @!p0 [hbm:s0], s1  }
0x6d: {  	s0 =	simm.s32 @!p0 $0xB  }
0x6e: {  	_ =	swait.ge @!p0 [sflag:s0], s1  }
0x6f: {  	s1 =	ssub.s32 @!p0 $0x0, s1;
	[sflag:s0] =	ssyncset.done @!p0 $0x0  }
0x70: {  	[sflag:s0] =	ssyncadd.s32 @!p0 s1  }
0x71: {  	[bflag:$0x3] =	sbarrier.arrive $0xFFFF  }
0x72: {  	_ =	shalt  }

</sc_bundles>
